<compile_context>
chip_gen: v7x
topology: tpu7x:2x2x1
jax: 0.10.2.dev20260603
libtpu: 0.0.44.dev20260713+nightly
codegen_flags: <defaults>
</compile_context>

<pallas_src>
import dataclasses

import jax
import jax.numpy as jnp
from jax import lax
from jax.experimental import pallas as pl
from jax.experimental.pallas import tpu as pltpu
from jax.experimental.pallas import tpu_sc as plsc

N = 10000
NPAD = 10240
E = 320000
F = 128
NC = 2
NS = 16
NW = NC * NS
EPW = E // NW
ZR = 8

CK = 128
NCHK = 80
EPT = CK * NCHK
EPAD = EPT * NW
NP2 = 10112
RP2 = NP2 // NS

_MESH = plsc.VectorSubcoreMesh(
    core_axis_name="c", subcore_axis_name="s", num_cores=NC, num_subcores=NS
)

_CP = pltpu.CompilerParams()
if "needs_layout_passes" in pltpu.CompilerParams.__dataclass_fields__:
    _CP = dataclasses.replace(_CP, needs_layout_passes=False)

_f32 = jnp.float32


def _hist_body(src_hbm, dst_hbm, do_hbm, di_hbm, sall, dall, doacc, diacc):
    cid = lax.axis_index("c")
    sid = lax.axis_index("s")
    wid = sid * NC + cid

    e0 = wid * EPW
    pltpu.sync_copy(src_hbm.at[pl.ds(e0, EPW)], sall)
    pltpu.sync_copy(dst_hbm.at[pl.ds(e0, EPW)], dall)

    @pl.loop(0, NPAD // 16)
    def _(i):
        z = jnp.zeros((16,), _f32)
        doacc[pl.ds(i * 16, 16)] = z
        diacc[pl.ds(i * 16, 16)] = z

    @pl.loop(0, EPW // 16)
    def _(r):
        si = sall[pl.ds(r * 16, 16)]
        di = dall[pl.ds(r * 16, 16)]
        one = jnp.ones((16,), _f32)
        plsc.addupdate_scatter(doacc, [si], one)
        plsc.addupdate_scatter(diacc, [di], one)

    pltpu.sync_copy(doacc, do_hbm.at[wid])
    pltpu.sync_copy(diacc, di_hbm.at[wid])


_hist = pl.kernel(
    _hist_body,
    out_type=(
        jax.ShapeDtypeStruct((NW, NPAD), _f32),
        jax.ShapeDtypeStruct((NW, NPAD), _f32),
    ),
    mesh=_MESH,
    compiler_params=_CP,
    scratch_types=[
        pltpu.VMEM((EPW,), jnp.int32),
        pltpu.VMEM((EPW,), jnp.int32),
        pltpu.VMEM((NPAD,), _f32),
        pltpu.VMEM((NPAD,), _f32),
    ],
)


def _wk_body(src_hbm, dst_hbm, nd_hbm, w_hbm, sall, dall, ndtab, wacc):
    cid = lax.axis_index("c")
    sid = lax.axis_index("s")
    wid = sid * NC + cid

    e0 = wid * EPW
    pltpu.sync_copy(src_hbm.at[pl.ds(e0, EPW)], sall)
    pltpu.sync_copy(dst_hbm.at[pl.ds(e0, EPW)], dall)
    pltpu.sync_copy(nd_hbm, ndtab)

    @pl.loop(0, NPAD // 16)
    def _(i):
        wacc[pl.ds(i * 16, 16)] = jnp.zeros((16,), _f32)

    @pl.loop(0, EPW // 16)
    def _(r):
        si = sall[pl.ds(r * 16, 16)]
        di = dall[pl.ds(r * 16, 16)]
        vals = plsc.load_gather(ndtab, [di])
        plsc.addupdate_scatter(wacc, [si], vals)

    pltpu.sync_copy(wacc, w_hbm.at[wid])


_wk = pl.kernel(
    _wk_body,
    out_type=jax.ShapeDtypeStruct((NW, NPAD), _f32),
    mesh=_MESH,
    compiler_params=_CP,
    scratch_types=[
        pltpu.VMEM((EPW,), jnp.int32),
        pltpu.VMEM((EPW,), jnp.int32),
        pltpu.VMEM((NPAD,), _f32),
        pltpu.VMEM((NPAD,), _f32),
    ],
)


def _agg_body(table_hbm, src_hbm, dst_hbm, agg_hbm,
              sall, dall, sidx0, sidx1, didx0, didx1,
              rows0, rows1, zb, acc,
              semg0, semg1, semi):
    sidx = (sidx0, sidx1)
    didx = (didx0, didx1)
    rows = (rows0, rows1)
    semg = (semg0, semg1)

    cid = lax.axis_index("c")
    sid = lax.axis_index("s")
    wid = sid * NC + cid

    e0 = wid * (EPT // 2)
    pltpu.async_copy(src_hbm.at[pl.ds(e0, EPT // 2)], sall, semi)
    pltpu.async_copy(dst_hbm.at[pl.ds(e0, EPT // 2)], dall, semi)

    @pl.loop(0, ZR)
    def _(i):
        @pl.loop(0, F // 16)
        def _(j):
            zb[i, pl.ds(j * 16, 16)] = jnp.zeros((16,), _f32)

    a0 = sid * RP2

    @pl.loop(0, RP2 // ZR)
    def _(k):
        pltpu.sync_copy(zb, acc.at[pl.ds(a0 + k * ZR, ZR)])

    pltpu.make_async_copy(src_hbm.at[pl.ds(e0, EPT // 2)], sall, semi).wait()
    pltpu.make_async_copy(dst_hbm.at[pl.ds(e0, EPT // 2)], dall, semi).wait()
    plsc.subcore_barrier()

    def rcopy(g, b):
        for k in range(CK // 32):
            sv = sall[pl.ds(g * (CK // 2) + k * 16, 16)]
            sidx[b][pl.ds(k * 32, 16)] = sv & 0xFFFF
            sidx[b][pl.ds(k * 32 + 16, 16)] = lax.shift_right_logical(sv, 16)
            dv = dall[pl.ds(g * (CK // 2) + k * 16, 16)]
            didx[b][pl.ds(k * 32, 16)] = dv & 0xFFFF
            didx[b][pl.ds(k * 32 + 16, 16)] = lax.shift_right_logical(dv, 16)

    def gstart(b):
        pltpu.async_copy(table_hbm.at[sidx[b]], rows[b], semg[b])

    def gwait(b):
        pltpu.make_async_copy(table_hbm.at[sidx[b]], rows[b], semg[b]).wait()

    def scat(b):
        pltpu.sync_copy(rows[b], acc.at[didx[b]], add=True)

    rcopy(0, 0)
    gstart(0)

    @pl.loop(0, (NCHK - 2) // 2)
    def _(it):
        g = 2 * it
        rcopy(g + 1, 1)
        gstart(1)
        gwait(0)
        scat(0)
        rcopy(g + 2, 0)
        gstart(0)
        gwait(1)
        scat(1)

    rcopy(NCHK - 1, 1)
    gstart(1)
    gwait(0)
    scat(0)
    gwait(1)
    scat(1)

    plsc.subcore_barrier()

    pltpu.sync_copy(acc.at[pl.ds(a0, RP2)], agg_hbm.at[cid, pl.ds(a0, RP2)])


_agg = pl.kernel(
    _agg_body,
    out_type=jax.ShapeDtypeStruct((NC, NP2, F), _f32),
    mesh=_MESH,
    compiler_params=_CP,
    scratch_types=[
        pltpu.VMEM((EPT // 2,), jnp.int32),
        pltpu.VMEM((EPT // 2,), jnp.int32),
        pltpu.VMEM((CK,), jnp.int32),
        pltpu.VMEM((CK,), jnp.int32),
        pltpu.VMEM((CK,), jnp.int32),
        pltpu.VMEM((CK,), jnp.int32),
        pltpu.VMEM((CK, F), _f32),
        pltpu.VMEM((CK, F), _f32),
        pltpu.VMEM((ZR, F), _f32),
        pltpu.VMEM_SHARED((NP2, F), _f32),
        pltpu.SemaphoreType.DMA,
        pltpu.SemaphoreType.DMA,
        pltpu.SemaphoreType.DMA,
    ],
)



def _prep_body(x_ref, do_ref, di_ref, xn_ref, nd1_ref, ndb_ref, nob_ref):
    deg_o = jnp.sum(do_ref[...], axis=0)
    deg_i = jnp.sum(di_ref[...], axis=0)
    no = lax.rsqrt(jnp.clip(deg_o, 1.0, None))
    nd = lax.rsqrt(jnp.clip(deg_i, 1.0, None))
    nd1_ref[...] = nd
    ndb_ref[...] = nd[:, None] * jnp.ones((1, 16), _f32)
    nob_ref[...] = no[:, None] * jnp.ones((1, 16), _f32)
    xn_ref[:N, :] = x_ref[...] * no[:N, None]
    xn_ref[N:, :] = jnp.zeros((NP2 - N, F), _f32)


def _mid_body(a_ref, ndb_ref, nob_ref, w1_ref, b1_ref, w2_ref, m2_ref):
    aggv = a_ref[0, :N, :] + a_ref[1, :N, :]
    h = jnp.dot(aggv, w1_ref[...], preferred_element_type=_f32)
    h = jax.nn.relu(h * ndb_ref[:N, 0:1] + b1_ref[...][None, :])
    h = h * nob_ref[:N, 0:1]
    m2_ref[:N, :] = jnp.dot(h, w2_ref[...], preferred_element_type=_f32)
    m2_ref[N:, :] = jnp.zeros((NP2 - N, F), _f32)


def _fin_body(a_ref, ndb_ref, nob_ref, w_ref, b2_ref, w3_ref, b3_ref, o_ref):
    aggv = a_ref[0, :N, :] + a_ref[1, :N, :]
    h2 = jax.nn.relu(aggv * ndb_ref[:N, 0:1] + b2_ref[...][None, :])
    w = jnp.sum(w_ref[...], axis=0)
    wn = w[:N, None] * nob_ref[:N, 0:1]
    u = jnp.sum(h2 * wn, axis=0)
    logits = (jnp.dot(u[None, :], w3_ref[...], preferred_element_type=_f32)
              * (1.0 / N) + b3_ref[...][None, :])
    m = jnp.max(logits, axis=1, keepdims=True)
    ex = jnp.exp(logits - m)
    o_ref[...] = ex / jnp.sum(ex, axis=1, keepdims=True)


_prep = pl.pallas_call(
    _prep_body,
    out_shape=(
        jax.ShapeDtypeStruct((NP2, F), _f32),
        jax.ShapeDtypeStruct((NPAD,), _f32),
        jax.ShapeDtypeStruct((NPAD, 16), _f32),
        jax.ShapeDtypeStruct((NPAD, 16), _f32),
    ),
)

_mid = pl.pallas_call(
    _mid_body,
    out_shape=jax.ShapeDtypeStruct((NP2, F), _f32),
)

_fin = pl.pallas_call(
    _fin_body,
    out_shape=jax.ShapeDtypeStruct((1, 16), _f32),
)


@jax.jit
def _run(in_feat, edge_index, W1, b1, W2, b2, W3, b3):
    src = edge_index[0].astype(jnp.int32)
    dst = edge_index[1].astype(jnp.int32)
    pad = N + (jnp.arange(EPAD - E, dtype=jnp.int32) % (NP2 - N))
    srcp = jnp.concatenate([src, pad])
    dstp = jnp.concatenate([dst, pad])
    src16 = srcp[:EPAD // 2] | (srcp[EPAD // 2:] << 16)
    dst16 = dstp[:EPAD // 2] | (dstp[EPAD // 2:] << 16)
    deg_o, deg_i = _hist(src, dst)
    xn, nd1, ndb, nob = _prep(in_feat, deg_o, deg_i)
    agg1 = _agg(xn, src16, dst16)
    w = _wk(src, dst, nd1)
    m2 = _mid(agg1, ndb, nob, W1, b1, W2)
    agg2 = _agg(m2, src16, dst16)
    return _fin(agg2, ndb, nob, w, b2, W3, b3)


def kernel(in_feat, edge_index, W1, b1, W2, b2, W3, b3, shape):
    return _run(in_feat, edge_index, W1, b1, W2, b2, W3, b3)

# --- scband reference (transcript-rebuilt; emitter-appended) ---
"""Pipeline reference for scband-gcn-68616397521129 (READ-ONLY COPY).

The authoritative reference and input builder live on the scoring server;
editing this copy changes nothing except your own understanding.
"""

import jax, jax.numpy as jnp
import numpy as np

N_NODES = 10000
N_EDGES = 320000
IN_FEATS = 128
H_FEATS = 128
NUM_CLASSES = 16


def _gcn_layer(x, src, dst, W, b):
    # DGL GraphConv with norm='both': h = D_in^{-1/2} * A^T * (D_out^{-1/2} * x) @ W + b
    n = x.shape[0]
    ones = jnp.ones(src.shape[0], dtype=x.dtype)
    deg_out = jnp.zeros(n, dtype=x.dtype).at[src].add(ones)
    deg_in = jnp.zeros(n, dtype=x.dtype).at[dst].add(ones)
    norm_src = jnp.clip(deg_out, 1.0, None) ** -0.5
    norm_dst = jnp.clip(deg_in, 1.0, None) ** -0.5
    h = x * norm_src[:, None]
    h = h @ W
    msgs = jnp.take(h, src, axis=0)
    agg = jnp.zeros((n, h.shape[1]), dtype=h.dtype).at[dst].add(msgs)
    return agg * norm_dst[:, None] + b


def setup_inputs(seed: int = 0) -> dict:
    key = jax.random.key(seed)
    ks = jax.random.split(key, 8)
    in_feat = jax.random.normal(ks[0], (N_NODES, IN_FEATS), dtype=jnp.float32)
    edge_index = jax.random.randint(ks[1], (2, N_EDGES), 0, N_NODES)
    W1 = jax.random.normal(ks[2], (IN_FEATS, H_FEATS * 2), dtype=jnp.float32) * (IN_FEATS ** -0.5)
    b1 = jnp.zeros((H_FEATS * 2,), dtype=jnp.float32)
    W2 = jax.random.normal(ks[3], (H_FEATS * 2, H_FEATS), dtype=jnp.float32) * ((H_FEATS * 2) ** -0.5)
    b2 = jnp.zeros((H_FEATS,), dtype=jnp.float32)
    W3 = jax.random.normal(ks[4], (H_FEATS, NUM_CLASSES), dtype=jnp.float32) * (H_FEATS ** -0.5)
    b3 = jnp.zeros((NUM_CLASSES,), dtype=jnp.float32)
    return {"in_feat": in_feat, "edge_index": edge_index, "W1": W1, "b1": b1,
            "W2": W2, "b2": b2, "W3": W3, "b3": b3, "shape": N_NODES}


def reference(in_feat, edge_index, W1, b1, W2, b2, W3, b3, shape):
    src = edge_index[0]
    dst = edge_index[1]
    h = jax.nn.relu(_gcn_layer(in_feat, src, dst, W1, b1))
    h = jax.nn.relu(_gcn_layer(h, src, dst, W2, b2))
    h = _gcn_layer(h, src, dst, W3, b3)
    # dgl.mean_nodes over a single graph -> [1, num_classes]
    g = jnp.mean(h, axis=0, keepdims=True)
    return jax.nn.softmax(g, axis=1)

if __name__ == "__main__":
    import jax
    _d = setup_inputs()
    print(jax.jit(kernel)(*tuple(_d.values())))

</pallas_src>

<mosaic_0001>
#map = affine_map<(d0, d1) -> (0)>
#map1 = affine_map<(d0, d1) -> (0, 0)>
module attributes {stable_mosaic.version = 14 : i64} {
  func.func @_wk_body(%arg0: i32, %arg1: i32, %arg2: memref<320000xi32, #tpu.memory_space<hbm>>, %arg3: memref<320000xi32, #tpu.memory_space<hbm>>, %arg4: memref<10240xf32, #tpu.memory_space<hbm>>, %arg5: memref<32x10240xf32, #tpu.memory_space<hbm>>, %arg6: memref<10000xi32, #tpu.memory_space<vmem>>, %arg7: memref<10000xi32, #tpu.memory_space<vmem>>, %arg8: memref<10240xf32, #tpu.memory_space<vmem>>, %arg9: memref<10240xf32, #tpu.memory_space<vmem>>) attributes {dimension_semantics = [#tpu.dimension_semantics<core_parallel>, #tpu.dimension_semantics<subcore_parallel>], iteration_bounds = array<i64: 2, 16>, scalar_prefetch = 0 : i64, scratch_operands = 4 : i64, tpu.core_type = #tpu.core_type<sc_vector_subcore>, window_params = [{transform_indices = #map}, {transform_indices = #map}, {transform_indices = #map}, {transform_indices = #map1}]} {
    %mul3A = arith.constant 2 : i32
    %mul3A_0 = arith.muli %arg1, %mul3A : i32
    %add3A = arith.addi %mul3A_0, %arg0 : i32
    %mul3A_1 = arith.constant 10000 : i32
    %mul3A_2 = arith.muli %add3A, %mul3A_1 : i32
    "tpu.region"() ({
      %run_scoped3A = tpu.sem_alloc : memref<!tpu.dma_semaphore, #tpu.memory_space<semaphore_mem>>
      %dma_start3A = tpu.memref_slice %arg2[%mul3A_2] : memref<320000xi32, #tpu.memory_space<hbm>> -> memref<10000xi32, #tpu.memory_space<hbm>>
      %dma_start3A_12 = tpu.memref_slice %arg2[%mul3A_2] : memref<320000xi32, #tpu.memory_space<hbm>> -> memref<10000xi32, #tpu.memory_space<hbm>>
      tpu.enqueue_dma source(%dma_start3A_12 : memref<10000xi32, #tpu.memory_space<hbm>>) target(%arg6 : memref<10000xi32, #tpu.memory_space<vmem>>) target_semaphore(%run_scoped3A : memref<!tpu.dma_semaphore, #tpu.memory_space<semaphore_mem>>)
      %dma_wait3A = tpu.memref_slice %arg2[%mul3A_2] : memref<320000xi32, #tpu.memory_space<hbm>> -> memref<10000xi32, #tpu.memory_space<hbm>>
      %dma_wait3A_13 = tpu.memref_slice %arg2[%mul3A_2] : memref<320000xi32, #tpu.memory_space<hbm>> -> memref<10000xi32, #tpu.memory_space<hbm>>
      tpu.wait_dma2 semaphore(%run_scoped3A : memref<!tpu.dma_semaphore, #tpu.memory_space<semaphore_mem>>) src(%dma_wait3A_13 : memref<10000xi32, #tpu.memory_space<hbm>>) dst(%arg6 : memref<10000xi32, #tpu.memory_space<vmem>>)
      tpu.yield
    }) : () -> ()
    "tpu.region"() ({
      %run_scoped3A = tpu.sem_alloc : memref<!tpu.dma_semaphore, #tpu.memory_space<semaphore_mem>>
      %dma_start3A = tpu.memref_slice %arg3[%mul3A_2] : memref<320000xi32, #tpu.memory_space<hbm>> -> memref<10000xi32, #tpu.memory_space<hbm>>
      %dma_start3A_12 = tpu.memref_slice %arg3[%mul3A_2] : memref<320000xi32, #tpu.memory_space<hbm>> -> memref<10000xi32, #tpu.memory_space<hbm>>
      tpu.enqueue_dma source(%dma_start3A_12 : memref<10000xi32, #tpu.memory_space<hbm>>) target(%arg7 : memref<10000xi32, #tpu.memory_space<vmem>>) target_semaphore(%run_scoped3A : memref<!tpu.dma_semaphore, #tpu.memory_space<semaphore_mem>>)
      %dma_wait3A = tpu.memref_slice %arg3[%mul3A_2] : memref<320000xi32, #tpu.memory_space<hbm>> -> memref<10000xi32, #tpu.memory_space<hbm>>
      %dma_wait3A_13 = tpu.memref_slice %arg3[%mul3A_2] : memref<320000xi32, #tpu.memory_space<hbm>> -> memref<10000xi32, #tpu.memory_space<hbm>>
      tpu.wait_dma2 semaphore(%run_scoped3A : memref<!tpu.dma_semaphore, #tpu.memory_space<semaphore_mem>>) src(%dma_wait3A_13 : memref<10000xi32, #tpu.memory_space<hbm>>) dst(%arg7 : memref<10000xi32, #tpu.memory_space<vmem>>)
      tpu.yield
    }) : () -> ()
    "tpu.region"() ({
      %run_scoped3A = tpu.sem_alloc : memref<!tpu.dma_semaphore, #tpu.memory_space<semaphore_mem>>
      tpu.enqueue_dma source(%arg4 : memref<10240xf32, #tpu.memory_space<hbm>>) target(%arg8 : memref<10240xf32, #tpu.memory_space<vmem>>) target_semaphore(%run_scoped3A : memref<!tpu.dma_semaphore, #tpu.memory_space<semaphore_mem>>)
      tpu.wait_dma2 semaphore(%run_scoped3A : memref<!tpu.dma_semaphore, #tpu.memory_space<semaphore_mem>>) src(%arg4 : memref<10240xf32, #tpu.memory_space<hbm>>) dst(%arg8 : memref<10240xf32, #tpu.memory_space<vmem>>)
      tpu.yield
    }) : () -> ()
    %scan3A = arith.constant 0 : i32
    %scan3A_3 = arith.constant 640 : i32
    %scan3A_4 = arith.addi %scan3A, %scan3A_3 : i32
    %scan3A_5 = arith.constant 1 : i32
    scf.for %scan3A_12 = %scan3A to %scan3A_4 step %scan3A_5  : i32 {
      %mul3A_13 = arith.constant 1 : i32
      %mul3A_14 = arith.muli %scan3A_12, %mul3A_13 : i32
      %add3A_15 = arith.constant 0 : i32
      %add3A_16 = arith.addi %add3A_15, %mul3A_14 : i32
      %broadcast_in_dim3A = arith.constant 0.000000e+00 : f32
      %broadcast_in_dim3A_17 = vector.broadcast %broadcast_in_dim3A : f32 to vector<16xf32>
      %mul3A_18 = arith.constant 16 : i32
      %mul3A_19 = arith.muli %add3A_16, %mul3A_18 : i32
      %swap3A = arith.index_cast %mul3A_19 : i32 to index
      %swap3A_20 = tpu.vector_load %arg9[%swap3A] {strides = array<i32>} : memref<10240xf32, #tpu.memory_space<vmem>>, vector<16xf32>,
      tpu.vector_store %arg9[%swap3A], %broadcast_in_dim3A_17 {strides = array<i32>} : memref<10240xf32, #tpu.memory_space<vmem>>, vector<16xf32>,
    }
    %scan3A_6 = arith.constant 640 : i32
    %scan3A_7 = arith.constant 0 : i32
    %scan3A_8 = arith.constant 625 : i32
    %scan3A_9 = arith.addi %scan3A_7, %scan3A_8 : i32
    %scan3A_10 = arith.constant 1 : i32
    scf.for %scan3A_12 = %scan3A_7 to %scan3A_9 step %scan3A_10  : i32 {
      %mul3A_13 = arith.constant 1 : i32
      %mul3A_14 = arith.muli %scan3A_12, %mul3A_13 : i32
      %add3A_15 = arith.constant 0 : i32
      %add3A_16 = arith.addi %add3A_15, %mul3A_14 : i32
      %mul3A_17 = arith.constant 16 : i32
      %mul3A_18 = arith.muli %add3A_16, %mul3A_17 : i32
      %get3A = arith.index_cast %mul3A_18 : i32 to index
      %get3A_19 = tpu.vector_load %arg6[%get3A] {strides = array<i32>} : memref<10000xi32, #tpu.memory_space<vmem>>, vector<16xi32>,
      %mul3A_20 = arith.constant 16 : i32
      %mul3A_21 = arith.muli %add3A_16, %mul3A_20 : i32
      %get3A_22 = arith.index_cast %mul3A_21 : i32 to index
      %get3A_23 = tpu.vector_load %arg7[%get3A_22] {strides = array<i32>} : memref<10000xi32, #tpu.memory_space<vmem>>, vector<16xi32>,
      %gather3A = tpu.vector_load_idx %arg8[%get3A_23] : memref<10240xf32, #tpu.memory_space<vmem>>[vector<16xi32>], vector<16xf32>,
      tpu.vector_store_idx %arg9[%get3A_19], %gather3A {add = true} : memref<10240xf32, #tpu.memory_space<vmem>>[vector<16xi32>], vector<16xf32>,
    }
    %scan3A_11 = arith.constant 625 : i32
    "tpu.region"() ({
      %run_scoped3A = tpu.sem_alloc : memref<!tpu.dma_semaphore, #tpu.memory_space<semaphore_mem>>
      %dma_start3A = arith.constant 0 : i32
      %dma_start3A_12 = tpu.memref_slice %arg5[%add3A, %dma_start3A] : memref<32x10240xf32, #tpu.memory_space<hbm>> -> memref<1x10240xf32, #tpu.memory_space<hbm>>
      %dma_start3A_13 = tpu.memref_squeeze %dma_start3A_12 : memref<1x10240xf32, #tpu.memory_space<hbm>> -> memref<10240xf32, #tpu.memory_space<hbm>>
      %dma_start3A_14 = arith.constant 0 : i32
      %dma_start3A_15 = tpu.memref_slice %arg5[%add3A, %dma_start3A_14] : memref<32x10240xf32, #tpu.memory_space<hbm>> -> memref<1x10240xf32, #tpu.memory_space<hbm>>
      %dma_start3A_16 = tpu.memref_squeeze %dma_start3A_15 : memref<1x10240xf32, #tpu.memory_space<hbm>> -> memref<10240xf32, #tpu.memory_space<hbm>>
      tpu.enqueue_dma source(%arg9 : memref<10240xf32, #tpu.memory_space<vmem>>) target(%dma_start3A_16 : memref<10240xf32, #tpu.memory_space<hbm>>) target_semaphore(%run_scoped3A : memref<!tpu.dma_semaphore, #tpu.memory_space<semaphore_mem>>)
      %dma_wait3A = arith.constant 0 : i32
      %dma_wait3A_17 = tpu.memref_slice %arg5[%add3A, %dma_wait3A] : memref<32x10240xf32, #tpu.memory_space<hbm>> -> memref<1x10240xf32, #tpu.memory_space<hbm>>
      %dma_wait3A_18 = tpu.memref_squeeze %dma_wait3A_17 : memref<1x10240xf32, #tpu.memory_space<hbm>> -> memref<10240xf32, #tpu.memory_space<hbm>>
      %dma_wait3A_19 = arith.constant 0 : i32
      %dma_wait3A_20 = tpu.memref_slice %arg5[%add3A, %dma_wait3A_19] : memref<32x10240xf32, #tpu.memory_space<hbm>> -> memref<1x10240xf32, #tpu.memory_space<hbm>>
      %dma_wait3A_21 = tpu.memref_squeeze %dma_wait3A_20 : memref<1x10240xf32, #tpu.memory_space<hbm>> -> memref<10240xf32, #tpu.memory_space<hbm>>
      tpu.wait_dma2 semaphore(%run_scoped3A : memref<!tpu.dma_semaphore, #tpu.memory_space<semaphore_mem>>) src(%arg9 : memref<10240xf32, #tpu.memory_space<vmem>>) dst(%dma_wait3A_21 : memref<10240xf32, #tpu.memory_space<hbm>>)
      tpu.yield
    }) : () -> ()
    return
  }
}

#map = affine_map<(d0, d1) -> (0)>
#map1 = affine_map<(d0, d1) -> (0, 0)>
module attributes {stable_mosaic.version = 14 : i64} {
  func.func @_hist_body(%arg0: i32, %arg1: i32, %arg2: memref<320000xi32, #tpu.memory_space<hbm>>, %arg3: memref<320000xi32, #tpu.memory_space<hbm>>, %arg4: memref<32x10240xf32, #tpu.memory_space<hbm>>, %arg5: memref<32x10240xf32, #tpu.memory_space<hbm>>, %arg6: memref<10000xi32, #tpu.memory_space<vmem>>, %arg7: memref<10000xi32, #tpu.memory_space<vmem>>, %arg8: memref<10240xf32, #tpu.memory_space<vmem>>, %arg9: memref<10240xf32, #tpu.memory_space<vmem>>) attributes {dimension_semantics = [#tpu.dimension_semantics<core_parallel>, #tpu.dimension_semantics<subcore_parallel>], iteration_bounds = array<i64: 2, 16>, scalar_prefetch = 0 : i64, scratch_operands = 4 : i64, tpu.core_type = #tpu.core_type<sc_vector_subcore>, window_params = [{transform_indices = #map}, {transform_indices = #map}, {transform_indices = #map1}, {transform_indices = #map1}]} {
    %mul3A = arith.constant 2 : i32
    %mul3A_0 = arith.muli %arg1, %mul3A : i32
    %add3A = arith.addi %mul3A_0, %arg0 : i32
    %mul3A_1 = arith.constant 10000 : i32
    %mul3A_2 = arith.muli %add3A, %mul3A_1 : i32
    "tpu.region"() ({
      %run_scoped3A = tpu.sem_alloc : memref<!tpu.dma_semaphore, #tpu.memory_space<semaphore_mem>>
      %dma_start3A = tpu.memref_slice %arg2[%mul3A_2] : memref<320000xi32, #tpu.memory_space<hbm>> -> memref<10000xi32, #tpu.memory_space<hbm>>
      %dma_start3A_12 = tpu.memref_slice %arg2[%mul3A_2] : memref<320000xi32, #tpu.memory_space<hbm>> -> memref<10000xi32, #tpu.memory_space<hbm>>
      tpu.enqueue_dma source(%dma_start3A_12 : memref<10000xi32, #tpu.memory_space<hbm>>) target(%arg6 : memref<10000xi32, #tpu.memory_space<vmem>>) target_semaphore(%run_scoped3A : memref<!tpu.dma_semaphore, #tpu.memory_space<semaphore_mem>>)
      %dma_wait3A = tpu.memref_slice %arg2[%mul3A_2] : memref<320000xi32, #tpu.memory_space<hbm>> -> memref<10000xi32, #tpu.memory_space<hbm>>
      %dma_wait3A_13 = tpu.memref_slice %arg2[%mul3A_2] : memref<320000xi32, #tpu.memory_space<hbm>> -> memref<10000xi32, #tpu.memory_space<hbm>>
      tpu.wait_dma2 semaphore(%run_scoped3A : memref<!tpu.dma_semaphore, #tpu.memory_space<semaphore_mem>>) src(%dma_wait3A_13 : memref<10000xi32, #tpu.memory_space<hbm>>) dst(%arg6 : memref<10000xi32, #tpu.memory_space<vmem>>)
      tpu.yield
    }) : () -> ()
    "tpu.region"() ({
      %run_scoped3A = tpu.sem_alloc : memref<!tpu.dma_semaphore, #tpu.memory_space<semaphore_mem>>
      %dma_start3A = tpu.memref_slice %arg3[%mul3A_2] : memref<320000xi32, #tpu.memory_space<hbm>> -> memref<10000xi32, #tpu.memory_space<hbm>>
      %dma_start3A_12 = tpu.memref_slice %arg3[%mul3A_2] : memref<320000xi32, #tpu.memory_space<hbm>> -> memref<10000xi32, #tpu.memory_space<hbm>>
      tpu.enqueue_dma source(%dma_start3A_12 : memref<10000xi32, #tpu.memory_space<hbm>>) target(%arg7 : memref<10000xi32, #tpu.memory_space<vmem>>) target_semaphore(%run_scoped3A : memref<!tpu.dma_semaphore, #tpu.memory_space<semaphore_mem>>)
      %dma_wait3A = tpu.memref_slice %arg3[%mul3A_2] : memref<320000xi32, #tpu.memory_space<hbm>> -> memref<10000xi32, #tpu.memory_space<hbm>>
      %dma_wait3A_13 = tpu.memref_slice %arg3[%mul3A_2] : memref<320000xi32, #tpu.memory_space<hbm>> -> memref<10000xi32, #tpu.memory_space<hbm>>
      tpu.wait_dma2 semaphore(%run_scoped3A : memref<!tpu.dma_semaphore, #tpu.memory_space<semaphore_mem>>) src(%dma_wait3A_13 : memref<10000xi32, #tpu.memory_space<hbm>>) dst(%arg7 : memref<10000xi32, #tpu.memory_space<vmem>>)
      tpu.yield
    }) : () -> ()
    %scan3A = arith.constant 0 : i32
    %scan3A_3 = arith.constant 640 : i32
    %scan3A_4 = arith.addi %scan3A, %scan3A_3 : i32
    %scan3A_5 = arith.constant 1 : i32
    scf.for %scan3A_12 = %scan3A to %scan3A_4 step %scan3A_5  : i32 {
      %mul3A_13 = arith.constant 1 : i32
      %mul3A_14 = arith.muli %scan3A_12, %mul3A_13 : i32
      %add3A_15 = arith.constant 0 : i32
      %add3A_16 = arith.addi %add3A_15, %mul3A_14 : i32
      %broadcast_in_dim3A = arith.constant 0.000000e+00 : f32
      %broadcast_in_dim3A_17 = vector.broadcast %broadcast_in_dim3A : f32 to vector<16xf32>
      %mul3A_18 = arith.constant 16 : i32
      %mul3A_19 = arith.muli %add3A_16, %mul3A_18 : i32
      %swap3A = arith.index_cast %mul3A_19 : i32 to index
      %swap3A_20 = tpu.vector_load %arg8[%swap3A] {strides = array<i32>} : memref<10240xf32, #tpu.memory_space<vmem>>, vector<16xf32>,
      tpu.vector_store %arg8[%swap3A], %broadcast_in_dim3A_17 {strides = array<i32>} : memref<10240xf32, #tpu.memory_space<vmem>>, vector<16xf32>,
      %mul3A_21 = arith.constant 16 : i32
      %mul3A_22 = arith.muli %add3A_16, %mul3A_21 : i32
      %swap3A_23 = arith.index_cast %mul3A_22 : i32 to index
      %swap3A_24 = tpu.vector_load %arg9[%swap3A_23] {strides = array<i32>} : memref<10240xf32, #tpu.memory_space<vmem>>, vector<16xf32>,
      tpu.vector_store %arg9[%swap3A_23], %broadcast_in_dim3A_17 {strides = array<i32>} : memref<10240xf32, #tpu.memory_space<vmem>>, vector<16xf32>,
    }
    %scan3A_6 = arith.constant 640 : i32
    %scan3A_7 = arith.constant 0 : i32
    %scan3A_8 = arith.constant 625 : i32
    %scan3A_9 = arith.addi %scan3A_7, %scan3A_8 : i32
    %scan3A_10 = arith.constant 1 : i32
    scf.for %scan3A_12 = %scan3A_7 to %scan3A_9 step %scan3A_10  : i32 {
      %mul3A_13 = arith.constant 1 : i32
      %mul3A_14 = arith.muli %scan3A_12, %mul3A_13 : i32
      %add3A_15 = arith.constant 0 : i32
      %add3A_16 = arith.addi %add3A_15, %mul3A_14 : i32
      %mul3A_17 = arith.constant 16 : i32
      %mul3A_18 = arith.muli %add3A_16, %mul3A_17 : i32
      %get3A = arith.index_cast %mul3A_18 : i32 to index
      %get3A_19 = tpu.vector_load %arg6[%get3A] {strides = array<i32>} : memref<10000xi32, #tpu.memory_space<vmem>>, vector<16xi32>,
      %mul3A_20 = arith.constant 16 : i32
      %mul3A_21 = arith.muli %add3A_16, %mul3A_20 : i32
      %get3A_22 = arith.index_cast %mul3A_21 : i32 to index
      %get3A_23 = tpu.vector_load %arg7[%get3A_22] {strides = array<i32>} : memref<10000xi32, #tpu.memory_space<vmem>>, vector<16xi32>,
      %broadcast_in_dim3A = arith.constant 1.000000e+00 : f32
      %broadcast_in_dim3A_24 = vector.broadcast %broadcast_in_dim3A : f32 to vector<16xf32>
      tpu.vector_store_idx %arg8[%get3A_19], %broadcast_in_dim3A_24 {add = true} : memref<10240xf32, #tpu.memory_space<vmem>>[vector<16xi32>], vector<16xf32>,
      tpu.vector_store_idx %arg9[%get3A_23], %broadcast_in_dim3A_24 {add = true} : memref<10240xf32, #tpu.memory_space<vmem>>[vector<16xi32>], vector<16xf32>,
    }
    %scan3A_11 = arith.constant 625 : i32
    "tpu.region"() ({
      %run_scoped3A = tpu.sem_alloc : memref<!tpu.dma_semaphore, #tpu.memory_space<semaphore_mem>>
      %dma_start3A = arith.constant 0 : i32
      %dma_start3A_12 = tpu.memref_slice %arg4[%add3A, %dma_start3A] : memref<32x10240xf32, #tpu.memory_space<hbm>> -> memref<1x10240xf32, #tpu.memory_space<hbm>>
      %dma_start3A_13 = tpu.memref_squeeze %dma_start3A_12 : memref<1x10240xf32, #tpu.memory_space<hbm>> -> memref<10240xf32, #tpu.memory_space<hbm>>
      %dma_start3A_14 = arith.constant 0 : i32
      %dma_start3A_15 = tpu.memref_slice %arg4[%add3A, %dma_start3A_14] : memref<32x10240xf32, #tpu.memory_space<hbm>> -> memref<1x10240xf32, #tpu.memory_space<hbm>>
      %dma_start3A_16 = tpu.memref_squeeze %dma_start3A_15 : memref<1x10240xf32, #tpu.memory_space<hbm>> -> memref<10240xf32, #tpu.memory_space<hbm>>
      tpu.enqueue_dma source(%arg8 : memref<10240xf32, #tpu.memory_space<vmem>>) target(%dma_start3A_16 : memref<10240xf32, #tpu.memory_space<hbm>>) target_semaphore(%run_scoped3A : memref<!tpu.dma_semaphore, #tpu.memory_space<semaphore_mem>>)
      %dma_wait3A = arith.constant 0 : i32
      %dma_wait3A_17 = tpu.memref_slice %arg4[%add3A, %dma_wait3A] : memref<32x10240xf32, #tpu.memory_space<hbm>> -> memref<1x10240xf32, #tpu.memory_space<hbm>>
      %dma_wait3A_18 = tpu.memref_squeeze %dma_wait3A_17 : memref<1x10240xf32, #tpu.memory_space<hbm>> -> memref<10240xf32, #tpu.memory_space<hbm>>
      %dma_wait3A_19 = arith.constant 0 : i32
      %dma_wait3A_20 = tpu.memref_slice %arg4[%add3A, %dma_wait3A_19] : memref<32x10240xf32, #tpu.memory_space<hbm>> -> memref<1x10240xf32, #tpu.memory_space<hbm>>
      %dma_wait3A_21 = tpu.memref_squeeze %dma_wait3A_20 : memref<1x10240xf32, #tpu.memory_space<hbm>> -> memref<10240xf32, #tpu.memory_space<hbm>>
      tpu.wait_dma2 semaphore(%run_scoped3A : memref<!tpu.dma_semaphore, #tpu.memory_space<semaphore_mem>>) src(%arg8 : memref<10240xf32, #tpu.memory_space<vmem>>) dst(%dma_wait3A_21 : memref<10240xf32, #tpu.memory_space<hbm>>)
      tpu.yield
    }) : () -> ()
    "tpu.region"() ({
      %run_scoped3A = tpu.sem_alloc : memref<!tpu.dma_semaphore, #tpu.memory_space<semaphore_mem>>
      %dma_start3A = arith.constant 0 : i32
      %dma_start3A_12 = tpu.memref_slice %arg5[%add3A, %dma_start3A] : memref<32x10240xf32, #tpu.memory_space<hbm>> -> memref<1x10240xf32, #tpu.memory_space<hbm>>
      %dma_start3A_13 = tpu.memref_squeeze %dma_start3A_12 : memref<1x10240xf32, #tpu.memory_space<hbm>> -> memref<10240xf32, #tpu.memory_space<hbm>>
      %dma_start3A_14 = arith.constant 0 : i32
      %dma_start3A_15 = tpu.memref_slice %arg5[%add3A, %dma_start3A_14] : memref<32x10240xf32, #tpu.memory_space<hbm>> -> memref<1x10240xf32, #tpu.memory_space<hbm>>
      %dma_start3A_16 = tpu.memref_squeeze %dma_start3A_15 : memref<1x10240xf32, #tpu.memory_space<hbm>> -> memref<10240xf32, #tpu.memory_space<hbm>>
      tpu.enqueue_dma source(%arg9 : memref<10240xf32, #tpu.memory_space<vmem>>) target(%dma_start3A_16 : memref<10240xf32, #tpu.memory_space<hbm>>) target_semaphore(%run_scoped3A : memref<!tpu.dma_semaphore, #tpu.memory_space<semaphore_mem>>)
      %dma_wait3A = arith.constant 0 : i32
      %dma_wait3A_17 = tpu.memref_slice %arg5[%add3A, %dma_wait3A] : memref<32x10240xf32, #tpu.memory_space<hbm>> -> memref<1x10240xf32, #tpu.memory_space<hbm>>
      %dma_wait3A_18 = tpu.memref_squeeze %dma_wait3A_17 : memref<1x10240xf32, #tpu.memory_space<hbm>> -> memref<10240xf32, #tpu.memory_space<hbm>>
      %dma_wait3A_19 = arith.constant 0 : i32
      %dma_wait3A_20 = tpu.memref_slice %arg5[%add3A, %dma_wait3A_19] : memref<32x10240xf32, #tpu.memory_space<hbm>> -> memref<1x10240xf32, #tpu.memory_space<hbm>>
      %dma_wait3A_21 = tpu.memref_squeeze %dma_wait3A_20 : memref<1x10240xf32, #tpu.memory_space<hbm>> -> memref<10240xf32, #tpu.memory_space<hbm>>
      tpu.wait_dma2 semaphore(%run_scoped3A : memref<!tpu.dma_semaphore, #tpu.memory_space<semaphore_mem>>) src(%arg9 : memref<10240xf32, #tpu.memory_space<vmem>>) dst(%dma_wait3A_21 : memref<10240xf32, #tpu.memory_space<hbm>>)
      tpu.yield
    }) : () -> ()
    return
  }
}

#map = affine_map<(d0, d1) -> (0, 0)>
#map1 = affine_map<(d0, d1) -> (0)>
#map2 = affine_map<(d0, d1) -> (0, 0, 0)>
module attributes {stable_mosaic.version = 14 : i64} {
  func.func @_agg_body(%arg0: i32, %arg1: i32, %arg2: memref<10112x128xf32, #tpu.memory_space<hbm>>, %arg3: memref<163840xi32, #tpu.memory_space<hbm>>, %arg4: memref<163840xi32, #tpu.memory_space<hbm>>, %arg5: memref<2x10112x128xf32, #tpu.memory_space<hbm>>, %arg6: memref<5120xi32, #tpu.memory_space<vmem>>, %arg7: memref<5120xi32, #tpu.memory_space<vmem>>, %arg8: memref<128xi32, #tpu.memory_space<vmem>>, %arg9: memref<128xi32, #tpu.memory_space<vmem>>, %arg10: memref<128xi32, #tpu.memory_space<vmem>>, %arg11: memref<128xi32, #tpu.memory_space<vmem>>, %arg12: memref<128x128xf32, #tpu.memory_space<vmem>>, %arg13: memref<128x128xf32, #tpu.memory_space<vmem>>, %arg14: memref<8x128xf32, #tpu.memory_space<vmem>>, %arg15: memref<10112x128xf32, #tpu.memory_space<vmem_shared>>, %arg16: memref<!tpu.dma_semaphore, #tpu.memory_space<semaphore_mem>>, %arg17: memref<!tpu.dma_semaphore, #tpu.memory_space<semaphore_mem>>, %arg18: memref<!tpu.dma_semaphore, #tpu.memory_space<semaphore_mem>>) attributes {dimension_semantics = [#tpu.dimension_semantics<core_parallel>, #tpu.dimension_semantics<subcore_parallel>], iteration_bounds = array<i64: 2, 16>, scalar_prefetch = 0 : i64, scratch_operands = 13 : i64, tpu.core_type = #tpu.core_type<sc_vector_subcore>, window_params = [{transform_indices = #map}, {transform_indices = #map1}, {transform_indices = #map1}, {transform_indices = #map2}]} {
    %mul3A = arith.constant 2 : i32
    %mul3A_0 = arith.muli %arg1, %mul3A : i32
    %add3A = arith.addi %mul3A_0, %arg0 : i32
    %mul3A_1 = arith.constant 5120 : i32
    %mul3A_2 = arith.muli %add3A, %mul3A_1 : i32
    %dma_start3A = tpu.memref_slice %arg3[%mul3A_2] : memref<163840xi32, #tpu.memory_space<hbm>> -> memref<5120xi32, #tpu.memory_space<hbm>>
    %dma_start3A_3 = tpu.memref_slice %arg3[%mul3A_2] : memref<163840xi32, #tpu.memory_space<hbm>> -> memref<5120xi32, #tpu.memory_space<hbm>>
    tpu.enqueue_dma source(%dma_start3A_3 : memref<5120xi32, #tpu.memory_space<hbm>>) target(%arg6 : memref<5120xi32, #tpu.memory_space<vmem>>) target_semaphore(%arg18 : memref<!tpu.dma_semaphore, #tpu.memory_space<semaphore_mem>>)
    %dma_start3A_4 = tpu.memref_slice %arg4[%mul3A_2] : memref<163840xi32, #tpu.memory_space<hbm>> -> memref<5120xi32, #tpu.memory_space<hbm>>
    %dma_start3A_5 = tpu.memref_slice %arg4[%mul3A_2] : memref<163840xi32, #tpu.memory_space<hbm>> -> memref<5120xi32, #tpu.memory_space<hbm>>
    tpu.enqueue_dma source(%dma_start3A_5 : memref<5120xi32, #tpu.memory_space<hbm>>) target(%arg7 : memref<5120xi32, #tpu.memory_space<vmem>>) target_semaphore(%arg18 : memref<!tpu.dma_semaphore, #tpu.memory_space<semaphore_mem>>)
    %scan3A = arith.constant 0 : i32
    %scan3A_6 = arith.constant 8 : i32
    %scan3A_7 = arith.addi %scan3A, %scan3A_6 : i32
    %scan3A_8 = arith.constant 1 : i32
    scf.for %scan3A_226 = %scan3A to %scan3A_7 step %scan3A_8  : i32 {
      %mul3A_227 = arith.constant 1 : i32
      %mul3A_228 = arith.muli %scan3A_226, %mul3A_227 : i32
      %add3A_229 = arith.constant 0 : i32
      %add3A_230 = arith.addi %add3A_229, %mul3A_228 : i32
      %scan3A_231 = arith.constant 0 : i32
      %scan3A_232 = arith.constant 8 : i32
      %scan3A_233 = arith.addi %scan3A_231, %scan3A_232 : i32
      %scan3A_234 = arith.constant 1 : i32
      scf.for %scan3A_236 = %scan3A_231 to %scan3A_233 step %scan3A_234  : i32 {
        %mul3A_237 = arith.constant 1 : i32
        %mul3A_238 = arith.muli %scan3A_236, %mul3A_237 : i32
        %add3A_239 = arith.constant 0 : i32
        %add3A_240 = arith.addi %add3A_239, %mul3A_238 : i32
        %broadcast_in_dim3A = arith.constant 0.000000e+00 : f32
        %broadcast_in_dim3A_241 = vector.broadcast %broadcast_in_dim3A : f32 to vector<16xf32>
        %mul3A_242 = arith.constant 16 : i32
        %mul3A_243 = arith.muli %add3A_240, %mul3A_242 : i32
        %swap3A_244 = arith.index_cast %add3A_230 : i32 to index
        %swap3A_245 = arith.index_cast %mul3A_243 : i32 to index
        %swap3A_246 = tpu.vector_load %arg14[%swap3A_244, %swap3A_245] {strides = array<i32>} : memref<8x128xf32, #tpu.memory_space<vmem>>, vector<16xf32>,
        tpu.vector_store %arg14[%swap3A_244, %swap3A_245], %broadcast_in_dim3A_241 {strides = array<i32>} : memref<8x128xf32, #tpu.memory_space<vmem>>, vector<16xf32>,
      }
      %scan3A_235 = arith.constant 8 : i32
    }
    %scan3A_9 = arith.constant 8 : i32
    %mul3A_10 = arith.constant 632 : i32
    %mul3A_11 = arith.muli %arg1, %mul3A_10 : i32
    %scan3A_12 = arith.constant 0 : i32
    %scan3A_13 = arith.constant 79 : i32
    %scan3A_14 = arith.addi %scan3A_12, %scan3A_13 : i32
    %scan3A_15 = arith.constant 1 : i32
    scf.for %scan3A_226 = %scan3A_12 to %scan3A_14 step %scan3A_15  : i32 {
      %mul3A_227 = arith.constant 1 : i32
      %mul3A_228 = arith.muli %scan3A_226, %mul3A_227 : i32
      %add3A_229 = arith.constant 0 : i32
      %add3A_230 = arith.addi %add3A_229, %mul3A_228 : i32
      %mul3A_231 = arith.constant 8 : i32
      %mul3A_232 = arith.muli %add3A_230, %mul3A_231 : i32
      %add3A_233 = arith.addi %mul3A_11, %mul3A_232 : i32
      "tpu.region"() ({
        %run_scoped3A = tpu.sem_alloc : memref<!tpu.dma_semaphore, #tpu.memory_space<semaphore_mem>>
        %dma_start3A_234 = arith.constant 0 : i32
        %dma_start3A_235 = tpu.memref_slice %arg15[%add3A_233, %dma_start3A_234] : memref<10112x128xf32, #tpu.memory_space<vmem_shared>> -> memref<8x128xf32, #tpu.memory_space<vmem_shared>>
        %dma_start3A_236 = arith.constant 0 : i32
        %dma_start3A_237 = tpu.memref_slice %arg15[%add3A_233, %dma_start3A_236] : memref<10112x128xf32, #tpu.memory_space<vmem_shared>> -> memref<8x128xf32, #tpu.memory_space<vmem_shared>>
        tpu.enqueue_dma source(%arg14 : memref<8x128xf32, #tpu.memory_space<vmem>>) target(%dma_start3A_237 : memref<8x128xf32, #tpu.memory_space<vmem_shared>>) target_semaphore(%run_scoped3A : memref<!tpu.dma_semaphore, #tpu.memory_space<semaphore_mem>>)
        %dma_wait3A_238 = arith.constant 0 : i32
        %dma_wait3A_239 = tpu.memref_slice %arg15[%add3A_233, %dma_wait3A_238] : memref<10112x128xf32, #tpu.memory_space<vmem_shared>> -> memref<8x128xf32, #tpu.memory_space<vmem_shared>>
        %dma_wait3A_240 = arith.constant 0 : i32
        %dma_wait3A_241 = tpu.memref_slice %arg15[%add3A_233, %dma_wait3A_240] : memref<10112x128xf32, #tpu.memory_space<vmem_shared>> -> memref<8x128xf32, #tpu.memory_space<vmem_shared>>
        tpu.wait_dma2 semaphore(%run_scoped3A : memref<!tpu.dma_semaphore, #tpu.memory_space<semaphore_mem>>) src(%arg14 : memref<8x128xf32, #tpu.memory_space<vmem>>) dst(%dma_wait3A_241 : memref<8x128xf32, #tpu.memory_space<vmem_shared>>)
        tpu.yield
      }) : () -> ()
    }
    %scan3A_16 = arith.constant 79 : i32
    %dma_wait3A = tpu.memref_slice %arg3[%mul3A_2] : memref<163840xi32, #tpu.memory_space<hbm>> -> memref<5120xi32, #tpu.memory_space<hbm>>
    %dma_wait3A_17 = tpu.memref_slice %arg3[%mul3A_2] : memref<163840xi32, #tpu.memory_space<hbm>> -> memref<5120xi32, #tpu.memory_space<hbm>>
    tpu.wait_dma2 semaphore(%arg18 : memref<!tpu.dma_semaphore, #tpu.memory_space<semaphore_mem>>) src(%dma_wait3A_17 : memref<5120xi32, #tpu.memory_space<hbm>>) dst(%arg6 : memref<5120xi32, #tpu.memory_space<vmem>>)
    %dma_wait3A_18 = tpu.memref_slice %arg4[%mul3A_2] : memref<163840xi32, #tpu.memory_space<hbm>> -> memref<5120xi32, #tpu.memory_space<hbm>>
    %dma_wait3A_19 = tpu.memref_slice %arg4[%mul3A_2] : memref<163840xi32, #tpu.memory_space<hbm>> -> memref<5120xi32, #tpu.memory_space<hbm>>
    tpu.wait_dma2 semaphore(%arg18 : memref<!tpu.dma_semaphore, #tpu.memory_space<semaphore_mem>>) src(%dma_wait3A_19 : memref<5120xi32, #tpu.memory_space<hbm>>) dst(%arg7 : memref<5120xi32, #tpu.memory_space<vmem>>)
    %barrier3A = arith.constant 0 : index
    tpu.barrier barrier_id(%barrier3A)
    %get3A = arith.constant 0 : index
    %get3A_20 = tpu.vector_load %arg6[%get3A] {strides = array<i32>} : memref<5120xi32, #tpu.memory_space<vmem>>, vector<16xi32>,
    %and3A = arith.constant 65535 : i32
    %and3A_21 = vector.broadcast %and3A : i32 to vector<16xi32>
    %and3A_22 = arith.andi %get3A_20, %and3A_21 : vector<16xi32>
    %swap3A = arith.constant 0 : index
    %swap3A_23 = tpu.vector_load %arg8[%swap3A] {strides = array<i32>} : memref<128xi32, #tpu.memory_space<vmem>>, vector<16xi32>,
    tpu.vector_store %arg8[%swap3A], %and3A_22 {strides = array<i32>} : memref<128xi32, #tpu.memory_space<vmem>>, vector<16xi32>,
    %shift_right_logical3A = arith.constant 16 : i32
    %shift_right_logical3A_24 = vector.broadcast %shift_right_logical3A : i32 to vector<16xi32>
    %shift_right_logical3A_25 = arith.shrui %get3A_20, %shift_right_logical3A_24 : vector<16xi32>
    %swap3A_26 = arith.constant 16 : index
    %swap3A_27 = tpu.vector_load %arg8[%swap3A_26] {strides = array<i32>} : memref<128xi32, #tpu.memory_space<vmem>>, vector<16xi32>,
    tpu.vector_store %arg8[%swap3A_26], %shift_right_logical3A_25 {strides = array<i32>} : memref<128xi32, #tpu.memory_space<vmem>>, vector<16xi32>,
    %get3A_28 = arith.constant 0 : index
    %get3A_29 = tpu.vector_load %arg7[%get3A_28] {strides = array<i32>} : memref<5120xi32, #tpu.memory_space<vmem>>, vector<16xi32>,
    %and3A_30 = arith.constant 65535 : i32
    %and3A_31 = vector.broadcast %and3A_30 : i32 to vector<16xi32>
    %and3A_32 = arith.andi %get3A_29, %and3A_31 : vector<16xi32>
    %swap3A_33 = arith.constant 0 : index
    %swap3A_34 = tpu.vector_load %arg10[%swap3A_33] {strides = array<i32>} : memref<128xi32, #tpu.memory_space<vmem>>, vector<16xi32>,
    tpu.vector_store %arg10[%swap3A_33], %and3A_32 {strides = array<i32>} : memref<128xi32, #tpu.memory_space<vmem>>, vector<16xi32>,
    %shift_right_logical3A_35 = arith.constant 16 : i32
    %shift_right_logical3A_36 = vector.broadcast %shift_right_logical3A_35 : i32 to vector<16xi32>
    %shift_right_logical3A_37 = arith.shrui %get3A_29, %shift_right_logical3A_36 : vector<16xi32>
    %swap3A_38 = arith.constant 16 : index
    %swap3A_39 = tpu.vector_load %arg10[%swap3A_38] {strides = array<i32>} : memref<128xi32, #tpu.memory_space<vmem>>, vector<16xi32>,
    tpu.vector_store %arg10[%swap3A_38], %shift_right_logical3A_37 {strides = array<i32>} : memref<128xi32, #tpu.memory_space<vmem>>, vector<16xi32>,
    %get3A_40 = arith.constant 16 : index
    %get3A_41 = tpu.vector_load %arg6[%get3A_40] {strides = array<i32>} : memref<5120xi32, #tpu.memory_space<vmem>>, vector<16xi32>,
    %and3A_42 = arith.constant 65535 : i32
    %and3A_43 = vector.broadcast %and3A_42 : i32 to vector<16xi32>
    %and3A_44 = arith.andi %get3A_41, %and3A_43 : vector<16xi32>
    %swap3A_45 = arith.constant 32 : index
    %swap3A_46 = tpu.vector_load %arg8[%swap3A_45] {strides = array<i32>} : memref<128xi32, #tpu.memory_space<vmem>>, vector<16xi32>,
    tpu.vector_store %arg8[%swap3A_45], %and3A_44 {strides = array<i32>} : memref<128xi32, #tpu.memory_space<vmem>>, vector<16xi32>,
    %shift_right_logical3A_47 = arith.constant 16 : i32
    %shift_right_logical3A_48 = vector.broadcast %shift_right_logical3A_47 : i32 to vector<16xi32>
    %shift_right_logical3A_49 = arith.shrui %get3A_41, %shift_right_logical3A_48 : vector<16xi32>
    %swap3A_50 = arith.constant 48 : index
    %swap3A_51 = tpu.vector_load %arg8[%swap3A_50] {strides = array<i32>} : memref<128xi32, #tpu.memory_space<vmem>>, vector<16xi32>,
    tpu.vector_store %arg8[%swap3A_50], %shift_right_logical3A_49 {strides = array<i32>} : memref<128xi32, #tpu.memory_space<vmem>>, vector<16xi32>,
    %get3A_52 = arith.constant 16 : index
    %get3A_53 = tpu.vector_load %arg7[%get3A_52] {strides = array<i32>} : memref<5120xi32, #tpu.memory_space<vmem>>, vector<16xi32>,
    %and3A_54 = arith.constant 65535 : i32
    %and3A_55 = vector.broadcast %and3A_54 : i32 to vector<16xi32>
    %and3A_56 = arith.andi %get3A_53, %and3A_55 : vector<16xi32>
    %swap3A_57 = arith.constant 32 : index
    %swap3A_58 = tpu.vector_load %arg10[%swap3A_57] {strides = array<i32>} : memref<128xi32, #tpu.memory_space<vmem>>, vector<16xi32>,
    tpu.vector_store %arg10[%swap3A_57], %and3A_56 {strides = array<i32>} : memref<128xi32, #tpu.memory_space<vmem>>, vector<16xi32>,
    %shift_right_logical3A_59 = arith.constant 16 : i32
    %shift_right_logical3A_60 = vector.broadcast %shift_right_logical3A_59 : i32 to vector<16xi32>
    %shift_right_logical3A_61 = arith.shrui %get3A_53, %shift_right_logical3A_60 : vector<16xi32>
    %swap3A_62 = arith.constant 48 : index
    %swap3A_63 = tpu.vector_load %arg10[%swap3A_62] {strides = array<i32>} : memref<128xi32, #tpu.memory_space<vmem>>, vector<16xi32>,
    tpu.vector_store %arg10[%swap3A_62], %shift_right_logical3A_61 {strides = array<i32>} : memref<128xi32, #tpu.memory_space<vmem>>, vector<16xi32>,
    %get3A_64 = arith.constant 32 : index
    %get3A_65 = tpu.vector_load %arg6[%get3A_64] {strides = array<i32>} : memref<5120xi32, #tpu.memory_space<vmem>>, vector<16xi32>,
    %and3A_66 = arith.constant 65535 : i32
    %and3A_67 = vector.broadcast %and3A_66 : i32 to vector<16xi32>
    %and3A_68 = arith.andi %get3A_65, %and3A_67 : vector<16xi32>
    %swap3A_69 = arith.constant 64 : index
    %swap3A_70 = tpu.vector_load %arg8[%swap3A_69] {strides = array<i32>} : memref<128xi32, #tpu.memory_space<vmem>>, vector<16xi32>,
    tpu.vector_store %arg8[%swap3A_69], %and3A_68 {strides = array<i32>} : memref<128xi32, #tpu.memory_space<vmem>>, vector<16xi32>,
    %shift_right_logical3A_71 = arith.constant 16 : i32
    %shift_right_logical3A_72 = vector.broadcast %shift_right_logical3A_71 : i32 to vector<16xi32>
    %shift_right_logical3A_73 = arith.shrui %get3A_65, %shift_right_logical3A_72 : vector<16xi32>
    %swap3A_74 = arith.constant 80 : index
    %swap3A_75 = tpu.vector_load %arg8[%swap3A_74] {strides = array<i32>} : memref<128xi32, #tpu.memory_space<vmem>>, vector<16xi32>,
    tpu.vector_store %arg8[%swap3A_74], %shift_right_logical3A_73 {strides = array<i32>} : memref<128xi32, #tpu.memory_space<vmem>>, vector<16xi32>,
    %get3A_76 = arith.constant 32 : index
    %get3A_77 = tpu.vector_load %arg7[%get3A_76] {strides = array<i32>} : memref<5120xi32, #tpu.memory_space<vmem>>, vector<16xi32>,
    %and3A_78 = arith.constant 65535 : i32
    %and3A_79 = vector.broadcast %and3A_78 : i32 to vector<16xi32>
    %and3A_80 = arith.andi %get3A_77, %and3A_79 : vector<16xi32>
    %swap3A_81 = arith.constant 64 : index
    %swap3A_82 = tpu.vector_load %arg10[%swap3A_81] {strides = array<i32>} : memref<128xi32, #tpu.memory_space<vmem>>, vector<16xi32>,
    tpu.vector_store %arg10[%swap3A_81], %and3A_80 {strides = array<i32>} : memref<128xi32, #tpu.memory_space<vmem>>, vector<16xi32>,
    %shift_right_logical3A_83 = arith.constant 16 : i32
    %shift_right_logical3A_84 = vector.broadcast %shift_right_logical3A_83 : i32 to vector<16xi32>
    %shift_right_logical3A_85 = arith.shrui %get3A_77, %shift_right_logical3A_84 : vector<16xi32>
    %swap3A_86 = arith.constant 80 : index
    %swap3A_87 = tpu.vector_load %arg10[%swap3A_86] {strides = array<i32>} : memref<128xi32, #tpu.memory_space<vmem>>, vector<16xi32>,
    tpu.vector_store %arg10[%swap3A_86], %shift_right_logical3A_85 {strides = array<i32>} : memref<128xi32, #tpu.memory_space<vmem>>, vector<16xi32>,
    %get3A_88 = arith.constant 48 : index
    %get3A_89 = tpu.vector_load %arg6[%get3A_88] {strides = array<i32>} : memref<5120xi32, #tpu.memory_space<vmem>>, vector<16xi32>,
    %and3A_90 = arith.constant 65535 : i32
    %and3A_91 = vector.broadcast %and3A_90 : i32 to vector<16xi32>
    %and3A_92 = arith.andi %get3A_89, %and3A_91 : vector<16xi32>
    %swap3A_93 = arith.constant 96 : index
    %swap3A_94 = tpu.vector_load %arg8[%swap3A_93] {strides = array<i32>} : memref<128xi32, #tpu.memory_space<vmem>>, vector<16xi32>,
    tpu.vector_store %arg8[%swap3A_93], %and3A_92 {strides = array<i32>} : memref<128xi32, #tpu.memory_space<vmem>>, vector<16xi32>,
    %shift_right_logical3A_95 = arith.constant 16 : i32
    %shift_right_logical3A_96 = vector.broadcast %shift_right_logical3A_95 : i32 to vector<16xi32>
    %shift_right_logical3A_97 = arith.shrui %get3A_89, %shift_right_logical3A_96 : vector<16xi32>
    %swap3A_98 = arith.constant 112 : index
    %swap3A_99 = tpu.vector_load %arg8[%swap3A_98] {strides = array<i32>} : memref<128xi32, #tpu.memory_space<vmem>>, vector<16xi32>,
    tpu.vector_store %arg8[%swap3A_98], %shift_right_logical3A_97 {strides = array<i32>} : memref<128xi32, #tpu.memory_space<vmem>>, vector<16xi32>,
    %get3A_100 = arith.constant 48 : index
    %get3A_101 = tpu.vector_load %arg7[%get3A_100] {strides = array<i32>} : memref<5120xi32, #tpu.memory_space<vmem>>, vector<16xi32>,
    %and3A_102 = arith.constant 65535 : i32
    %and3A_103 = vector.broadcast %and3A_102 : i32 to vector<16xi32>
    %and3A_104 = arith.andi %get3A_101, %and3A_103 : vector<16xi32>
    %swap3A_105 = arith.constant 96 : index
    %swap3A_106 = tpu.vector_load %arg10[%swap3A_105] {strides = array<i32>} : memref<128xi32, #tpu.memory_space<vmem>>, vector<16xi32>,
    tpu.vector_store %arg10[%swap3A_105], %and3A_104 {strides = array<i32>} : memref<128xi32, #tpu.memory_space<vmem>>, vector<16xi32>,
    %shift_right_logical3A_107 = arith.constant 16 : i32
    %shift_right_logical3A_108 = vector.broadcast %shift_right_logical3A_107 : i32 to vector<16xi32>
    %shift_right_logical3A_109 = arith.shrui %get3A_101, %shift_right_logical3A_108 : vector<16xi32>
    %swap3A_110 = arith.constant 112 : index
    %swap3A_111 = tpu.vector_load %arg10[%swap3A_110] {strides = array<i32>} : memref<128xi32, #tpu.memory_space<vmem>>, vector<16xi32>,
    tpu.vector_store %arg10[%swap3A_110], %shift_right_logical3A_109 {strides = array<i32>} : memref<128xi32, #tpu.memory_space<vmem>>, vector<16xi32>,
    %dma_start3A_112 = arith.constant 0 : i32
    %dma_start3A_113 = arith.constant 0 : i32
    %dma_start3A_114 = tpu.memref_slice %arg2[%dma_start3A_112, %dma_start3A_113] : memref<10112x128xf32, #tpu.memory_space<hbm>> -> memref<10112x128xf32, #tpu.memory_space<hbm>>
    tpu.enqueue_indirect_dma source(%dma_start3A_114 : memref<10112x128xf32, #tpu.memory_space<hbm>>) target(%arg12 : memref<128x128xf32, #tpu.memory_space<vmem>>) offsets(%arg8 : memref<128xi32, #tpu.memory_space<vmem>>) semaphore(%arg16 : memref<!tpu.dma_semaphore, #tpu.memory_space<semaphore_mem>>)
    %scan3A_115 = arith.constant 0 : i32
    %scan3A_116 = arith.constant 39 : i32
    %scan3A_117 = arith.addi %scan3A_115, %scan3A_116 : i32
    %scan3A_118 = arith.constant 1 : i32
    scf.for %scan3A_226 = %scan3A_115 to %scan3A_117 step %scan3A_118  : i32 {
      %mul3A_227 = arith.constant 1 : i32
      %mul3A_228 = arith.muli %scan3A_226, %mul3A_227 : i32
      %add3A_229 = arith.constant 0 : i32
      %add3A_230 = arith.addi %add3A_229, %mul3A_228 : i32
      %mul3A_231 = arith.constant 2 : i32
      %mul3A_232 = arith.muli %mul3A_231, %add3A_230 : i32
      %add3A_233 = arith.constant 1 : i32
      %add3A_234 = arith.addi %mul3A_232, %add3A_233 : i32
      %mul3A_235 = arith.constant 64 : i32
      %mul3A_236 = arith.muli %add3A_234, %mul3A_235 : i32
      %add3A_237 = arith.constant 0 : i32
      %add3A_238 = arith.addi %mul3A_236, %add3A_237 : i32
      %get3A_239 = arith.index_cast %add3A_238 : i32 to index
      %get3A_240 = tpu.vector_load %arg6[%get3A_239] {strides = array<i32>} : memref<5120xi32, #tpu.memory_space<vmem>>, vector<16xi32>,
      %and3A_241 = arith.constant 65535 : i32
      %and3A_242 = vector.broadcast %and3A_241 : i32 to vector<16xi32>
      %and3A_243 = arith.andi %get3A_240, %and3A_242 : vector<16xi32>
      %swap3A_244 = arith.constant 0 : index
      %swap3A_245 = tpu.vector_load %arg9[%swap3A_244] {strides = array<i32>} : memref<128xi32, #tpu.memory_space<vmem>>, vector<16xi32>,
      tpu.vector_store %arg9[%swap3A_244], %and3A_243 {strides = array<i32>} : memref<128xi32, #tpu.memory_space<vmem>>, vector<16xi32>,
      %shift_right_logical3A_246 = arith.constant 16 : i32
      %shift_right_logical3A_247 = vector.broadcast %shift_right_logical3A_246 : i32 to vector<16xi32>
      %shift_right_logical3A_248 = arith.shrui %get3A_240, %shift_right_logical3A_247 : vector<16xi32>
      %swap3A_249 = arith.constant 16 : index
      %swap3A_250 = tpu.vector_load %arg9[%swap3A_249] {strides = array<i32>} : memref<128xi32, #tpu.memory_space<vmem>>, vector<16xi32>,
      tpu.vector_store %arg9[%swap3A_249], %shift_right_logical3A_248 {strides = array<i32>} : memref<128xi32, #tpu.memory_space<vmem>>, vector<16xi32>,
      %mul3A_251 = arith.constant 64 : i32
      %mul3A_252 = arith.muli %add3A_234, %mul3A_251 : i32
      %add3A_253 = arith.constant 0 : i32
      %add3A_254 = arith.addi %mul3A_252, %add3A_253 : i32
      %get3A_255 = arith.index_cast %add3A_254 : i32 to index
      %get3A_256 = tpu.vector_load %arg7[%get3A_255] {strides = array<i32>} : memref<5120xi32, #tpu.memory_space<vmem>>, vector<16xi32>,
      %and3A_257 = arith.constant 65535 : i32
      %and3A_258 = vector.broadcast %and3A_257 : i32 to vector<16xi32>
      %and3A_259 = arith.andi %get3A_256, %and3A_258 : vector<16xi32>
      %swap3A_260 = arith.constant 0 : index
      %swap3A_261 = tpu.vector_load %arg11[%swap3A_260] {strides = array<i32>} : memref<128xi32, #tpu.memory_space<vmem>>, vector<16xi32>,
      tpu.vector_store %arg11[%swap3A_260], %and3A_259 {strides = array<i32>} : memref<128xi32, #tpu.memory_space<vmem>>, vector<16xi32>,
      %shift_right_logical3A_262 = arith.constant 16 : i32
      %shift_right_logical3A_263 = vector.broadcast %shift_right_logical3A_262 : i32 to vector<16xi32>
      %shift_right_logical3A_264 = arith.shrui %get3A_256, %shift_right_logical3A_263 : vector<16xi32>
      %swap3A_265 = arith.constant 16 : index
      %swap3A_266 = tpu.vector_load %arg11[%swap3A_265] {strides = array<i32>} : memref<128xi32, #tpu.memory_space<vmem>>, vector<16xi32>,
      tpu.vector_store %arg11[%swap3A_265], %shift_right_logical3A_264 {strides = array<i32>} : memref<128xi32, #tpu.memory_space<vmem>>, vector<16xi32>,
      %mul3A_267 = arith.constant 64 : i32
      %mul3A_268 = arith.muli %add3A_234, %mul3A_267 : i32
      %add3A_269 = arith.constant 16 : i32
      %add3A_270 = arith.addi %mul3A_268, %add3A_269 : i32
      %get3A_271 = arith.index_cast %add3A_270 : i32 to index
      %get3A_272 = tpu.vector_load %arg6[%get3A_271] {strides = array<i32>} : memref<5120xi32, #tpu.memory_space<vmem>>, vector<16xi32>,
      %and3A_273 = arith.constant 65535 : i32
      %and3A_274 = vector.broadcast %and3A_273 : i32 to vector<16xi32>
      %and3A_275 = arith.andi %get3A_272, %and3A_274 : vector<16xi32>
      %swap3A_276 = arith.constant 32 : index
      %swap3A_277 = tpu.vector_load %arg9[%swap3A_276] {strides = array<i32>} : memref<128xi32, #tpu.memory_space<vmem>>, vector<16xi32>,
      tpu.vector_store %arg9[%swap3A_276], %and3A_275 {strides = array<i32>} : memref<128xi32, #tpu.memory_space<vmem>>, vector<16xi32>,
      %shift_right_logical3A_278 = arith.constant 16 : i32
      %shift_right_logical3A_279 = vector.broadcast %shift_right_logical3A_278 : i32 to vector<16xi32>
      %shift_right_logical3A_280 = arith.shrui %get3A_272, %shift_right_logical3A_279 : vector<16xi32>
      %swap3A_281 = arith.constant 48 : index
      %swap3A_282 = tpu.vector_load %arg9[%swap3A_281] {strides = array<i32>} : memref<128xi32, #tpu.memory_space<vmem>>, vector<16xi32>,
      tpu.vector_store %arg9[%swap3A_281], %shift_right_logical3A_280 {strides = array<i32>} : memref<128xi32, #tpu.memory_space<vmem>>, vector<16xi32>,
      %mul3A_283 = arith.constant 64 : i32
      %mul3A_284 = arith.muli %add3A_234, %mul3A_283 : i32
      %add3A_285 = arith.constant 16 : i32
      %add3A_286 = arith.addi %mul3A_284, %add3A_285 : i32
      %get3A_287 = arith.index_cast %add3A_286 : i32 to index
      %get3A_288 = tpu.vector_load %arg7[%get3A_287] {strides = array<i32>} : memref<5120xi32, #tpu.memory_space<vmem>>, vector<16xi32>,
      %and3A_289 = arith.constant 65535 : i32
      %and3A_290 = vector.broadcast %and3A_289 : i32 to vector<16xi32>
      %and3A_291 = arith.andi %get3A_288, %and3A_290 : vector<16xi32>
      %swap3A_292 = arith.constant 32 : index
      %swap3A_293 = tpu.vector_load %arg11[%swap3A_292] {strides = array<i32>} : memref<128xi32, #tpu.memory_space<vmem>>, vector<16xi32>,
      tpu.vector_store %arg11[%swap3A_292], %and3A_291 {strides = array<i32>} : memref<128xi32, #tpu.memory_space<vmem>>, vector<16xi32>,
      %shift_right_logical3A_294 = arith.constant 16 : i32
      %shift_right_logical3A_295 = vector.broadcast %shift_right_logical3A_294 : i32 to vector<16xi32>
      %shift_right_logical3A_296 = arith.shrui %get3A_288, %shift_right_logical3A_295 : vector<16xi32>
      %swap3A_297 = arith.constant 48 : index
      %swap3A_298 = tpu.vector_load %arg11[%swap3A_297] {strides = array<i32>} : memref<128xi32, #tpu.memory_space<vmem>>, vector<16xi32>,
      tpu.vector_store %arg11[%swap3A_297], %shift_right_logical3A_296 {strides = array<i32>} : memref<128xi32, #tpu.memory_space<vmem>>, vector<16xi32>,
      %mul3A_299 = arith.constant 64 : i32
      %mul3A_300 = arith.muli %add3A_234, %mul3A_299 : i32
      %add3A_301 = arith.constant 32 : i32
      %add3A_302 = arith.addi %mul3A_300, %add3A_301 : i32
      %get3A_303 = arith.index_cast %add3A_302 : i32 to index
      %get3A_304 = tpu.vector_load %arg6[%get3A_303] {strides = array<i32>} : memref<5120xi32, #tpu.memory_space<vmem>>, vector<16xi32>,
      %and3A_305 = arith.constant 65535 : i32
      %and3A_306 = vector.broadcast %and3A_305 : i32 to vector<16xi32>
      %and3A_307 = arith.andi %get3A_304, %and3A_306 : vector<16xi32>
      %swap3A_308 = arith.constant 64 : index
      %swap3A_309 = tpu.vector_load %arg9[%swap3A_308] {strides = array<i32>} : memref<128xi32, #tpu.memory_space<vmem>>, vector<16xi32>,
      tpu.vector_store %arg9[%swap3A_308], %and3A_307 {strides = array<i32>} : memref<128xi32, #tpu.memory_space<vmem>>, vector<16xi32>,
      %shift_right_logical3A_310 = arith.constant 16 : i32
      %shift_right_logical3A_311 = vector.broadcast %shift_right_logical3A_310 : i32 to vector<16xi32>
      %shift_right_logical3A_312 = arith.shrui %get3A_304, %shift_right_logical3A_311 : vector<16xi32>
      %swap3A_313 = arith.constant 80 : index
      %swap3A_314 = tpu.vector_load %arg9[%swap3A_313] {strides = array<i32>} : memref<128xi32, #tpu.memory_space<vmem>>, vector<16xi32>,
      tpu.vector_store %arg9[%swap3A_313], %shift_right_logical3A_312 {strides = array<i32>} : memref<128xi32, #tpu.memory_space<vmem>>, vector<16xi32>,
      %mul3A_315 = arith.constant 64 : i32
      %mul3A_316 = arith.muli %add3A_234, %mul3A_315 : i32
      %add3A_317 = arith.constant 32 : i32
      %add3A_318 = arith.addi %mul3A_316, %add3A_317 : i32
      %get3A_319 = arith.index_cast %add3A_318 : i32 to index
      %get3A_320 = tpu.vector_load %arg7[%get3A_319] {strides = array<i32>} : memref<5120xi32, #tpu.memory_space<vmem>>, vector<16xi32>,
      %and3A_321 = arith.constant 65535 : i32
      %and3A_322 = vector.broadcast %and3A_321 : i32 to vector<16xi32>
      %and3A_323 = arith.andi %get3A_320, %and3A_322 : vector<16xi32>
      %swap3A_324 = arith.constant 64 : index
      %swap3A_325 = tpu.vector_load %arg11[%swap3A_324] {strides = array<i32>} : memref<128xi32, #tpu.memory_space<vmem>>, vector<16xi32>,
      tpu.vector_store %arg11[%swap3A_324], %and3A_323 {strides = array<i32>} : memref<128xi32, #tpu.memory_space<vmem>>, vector<16xi32>,
      %shift_right_logical3A_326 = arith.constant 16 : i32
      %shift_right_logical3A_327 = vector.broadcast %shift_right_logical3A_326 : i32 to vector<16xi32>
      %shift_right_logical3A_328 = arith.shrui %get3A_320, %shift_right_logical3A_327 : vector<16xi32>
      %swap3A_329 = arith.constant 80 : index
      %swap3A_330 = tpu.vector_load %arg11[%swap3A_329] {strides = array<i32>} : memref<128xi32, #tpu.memory_space<vmem>>, vector<16xi32>,
      tpu.vector_store %arg11[%swap3A_329], %shift_right_logical3A_328 {strides = array<i32>} : memref<128xi32, #tpu.memory_space<vmem>>, vector<16xi32>,
      %mul3A_331 = arith.constant 64 : i32
      %mul3A_332 = arith.muli %add3A_234, %mul3A_331 : i32
      %add3A_333 = arith.constant 48 : i32
      %add3A_334 = arith.addi %mul3A_332, %add3A_333 : i32
      %get3A_335 = arith.index_cast %add3A_334 : i32 to index
      %get3A_336 = tpu.vector_load %arg6[%get3A_335] {strides = array<i32>} : memref<5120xi32, #tpu.memory_space<vmem>>, vector<16xi32>,
      %and3A_337 = arith.constant 65535 : i32
      %and3A_338 = vector.broadcast %and3A_337 : i32 to vector<16xi32>
      %and3A_339 = arith.andi %get3A_336, %and3A_338 : vector<16xi32>
      %swap3A_340 = arith.constant 96 : index
      %swap3A_341 = tpu.vector_load %arg9[%swap3A_340] {strides = array<i32>} : memref<128xi32, #tpu.memory_space<vmem>>, vector<16xi32>,
      tpu.vector_store %arg9[%swap3A_340], %and3A_339 {strides = array<i32>} : memref<128xi32, #tpu.memory_space<vmem>>, vector<16xi32>,
      %shift_right_logical3A_342 = arith.constant 16 : i32
      %shift_right_logical3A_343 = vector.broadcast %shift_right_logical3A_342 : i32 to vector<16xi32>
      %shift_right_logical3A_344 = arith.shrui %get3A_336, %shift_right_logical3A_343 : vector<16xi32>
      %swap3A_345 = arith.constant 112 : index
      %swap3A_346 = tpu.vector_load %arg9[%swap3A_345] {strides = array<i32>} : memref<128xi32, #tpu.memory_space<vmem>>, vector<16xi32>,
      tpu.vector_store %arg9[%swap3A_345], %shift_right_logical3A_344 {strides = array<i32>} : memref<128xi32, #tpu.memory_space<vmem>>, vector<16xi32>,
      %mul3A_347 = arith.constant 64 : i32
      %mul3A_348 = arith.muli %add3A_234, %mul3A_347 : i32
      %add3A_349 = arith.constant 48 : i32
      %add3A_350 = arith.addi %mul3A_348, %add3A_349 : i32
      %get3A_351 = arith.index_cast %add3A_350 : i32 to index
      %get3A_352 = tpu.vector_load %arg7[%get3A_351] {strides = array<i32>} : memref<5120xi32, #tpu.memory_space<vmem>>, vector<16xi32>,
      %and3A_353 = arith.constant 65535 : i32
      %and3A_354 = vector.broadcast %and3A_353 : i32 to vector<16xi32>
      %and3A_355 = arith.andi %get3A_352, %and3A_354 : vector<16xi32>
      %swap3A_356 = arith.constant 96 : index
      %swap3A_357 = tpu.vector_load %arg11[%swap3A_356] {strides = array<i32>} : memref<128xi32, #tpu.memory_space<vmem>>, vector<16xi32>,
      tpu.vector_store %arg11[%swap3A_356], %and3A_355 {strides = array<i32>} : memref<128xi32, #tpu.memory_space<vmem>>, vector<16xi32>,
      %shift_right_logical3A_358 = arith.constant 16 : i32
      %shift_right_logical3A_359 = vector.broadcast %shift_right_logical3A_358 : i32 to vector<16xi32>
      %shift_right_logical3A_360 = arith.shrui %get3A_352, %shift_right_logical3A_359 : vector<16xi32>
      %swap3A_361 = arith.constant 112 : index
      %swap3A_362 = tpu.vector_load %arg11[%swap3A_361] {strides = array<i32>} : memref<128xi32, #tpu.memory_space<vmem>>, vector<16xi32>,
      tpu.vector_store %arg11[%swap3A_361], %shift_right_logical3A_360 {strides = array<i32>} : memref<128xi32, #tpu.memory_space<vmem>>, vector<16xi32>,
      %dma_start3A_363 = arith.constant 0 : i32
      %dma_start3A_364 = arith.constant 0 : i32
      %dma_start3A_365 = tpu.memref_slice %arg2[%dma_start3A_363, %dma_start3A_364] : memref<10112x128xf32, #tpu.memory_space<hbm>> -> memref<10112x128xf32, #tpu.memory_space<hbm>>
      tpu.enqueue_indirect_dma source(%dma_start3A_365 : memref<10112x128xf32, #tpu.memory_space<hbm>>) target(%arg13 : memref<128x128xf32, #tpu.memory_space<vmem>>) offsets(%arg9 : memref<128xi32, #tpu.memory_space<vmem>>) semaphore(%arg17 : memref<!tpu.dma_semaphore, #tpu.memory_space<semaphore_mem>>)
      %dma_wait3A_366 = arith.constant 0 : i32
      %dma_wait3A_367 = arith.constant 0 : i32
      %dma_wait3A_368 = tpu.memref_slice %arg2[%dma_wait3A_366, %dma_wait3A_367] : memref<10112x128xf32, #tpu.memory_space<hbm>> -> memref<10112x128xf32, #tpu.memory_space<hbm>>
      tpu.wait_indirect_dma semaphore(%arg16 : memref<!tpu.dma_semaphore, #tpu.memory_space<semaphore_mem>>) src(%dma_wait3A_368 : memref<10112x128xf32, #tpu.memory_space<hbm>>) dst(%arg12 : memref<128x128xf32, #tpu.memory_space<vmem>>)
      "tpu.region"() ({
        %run_scoped3A = tpu.sem_alloc : memref<!tpu.dma_semaphore, #tpu.memory_space<semaphore_mem>>
        %dma_start3A_505 = arith.constant 0 : i32
        %dma_start3A_506 = arith.constant 0 : i32
        %dma_start3A_507 = tpu.memref_slice %arg15[%dma_start3A_505, %dma_start3A_506] : memref<10112x128xf32, #tpu.memory_space<vmem_shared>> -> memref<10112x128xf32, #tpu.memory_space<vmem_shared>>
        tpu.enqueue_indirect_dma source(%arg12 : memref<128x128xf32, #tpu.memory_space<vmem>>) target(%dma_start3A_507 : memref<10112x128xf32, #tpu.memory_space<vmem_shared>>) offsets(%arg10 : memref<128xi32, #tpu.memory_space<vmem>>) semaphore(%run_scoped3A : memref<!tpu.dma_semaphore, #tpu.memory_space<semaphore_mem>>) {add = true}
        %dma_wait3A_508 = arith.constant 0 : i32
        %dma_wait3A_509 = arith.constant 0 : i32
        %dma_wait3A_510 = tpu.memref_slice %arg15[%dma_wait3A_508, %dma_wait3A_509] : memref<10112x128xf32, #tpu.memory_space<vmem_shared>> -> memref<10112x128xf32, #tpu.memory_space<vmem_shared>>
        tpu.wait_indirect_dma semaphore(%run_scoped3A : memref<!tpu.dma_semaphore, #tpu.memory_space<semaphore_mem>>) src(%arg12 : memref<128x128xf32, #tpu.memory_space<vmem>>) dst(%dma_wait3A_510 : memref<10112x128xf32, #tpu.memory_space<vmem_shared>>)
        tpu.yield
      }) : () -> ()
      %add3A_369 = arith.constant 2 : i32
      %add3A_370 = arith.addi %mul3A_232, %add3A_369 : i32
      %mul3A_371 = arith.constant 64 : i32
      %mul3A_372 = arith.muli %add3A_370, %mul3A_371 : i32
      %add3A_373 = arith.constant 0 : i32
      %add3A_374 = arith.addi %mul3A_372, %add3A_373 : i32
      %get3A_375 = arith.index_cast %add3A_374 : i32 to index
      %get3A_376 = tpu.vector_load %arg6[%get3A_375] {strides = array<i32>} : memref<5120xi32, #tpu.memory_space<vmem>>, vector<16xi32>,
      %and3A_377 = arith.constant 65535 : i32
      %and3A_378 = vector.broadcast %and3A_377 : i32 to vector<16xi32>
      %and3A_379 = arith.andi %get3A_376, %and3A_378 : vector<16xi32>
      %swap3A_380 = arith.constant 0 : index
      %swap3A_381 = tpu.vector_load %arg8[%swap3A_380] {strides = array<i32>} : memref<128xi32, #tpu.memory_space<vmem>>, vector<16xi32>,
      tpu.vector_store %arg8[%swap3A_380], %and3A_379 {strides = array<i32>} : memref<128xi32, #tpu.memory_space<vmem>>, vector<16xi32>,
      %shift_right_logical3A_382 = arith.constant 16 : i32
      %shift_right_logical3A_383 = vector.broadcast %shift_right_logical3A_382 : i32 to vector<16xi32>
      %shift_right_logical3A_384 = arith.shrui %get3A_376, %shift_right_logical3A_383 : vector<16xi32>
      %swap3A_385 = arith.constant 16 : index
      %swap3A_386 = tpu.vector_load %arg8[%swap3A_385] {strides = array<i32>} : memref<128xi32, #tpu.memory_space<vmem>>, vector<16xi32>,
      tpu.vector_store %arg8[%swap3A_385], %shift_right_logical3A_384 {strides = array<i32>} : memref<128xi32, #tpu.memory_space<vmem>>, vector<16xi32>,
      %mul3A_387 = arith.constant 64 : i32
      %mul3A_388 = arith.muli %add3A_370, %mul3A_387 : i32
      %add3A_389 = arith.constant 0 : i32
      %add3A_390 = arith.addi %mul3A_388, %add3A_389 : i32
      %get3A_391 = arith.index_cast %add3A_390 : i32 to index
      %get3A_392 = tpu.vector_load %arg7[%get3A_391] {strides = array<i32>} : memref<5120xi32, #tpu.memory_space<vmem>>, vector<16xi32>,
      %and3A_393 = arith.constant 65535 : i32
      %and3A_394 = vector.broadcast %and3A_393 : i32 to vector<16xi32>
      %and3A_395 = arith.andi %get3A_392, %and3A_394 : vector<16xi32>
      %swap3A_396 = arith.constant 0 : index
      %swap3A_397 = tpu.vector_load %arg10[%swap3A_396] {strides = array<i32>} : memref<128xi32, #tpu.memory_space<vmem>>, vector<16xi32>,
      tpu.vector_store %arg10[%swap3A_396], %and3A_395 {strides = array<i32>} : memref<128xi32, #tpu.memory_space<vmem>>, vector<16xi32>,
      %shift_right_logical3A_398 = arith.constant 16 : i32
      %shift_right_logical3A_399 = vector.broadcast %shift_right_logical3A_398 : i32 to vector<16xi32>
      %shift_right_logical3A_400 = arith.shrui %get3A_392, %shift_right_logical3A_399 : vector<16xi32>
      %swap3A_401 = arith.constant 16 : index
      %swap3A_402 = tpu.vector_load %arg10[%swap3A_401] {strides = array<i32>} : memref<128xi32, #tpu.memory_space<vmem>>, vector<16xi32>,
      tpu.vector_store %arg10[%swap3A_401], %shift_right_logical3A_400 {strides = array<i32>} : memref<128xi32, #tpu.memory_space<vmem>>, vector<16xi32>,
      %mul3A_403 = arith.constant 64 : i32
      %mul3A_404 = arith.muli %add3A_370, %mul3A_403 : i32
      %add3A_405 = arith.constant 16 : i32
      %add3A_406 = arith.addi %mul3A_404, %add3A_405 : i32
      %get3A_407 = arith.index_cast %add3A_406 : i32 to index
      %get3A_408 = tpu.vector_load %arg6[%get3A_407] {strides = array<i32>} : memref<5120xi32, #tpu.memory_space<vmem>>, vector<16xi32>,
      %and3A_409 = arith.constant 65535 : i32
      %and3A_410 = vector.broadcast %and3A_409 : i32 to vector<16xi32>
      %and3A_411 = arith.andi %get3A_408, %and3A_410 : vector<16xi32>
      %swap3A_412 = arith.constant 32 : index
      %swap3A_413 = tpu.vector_load %arg8[%swap3A_412] {strides = array<i32>} : memref<128xi32, #tpu.memory_space<vmem>>, vector<16xi32>,
      tpu.vector_store %arg8[%swap3A_412], %and3A_411 {strides = array<i32>} : memref<128xi32, #tpu.memory_space<vmem>>, vector<16xi32>,
      %shift_right_logical3A_414 = arith.constant 16 : i32
      %shift_right_logical3A_415 = vector.broadcast %shift_right_logical3A_414 : i32 to vector<16xi32>
      %shift_right_logical3A_416 = arith.shrui %get3A_408, %shift_right_logical3A_415 : vector<16xi32>
      %swap3A_417 = arith.constant 48 : index
      %swap3A_418 = tpu.vector_load %arg8[%swap3A_417] {strides = array<i32>} : memref<128xi32, #tpu.memory_space<vmem>>, vector<16xi32>,
      tpu.vector_store %arg8[%swap3A_417], %shift_right_logical3A_416 {strides = array<i32>} : memref<128xi32, #tpu.memory_space<vmem>>, vector<16xi32>,
      %mul3A_419 = arith.constant 64 : i32
      %mul3A_420 = arith.muli %add3A_370, %mul3A_419 : i32
      %add3A_421 = arith.constant 16 : i32
      %add3A_422 = arith.addi %mul3A_420, %add3A_421 : i32
      %get3A_423 = arith.index_cast %add3A_422 : i32 to index
      %get3A_424 = tpu.vector_load %arg7[%get3A_423] {strides = array<i32>} : memref<5120xi32, #tpu.memory_space<vmem>>, vector<16xi32>,
      %and3A_425 = arith.constant 65535 : i32
      %and3A_426 = vector.broadcast %and3A_425 : i32 to vector<16xi32>
      %and3A_427 = arith.andi %get3A_424, %and3A_426 : vector<16xi32>
      %swap3A_428 = arith.constant 32 : index
      %swap3A_429 = tpu.vector_load %arg10[%swap3A_428] {strides = array<i32>} : memref<128xi32, #tpu.memory_space<vmem>>, vector<16xi32>,
      tpu.vector_store %arg10[%swap3A_428], %and3A_427 {strides = array<i32>} : memref<128xi32, #tpu.memory_space<vmem>>, vector<16xi32>,
      %shift_right_logical3A_430 = arith.constant 16 : i32
      %shift_right_logical3A_431 = vector.broadcast %shift_right_logical3A_430 : i32 to vector<16xi32>
      %shift_right_logical3A_432 = arith.shrui %get3A_424, %shift_right_logical3A_431 : vector<16xi32>
      %swap3A_433 = arith.constant 48 : index
      %swap3A_434 = tpu.vector_load %arg10[%swap3A_433] {strides = array<i32>} : memref<128xi32, #tpu.memory_space<vmem>>, vector<16xi32>,
      tpu.vector_store %arg10[%swap3A_433], %shift_right_logical3A_432 {strides = array<i32>} : memref<128xi32, #tpu.memory_space<vmem>>, vector<16xi32>,
      %mul3A_435 = arith.constant 64 : i32
      %mul3A_436 = arith.muli %add3A_370, %mul3A_435 : i32
      %add3A_437 = arith.constant 32 : i32
      %add3A_438 = arith.addi %mul3A_436, %add3A_437 : i32
      %get3A_439 = arith.index_cast %add3A_438 : i32 to index
      %get3A_440 = tpu.vector_load %arg6[%get3A_439] {strides = array<i32>} : memref<5120xi32, #tpu.memory_space<vmem>>, vector<16xi32>,
      %and3A_441 = arith.constant 65535 : i32
      %and3A_442 = vector.broadcast %and3A_441 : i32 to vector<16xi32>
      %and3A_443 = arith.andi %get3A_440, %and3A_442 : vector<16xi32>
      %swap3A_444 = arith.constant 64 : index
      %swap3A_445 = tpu.vector_load %arg8[%swap3A_444] {strides = array<i32>} : memref<128xi32, #tpu.memory_space<vmem>>, vector<16xi32>,
      tpu.vector_store %arg8[%swap3A_444], %and3A_443 {strides = array<i32>} : memref<128xi32, #tpu.memory_space<vmem>>, vector<16xi32>,
      %shift_right_logical3A_446 = arith.constant 16 : i32
      %shift_right_logical3A_447 = vector.broadcast %shift_right_logical3A_446 : i32 to vector<16xi32>
      %shift_right_logical3A_448 = arith.shrui %get3A_440, %shift_right_logical3A_447 : vector<16xi32>
      %swap3A_449 = arith.constant 80 : index
      %swap3A_450 = tpu.vector_load %arg8[%swap3A_449] {strides = array<i32>} : memref<128xi32, #tpu.memory_space<vmem>>, vector<16xi32>,
      tpu.vector_store %arg8[%swap3A_449], %shift_right_logical3A_448 {strides = array<i32>} : memref<128xi32, #tpu.memory_space<vmem>>, vector<16xi32>,
      %mul3A_451 = arith.constant 64 : i32
      %mul3A_452 = arith.muli %add3A_370, %mul3A_451 : i32
      %add3A_453 = arith.constant 32 : i32
      %add3A_454 = arith.addi %mul3A_452, %add3A_453 : i32
      %get3A_455 = arith.index_cast %add3A_454 : i32 to index
      %get3A_456 = tpu.vector_load %arg7[%get3A_455] {strides = array<i32>} : memref<5120xi32, #tpu.memory_space<vmem>>, vector<16xi32>,
      %and3A_457 = arith.constant 65535 : i32
      %and3A_458 = vector.broadcast %and3A_457 : i32 to vector<16xi32>
      %and3A_459 = arith.andi %get3A_456, %and3A_458 : vector<16xi32>
      %swap3A_460 = arith.constant 64 : index
      %swap3A_461 = tpu.vector_load %arg10[%swap3A_460] {strides = array<i32>} : memref<128xi32, #tpu.memory_space<vmem>>, vector<16xi32>,
      tpu.vector_store %arg10[%swap3A_460], %and3A_459 {strides = array<i32>} : memref<128xi32, #tpu.memory_space<vmem>>, vector<16xi32>,
      %shift_right_logical3A_462 = arith.constant 16 : i32
      %shift_right_logical3A_463 = vector.broadcast %shift_right_logical3A_462 : i32 to vector<16xi32>
      %shift_right_logical3A_464 = arith.shrui %get3A_456, %shift_right_logical3A_463 : vector<16xi32>
      %swap3A_465 = arith.constant 80 : index
      %swap3A_466 = tpu.vector_load %arg10[%swap3A_465] {strides = array<i32>} : memref<128xi32, #tpu.memory_space<vmem>>, vector<16xi32>,
      tpu.vector_store %arg10[%swap3A_465], %shift_right_logical3A_464 {strides = array<i32>} : memref<128xi32, #tpu.memory_space<vmem>>, vector<16xi32>,
      %mul3A_467 = arith.constant 64 : i32
      %mul3A_468 = arith.muli %add3A_370, %mul3A_467 : i32
      %add3A_469 = arith.constant 48 : i32
      %add3A_470 = arith.addi %mul3A_468, %add3A_469 : i32
      %get3A_471 = arith.index_cast %add3A_470 : i32 to index
      %get3A_472 = tpu.vector_load %arg6[%get3A_471] {strides = array<i32>} : memref<5120xi32, #tpu.memory_space<vmem>>, vector<16xi32>,
      %and3A_473 = arith.constant 65535 : i32
      %and3A_474 = vector.broadcast %and3A_473 : i32 to vector<16xi32>
      %and3A_475 = arith.andi %get3A_472, %and3A_474 : vector<16xi32>
      %swap3A_476 = arith.constant 96 : index
      %swap3A_477 = tpu.vector_load %arg8[%swap3A_476] {strides = array<i32>} : memref<128xi32, #tpu.memory_space<vmem>>, vector<16xi32>,
      tpu.vector_store %arg8[%swap3A_476], %and3A_475 {strides = array<i32>} : memref<128xi32, #tpu.memory_space<vmem>>, vector<16xi32>,
      %shift_right_logical3A_478 = arith.constant 16 : i32
      %shift_right_logical3A_479 = vector.broadcast %shift_right_logical3A_478 : i32 to vector<16xi32>
      %shift_right_logical3A_480 = arith.shrui %get3A_472, %shift_right_logical3A_479 : vector<16xi32>
      %swap3A_481 = arith.constant 112 : index
      %swap3A_482 = tpu.vector_load %arg8[%swap3A_481] {strides = array<i32>} : memref<128xi32, #tpu.memory_space<vmem>>, vector<16xi32>,
      tpu.vector_store %arg8[%swap3A_481], %shift_right_logical3A_480 {strides = array<i32>} : memref<128xi32, #tpu.memory_space<vmem>>, vector<16xi32>,
      %mul3A_483 = arith.constant 64 : i32
      %mul3A_484 = arith.muli %add3A_370, %mul3A_483 : i32
      %add3A_485 = arith.constant 48 : i32
      %add3A_486 = arith.addi %mul3A_484, %add3A_485 : i32
      %get3A_487 = arith.index_cast %add3A_486 : i32 to index
      %get3A_488 = tpu.vector_load %arg7[%get3A_487] {strides = array<i32>} : memref<5120xi32, #tpu.memory_space<vmem>>, vector<16xi32>,
      %and3A_489 = arith.constant 65535 : i32
      %and3A_490 = vector.broadcast %and3A_489 : i32 to vector<16xi32>
      %and3A_491 = arith.andi %get3A_488, %and3A_490 : vector<16xi32>
      %swap3A_492 = arith.constant 96 : index
      %swap3A_493 = tpu.vector_load %arg10[%swap3A_492] {strides = array<i32>} : memref<128xi32, #tpu.memory_space<vmem>>, vector<16xi32>,
      tpu.vector_store %arg10[%swap3A_492], %and3A_491 {strides = array<i32>} : memref<128xi32, #tpu.memory_space<vmem>>, vector<16xi32>,
      %shift_right_logical3A_494 = arith.constant 16 : i32
      %shift_right_logical3A_495 = vector.broadcast %shift_right_logical3A_494 : i32 to vector<16xi32>
      %shift_right_logical3A_496 = arith.shrui %get3A_488, %shift_right_logical3A_495 : vector<16xi32>
      %swap3A_497 = arith.constant 112 : index
      %swap3A_498 = tpu.vector_load %arg10[%swap3A_497] {strides = array<i32>} : memref<128xi32, #tpu.memory_space<vmem>>, vector<16xi32>,
      tpu.vector_store %arg10[%swap3A_497], %shift_right_logical3A_496 {strides = array<i32>} : memref<128xi32, #tpu.memory_space<vmem>>, vector<16xi32>,
      %dma_start3A_499 = arith.constant 0 : i32
      %dma_start3A_500 = arith.constant 0 : i32
      %dma_start3A_501 = tpu.memref_slice %arg2[%dma_start3A_499, %dma_start3A_500] : memref<10112x128xf32, #tpu.memory_space<hbm>> -> memref<10112x128xf32, #tpu.memory_space<hbm>>
      tpu.enqueue_indirect_dma source(%dma_start3A_501 : memref<10112x128xf32, #tpu.memory_space<hbm>>) target(%arg12 : memref<128x128xf32, #tpu.memory_space<vmem>>) offsets(%arg8 : memref<128xi32, #tpu.memory_space<vmem>>) semaphore(%arg16 : memref<!tpu.dma_semaphore, #tpu.memory_space<semaphore_mem>>)
      %dma_wait3A_502 = arith.constant 0 : i32
      %dma_wait3A_503 = arith.constant 0 : i32
      %dma_wait3A_504 = tpu.memref_slice %arg2[%dma_wait3A_502, %dma_wait3A_503] : memref<10112x128xf32, #tpu.memory_space<hbm>> -> memref<10112x128xf32, #tpu.memory_space<hbm>>
      tpu.wait_indirect_dma semaphore(%arg17 : memref<!tpu.dma_semaphore, #tpu.memory_space<semaphore_mem>>) src(%dma_wait3A_504 : memref<10112x128xf32, #tpu.memory_space<hbm>>) dst(%arg13 : memref<128x128xf32, #tpu.memory_space<vmem>>)
      "tpu.region"() ({
        %run_scoped3A = tpu.sem_alloc : memref<!tpu.dma_semaphore, #tpu.memory_space<semaphore_mem>>
        %dma_start3A_505 = arith.constant 0 : i32
        %dma_start3A_506 = arith.constant 0 : i32
        %dma_start3A_507 = tpu.memref_slice %arg15[%dma_start3A_505, %dma_start3A_506] : memref<10112x128xf32, #tpu.memory_space<vmem_shared>> -> memref<10112x128xf32, #tpu.memory_space<vmem_shared>>
        tpu.enqueue_indirect_dma source(%arg13 : memref<128x128xf32, #tpu.memory_space<vmem>>) target(%dma_start3A_507 : memref<10112x128xf32, #tpu.memory_space<vmem_shared>>) offsets(%arg11 : memref<128xi32, #tpu.memory_space<vmem>>) semaphore(%run_scoped3A : memref<!tpu.dma_semaphore, #tpu.memory_space<semaphore_mem>>) {add = true}
        %dma_wait3A_508 = arith.constant 0 : i32
        %dma_wait3A_509 = arith.constant 0 : i32
        %dma_wait3A_510 = tpu.memref_slice %arg15[%dma_wait3A_508, %dma_wait3A_509] : memref<10112x128xf32, #tpu.memory_space<vmem_shared>> -> memref<10112x128xf32, #tpu.memory_space<vmem_shared>>
        tpu.wait_indirect_dma semaphore(%run_scoped3A : memref<!tpu.dma_semaphore, #tpu.memory_space<semaphore_mem>>) src(%arg13 : memref<128x128xf32, #tpu.memory_space<vmem>>) dst(%dma_wait3A_510 : memref<10112x128xf32, #tpu.memory_space<vmem_shared>>)
        tpu.yield
      }) : () -> ()
    }
    %scan3A_119 = arith.constant 39 : i32
    %get3A_120 = arith.constant 5056 : index
    %get3A_121 = tpu.vector_load %arg6[%get3A_120] {strides = array<i32>} : memref<5120xi32, #tpu.memory_space<vmem>>, vector<16xi32>,
    %and3A_122 = arith.constant 65535 : i32
    %and3A_123 = vector.broadcast %and3A_122 : i32 to vector<16xi32>
    %and3A_124 = arith.andi %get3A_121, %and3A_123 : vector<16xi32>
    %swap3A_125 = arith.constant 0 : index
    %swap3A_126 = tpu.vector_load %arg9[%swap3A_125] {strides = array<i32>} : memref<128xi32, #tpu.memory_space<vmem>>, vector<16xi32>,
    tpu.vector_store %arg9[%swap3A_125], %and3A_124 {strides = array<i32>} : memref<128xi32, #tpu.memory_space<vmem>>, vector<16xi32>,
    %shift_right_logical3A_127 = arith.constant 16 : i32
    %shift_right_logical3A_128 = vector.broadcast %shift_right_logical3A_127 : i32 to vector<16xi32>
    %shift_right_logical3A_129 = arith.shrui %get3A_121, %shift_right_logical3A_128 : vector<16xi32>
    %swap3A_130 = arith.constant 16 : index
    %swap3A_131 = tpu.vector_load %arg9[%swap3A_130] {strides = array<i32>} : memref<128xi32, #tpu.memory_space<vmem>>, vector<16xi32>,
    tpu.vector_store %arg9[%swap3A_130], %shift_right_logical3A_129 {strides = array<i32>} : memref<128xi32, #tpu.memory_space<vmem>>, vector<16xi32>,
    %get3A_132 = arith.constant 5056 : index
    %get3A_133 = tpu.vector_load %arg7[%get3A_132] {strides = array<i32>} : memref<5120xi32, #tpu.memory_space<vmem>>, vector<16xi32>,
    %and3A_134 = arith.constant 65535 : i32
    %and3A_135 = vector.broadcast %and3A_134 : i32 to vector<16xi32>
    %and3A_136 = arith.andi %get3A_133, %and3A_135 : vector<16xi32>
    %swap3A_137 = arith.constant 0 : index
    %swap3A_138 = tpu.vector_load %arg11[%swap3A_137] {strides = array<i32>} : memref<128xi32, #tpu.memory_space<vmem>>, vector<16xi32>,
    tpu.vector_store %arg11[%swap3A_137], %and3A_136 {strides = array<i32>} : memref<128xi32, #tpu.memory_space<vmem>>, vector<16xi32>,
    %shift_right_logical3A_139 = arith.constant 16 : i32
    %shift_right_logical3A_140 = vector.broadcast %shift_right_logical3A_139 : i32 to vector<16xi32>
    %shift_right_logical3A_141 = arith.shrui %get3A_133, %shift_right_logical3A_140 : vector<16xi32>
    %swap3A_142 = arith.constant 16 : index
    %swap3A_143 = tpu.vector_load %arg11[%swap3A_142] {strides = array<i32>} : memref<128xi32, #tpu.memory_space<vmem>>, vector<16xi32>,
    tpu.vector_store %arg11[%swap3A_142], %shift_right_logical3A_141 {strides = array<i32>} : memref<128xi32, #tpu.memory_space<vmem>>, vector<16xi32>,
    %get3A_144 = arith.constant 5072 : index
    %get3A_145 = tpu.vector_load %arg6[%get3A_144] {strides = array<i32>} : memref<5120xi32, #tpu.memory_space<vmem>>, vector<16xi32>,
    %and3A_146 = arith.constant 65535 : i32
    %and3A_147 = vector.broadcast %and3A_146 : i32 to vector<16xi32>
    %and3A_148 = arith.andi %get3A_145, %and3A_147 : vector<16xi32>
    %swap3A_149 = arith.constant 32 : index
    %swap3A_150 = tpu.vector_load %arg9[%swap3A_149] {strides = array<i32>} : memref<128xi32, #tpu.memory_space<vmem>>, vector<16xi32>,
    tpu.vector_store %arg9[%swap3A_149], %and3A_148 {strides = array<i32>} : memref<128xi32, #tpu.memory_space<vmem>>, vector<16xi32>,
    %shift_right_logical3A_151 = arith.constant 16 : i32
    %shift_right_logical3A_152 = vector.broadcast %shift_right_logical3A_151 : i32 to vector<16xi32>
    %shift_right_logical3A_153 = arith.shrui %get3A_145, %shift_right_logical3A_152 : vector<16xi32>
    %swap3A_154 = arith.constant 48 : index
    %swap3A_155 = tpu.vector_load %arg9[%swap3A_154] {strides = array<i32>} : memref<128xi32, #tpu.memory_space<vmem>>, vector<16xi32>,
    tpu.vector_store %arg9[%swap3A_154], %shift_right_logical3A_153 {strides = array<i32>} : memref<128xi32, #tpu.memory_space<vmem>>, vector<16xi32>,
    %get3A_156 = arith.constant 5072 : index
    %get3A_157 = tpu.vector_load %arg7[%get3A_156] {strides = array<i32>} : memref<5120xi32, #tpu.memory_space<vmem>>, vector<16xi32>,
    %and3A_158 = arith.constant 65535 : i32
    %and3A_159 = vector.broadcast %and3A_158 : i32 to vector<16xi32>
    %and3A_160 = arith.andi %get3A_157, %and3A_159 : vector<16xi32>
    %swap3A_161 = arith.constant 32 : index
    %swap3A_162 = tpu.vector_load %arg11[%swap3A_161] {strides = array<i32>} : memref<128xi32, #tpu.memory_space<vmem>>, vector<16xi32>,
    tpu.vector_store %arg11[%swap3A_161], %and3A_160 {strides = array<i32>} : memref<128xi32, #tpu.memory_space<vmem>>, vector<16xi32>,
    %shift_right_logical3A_163 = arith.constant 16 : i32
    %shift_right_logical3A_164 = vector.broadcast %shift_right_logical3A_163 : i32 to vector<16xi32>
    %shift_right_logical3A_165 = arith.shrui %get3A_157, %shift_right_logical3A_164 : vector<16xi32>
    %swap3A_166 = arith.constant 48 : index
    %swap3A_167 = tpu.vector_load %arg11[%swap3A_166] {strides = array<i32>} : memref<128xi32, #tpu.memory_space<vmem>>, vector<16xi32>,
    tpu.vector_store %arg11[%swap3A_166], %shift_right_logical3A_165 {strides = array<i32>} : memref<128xi32, #tpu.memory_space<vmem>>, vector<16xi32>,
    %get3A_168 = arith.constant 5088 : index
    %get3A_169 = tpu.vector_load %arg6[%get3A_168] {strides = array<i32>} : memref<5120xi32, #tpu.memory_space<vmem>>, vector<16xi32>,
    %and3A_170 = arith.constant 65535 : i32
    %and3A_171 = vector.broadcast %and3A_170 : i32 to vector<16xi32>
    %and3A_172 = arith.andi %get3A_169, %and3A_171 : vector<16xi32>
    %swap3A_173 = arith.constant 64 : index
    %swap3A_174 = tpu.vector_load %arg9[%swap3A_173] {strides = array<i32>} : memref<128xi32, #tpu.memory_space<vmem>>, vector<16xi32>,
    tpu.vector_store %arg9[%swap3A_173], %and3A_172 {strides = array<i32>} : memref<128xi32, #tpu.memory_space<vmem>>, vector<16xi32>,
    %shift_right_logical3A_175 = arith.constant 16 : i32
    %shift_right_logical3A_176 = vector.broadcast %shift_right_logical3A_175 : i32 to vector<16xi32>
    %shift_right_logical3A_177 = arith.shrui %get3A_169, %shift_right_logical3A_176 : vector<16xi32>
    %swap3A_178 = arith.constant 80 : index
    %swap3A_179 = tpu.vector_load %arg9[%swap3A_178] {strides = array<i32>} : memref<128xi32, #tpu.memory_space<vmem>>, vector<16xi32>,
    tpu.vector_store %arg9[%swap3A_178], %shift_right_logical3A_177 {strides = array<i32>} : memref<128xi32, #tpu.memory_space<vmem>>, vector<16xi32>,
    %get3A_180 = arith.constant 5088 : index
    %get3A_181 = tpu.vector_load %arg7[%get3A_180] {strides = array<i32>} : memref<5120xi32, #tpu.memory_space<vmem>>, vector<16xi32>,
    %and3A_182 = arith.constant 65535 : i32
    %and3A_183 = vector.broadcast %and3A_182 : i32 to vector<16xi32>
    %and3A_184 = arith.andi %get3A_181, %and3A_183 : vector<16xi32>
    %swap3A_185 = arith.constant 64 : index
    %swap3A_186 = tpu.vector_load %arg11[%swap3A_185] {strides = array<i32>} : memref<128xi32, #tpu.memory_space<vmem>>, vector<16xi32>,
    tpu.vector_store %arg11[%swap3A_185], %and3A_184 {strides = array<i32>} : memref<128xi32, #tpu.memory_space<vmem>>, vector<16xi32>,
    %shift_right_logical3A_187 = arith.constant 16 : i32
    %shift_right_logical3A_188 = vector.broadcast %shift_right_logical3A_187 : i32 to vector<16xi32>
    %shift_right_logical3A_189 = arith.shrui %get3A_181, %shift_right_logical3A_188 : vector<16xi32>
    %swap3A_190 = arith.constant 80 : index
    %swap3A_191 = tpu.vector_load %arg11[%swap3A_190] {strides = array<i32>} : memref<128xi32, #tpu.memory_space<vmem>>, vector<16xi32>,
    tpu.vector_store %arg11[%swap3A_190], %shift_right_logical3A_189 {strides = array<i32>} : memref<128xi32, #tpu.memory_space<vmem>>, vector<16xi32>,
    %get3A_192 = arith.constant 5104 : index
    %get3A_193 = tpu.vector_load %arg6[%get3A_192] {strides = array<i32>} : memref<5120xi32, #tpu.memory_space<vmem>>, vector<16xi32>,
    %and3A_194 = arith.constant 65535 : i32
    %and3A_195 = vector.broadcast %and3A_194 : i32 to vector<16xi32>
    %and3A_196 = arith.andi %get3A_193, %and3A_195 : vector<16xi32>
    %swap3A_197 = arith.constant 96 : index
    %swap3A_198 = tpu.vector_load %arg9[%swap3A_197] {strides = array<i32>} : memref<128xi32, #tpu.memory_space<vmem>>, vector<16xi32>,
    tpu.vector_store %arg9[%swap3A_197], %and3A_196 {strides = array<i32>} : memref<128xi32, #tpu.memory_space<vmem>>, vector<16xi32>,
    %shift_right_logical3A_199 = arith.constant 16 : i32
    %shift_right_logical3A_200 = vector.broadcast %shift_right_logical3A_199 : i32 to vector<16xi32>
    %shift_right_logical3A_201 = arith.shrui %get3A_193, %shift_right_logical3A_200 : vector<16xi32>
    %swap3A_202 = arith.constant 112 : index
    %swap3A_203 = tpu.vector_load %arg9[%swap3A_202] {strides = array<i32>} : memref<128xi32, #tpu.memory_space<vmem>>, vector<16xi32>,
    tpu.vector_store %arg9[%swap3A_202], %shift_right_logical3A_201 {strides = array<i32>} : memref<128xi32, #tpu.memory_space<vmem>>, vector<16xi32>,
    %get3A_204 = arith.constant 5104 : index
    %get3A_205 = tpu.vector_load %arg7[%get3A_204] {strides = array<i32>} : memref<5120xi32, #tpu.memory_space<vmem>>, vector<16xi32>,
    %and3A_206 = arith.constant 65535 : i32
    %and3A_207 = vector.broadcast %and3A_206 : i32 to vector<16xi32>
    %and3A_208 = arith.andi %get3A_205, %and3A_207 : vector<16xi32>
    %swap3A_209 = arith.constant 96 : index
    %swap3A_210 = tpu.vector_load %arg11[%swap3A_209] {strides = array<i32>} : memref<128xi32, #tpu.memory_space<vmem>>, vector<16xi32>,
    tpu.vector_store %arg11[%swap3A_209], %and3A_208 {strides = array<i32>} : memref<128xi32, #tpu.memory_space<vmem>>, vector<16xi32>,
    %shift_right_logical3A_211 = arith.constant 16 : i32
    %shift_right_logical3A_212 = vector.broadcast %shift_right_logical3A_211 : i32 to vector<16xi32>
    %shift_right_logical3A_213 = arith.shrui %get3A_205, %shift_right_logical3A_212 : vector<16xi32>
    %swap3A_214 = arith.constant 112 : index
    %swap3A_215 = tpu.vector_load %arg11[%swap3A_214] {strides = array<i32>} : memref<128xi32, #tpu.memory_space<vmem>>, vector<16xi32>,
    tpu.vector_store %arg11[%swap3A_214], %shift_right_logical3A_213 {strides = array<i32>} : memref<128xi32, #tpu.memory_space<vmem>>, vector<16xi32>,
    %dma_start3A_216 = arith.constant 0 : i32
    %dma_start3A_217 = arith.constant 0 : i32
    %dma_start3A_218 = tpu.memref_slice %arg2[%dma_start3A_216, %dma_start3A_217] : memref<10112x128xf32, #tpu.memory_space<hbm>> -> memref<10112x128xf32, #tpu.memory_space<hbm>>
    tpu.enqueue_indirect_dma source(%dma_start3A_218 : memref<10112x128xf32, #tpu.memory_space<hbm>>) target(%arg13 : memref<128x128xf32, #tpu.memory_space<vmem>>) offsets(%arg9 : memref<128xi32, #tpu.memory_space<vmem>>) semaphore(%arg17 : memref<!tpu.dma_semaphore, #tpu.memory_space<semaphore_mem>>)
    %dma_wait3A_219 = arith.constant 0 : i32
    %dma_wait3A_220 = arith.constant 0 : i32
    %dma_wait3A_221 = tpu.memref_slice %arg2[%dma_wait3A_219, %dma_wait3A_220] : memref<10112x128xf32, #tpu.memory_space<hbm>> -> memref<10112x128xf32, #tpu.memory_space<hbm>>
    tpu.wait_indirect_dma semaphore(%arg16 : memref<!tpu.dma_semaphore, #tpu.memory_space<semaphore_mem>>) src(%dma_wait3A_221 : memref<10112x128xf32, #tpu.memory_space<hbm>>) dst(%arg12 : memref<128x128xf32, #tpu.memory_space<vmem>>)
    "tpu.region"() ({
      %run_scoped3A = tpu.sem_alloc : memref<!tpu.dma_semaphore, #tpu.memory_space<semaphore_mem>>
      %dma_start3A_226 = arith.constant 0 : i32
      %dma_start3A_227 = arith.constant 0 : i32
      %dma_start3A_228 = tpu.memref_slice %arg15[%dma_start3A_226, %dma_start3A_227] : memref<10112x128xf32, #tpu.memory_space<vmem_shared>> -> memref<10112x128xf32, #tpu.memory_space<vmem_shared>>
      tpu.enqueue_indirect_dma source(%arg12 : memref<128x128xf32, #tpu.memory_space<vmem>>) target(%dma_start3A_228 : memref<10112x128xf32, #tpu.memory_space<vmem_shared>>) offsets(%arg10 : memref<128xi32, #tpu.memory_space<vmem>>) semaphore(%run_scoped3A : memref<!tpu.dma_semaphore, #tpu.memory_space<semaphore_mem>>) {add = true}
      %dma_wait3A_229 = arith.constant 0 : i32
      %dma_wait3A_230 = arith.constant 0 : i32
      %dma_wait3A_231 = tpu.memref_slice %arg15[%dma_wait3A_229, %dma_wait3A_230] : memref<10112x128xf32, #tpu.memory_space<vmem_shared>> -> memref<10112x128xf32, #tpu.memory_space<vmem_shared>>
      tpu.wait_indirect_dma semaphore(%run_scoped3A : memref<!tpu.dma_semaphore, #tpu.memory_space<semaphore_mem>>) src(%arg12 : memref<128x128xf32, #tpu.memory_space<vmem>>) dst(%dma_wait3A_231 : memref<10112x128xf32, #tpu.memory_space<vmem_shared>>)
      tpu.yield
    }) : () -> ()
    %dma_wait3A_222 = arith.constant 0 : i32
    %dma_wait3A_223 = arith.constant 0 : i32
    %dma_wait3A_224 = tpu.memref_slice %arg2[%dma_wait3A_222, %dma_wait3A_223] : memref<10112x128xf32, #tpu.memory_space<hbm>> -> memref<10112x128xf32, #tpu.memory_space<hbm>>
    tpu.wait_indirect_dma semaphore(%arg17 : memref<!tpu.dma_semaphore, #tpu.memory_space<semaphore_mem>>) src(%dma_wait3A_224 : memref<10112x128xf32, #tpu.memory_space<hbm>>) dst(%arg13 : memref<128x128xf32, #tpu.memory_space<vmem>>)
    "tpu.region"() ({
      %run_scoped3A = tpu.sem_alloc : memref<!tpu.dma_semaphore, #tpu.memory_space<semaphore_mem>>
      %dma_start3A_226 = arith.constant 0 : i32
      %dma_start3A_227 = arith.constant 0 : i32
      %dma_start3A_228 = tpu.memref_slice %arg15[%dma_start3A_226, %dma_start3A_227] : memref<10112x128xf32, #tpu.memory_space<vmem_shared>> -> memref<10112x128xf32, #tpu.memory_space<vmem_shared>>
      tpu.enqueue_indirect_dma source(%arg13 : memref<128x128xf32, #tpu.memory_space<vmem>>) target(%dma_start3A_228 : memref<10112x128xf32, #tpu.memory_space<vmem_shared>>) offsets(%arg11 : memref<128xi32, #tpu.memory_space<vmem>>) semaphore(%run_scoped3A : memref<!tpu.dma_semaphore, #tpu.memory_space<semaphore_mem>>) {add = true}
      %dma_wait3A_229 = arith.constant 0 : i32
      %dma_wait3A_230 = arith.constant 0 : i32
      %dma_wait3A_231 = tpu.memref_slice %arg15[%dma_wait3A_229, %dma_wait3A_230] : memref<10112x128xf32, #tpu.memory_space<vmem_shared>> -> memref<10112x128xf32, #tpu.memory_space<vmem_shared>>
      tpu.wait_indirect_dma semaphore(%run_scoped3A : memref<!tpu.dma_semaphore, #tpu.memory_space<semaphore_mem>>) src(%arg13 : memref<128x128xf32, #tpu.memory_space<vmem>>) dst(%dma_wait3A_231 : memref<10112x128xf32, #tpu.memory_space<vmem_shared>>)
      tpu.yield
    }) : () -> ()
    %barrier3A_225 = arith.constant 0 : index
    tpu.barrier barrier_id(%barrier3A_225)
    "tpu.region"() ({
      %run_scoped3A = tpu.sem_alloc : memref<!tpu.dma_semaphore, #tpu.memory_space<semaphore_mem>>
      %dma_start3A_226 = arith.constant 0 : i32
      %dma_start3A_227 = tpu.memref_slice %arg5[%arg0, %mul3A_11, %dma_start3A_226] : memref<2x10112x128xf32, #tpu.memory_space<hbm>> -> memref<1x632x128xf32, #tpu.memory_space<hbm>>
      %dma_start3A_228 = tpu.memref_squeeze %dma_start3A_227 : memref<1x632x128xf32, #tpu.memory_space<hbm>> -> memref<632x128xf32, #tpu.memory_space<hbm>>
      %dma_start3A_229 = arith.constant 0 : i32
      %dma_start3A_230 = tpu.memref_slice %arg15[%mul3A_11, %dma_start3A_229] : memref<10112x128xf32, #tpu.memory_space<vmem_shared>> -> memref<632x128xf32, #tpu.memory_space<vmem_shared>>
      tpu.enqueue_dma source(%dma_start3A_230 : memref<632x128xf32, #tpu.memory_space<vmem_shared>>) target(%dma_start3A_228 : memref<632x128xf32, #tpu.memory_space<hbm>>) target_semaphore(%run_scoped3A : memref<!tpu.dma_semaphore, #tpu.memory_space<semaphore_mem>>)
      %dma_wait3A_231 = arith.constant 0 : i32
      %dma_wait3A_232 = tpu.memref_slice %arg5[%arg0, %mul3A_11, %dma_wait3A_231] : memref<2x10112x128xf32, #tpu.memory_space<hbm>> -> memref<1x632x128xf32, #tpu.memory_space<hbm>>
      %dma_wait3A_233 = tpu.memref_squeeze %dma_wait3A_232 : memref<1x632x128xf32, #tpu.memory_space<hbm>> -> memref<632x128xf32, #tpu.memory_space<hbm>>
      %dma_wait3A_234 = arith.constant 0 : i32
      %dma_wait3A_235 = tpu.memref_slice %arg15[%mul3A_11, %dma_wait3A_234] : memref<10112x128xf32, #tpu.memory_space<vmem_shared>> -> memref<632x128xf32, #tpu.memory_space<vmem_shared>>
      tpu.wait_dma2 semaphore(%run_scoped3A : memref<!tpu.dma_semaphore, #tpu.memory_space<semaphore_mem>>) src(%dma_wait3A_235 : memref<632x128xf32, #tpu.memory_space<vmem_shared>>) dst(%dma_wait3A_233 : memref<632x128xf32, #tpu.memory_space<hbm>>)
      tpu.yield
    }) : () -> ()
    return
  }
}

#map = affine_map<(d0, d1) -> (0, 0)>
#map1 = affine_map<(d0, d1) -> (0)>
#map2 = affine_map<(d0, d1) -> (0, 0, 0)>
module attributes {stable_mosaic.version = 14 : i64} {
  func.func @_agg_body(%arg0: i32, %arg1: i32, %arg2: memref<10112x128xf32, #tpu.memory_space<hbm>>, %arg3: memref<163840xi32, #tpu.memory_space<hbm>>, %arg4: memref<163840xi32, #tpu.memory_space<hbm>>, %arg5: memref<2x10112x128xf32, #tpu.memory_space<hbm>>, %arg6: memref<5120xi32, #tpu.memory_space<vmem>>, %arg7: memref<5120xi32, #tpu.memory_space<vmem>>, %arg8: memref<128xi32, #tpu.memory_space<vmem>>, %arg9: memref<128xi32, #tpu.memory_space<vmem>>, %arg10: memref<128xi32, #tpu.memory_space<vmem>>, %arg11: memref<128xi32, #tpu.memory_space<vmem>>, %arg12: memref<128x128xf32, #tpu.memory_space<vmem>>, %arg13: memref<128x128xf32, #tpu.memory_space<vmem>>, %arg14: memref<8x128xf32, #tpu.memory_space<vmem>>, %arg15: memref<10112x128xf32, #tpu.memory_space<vmem_shared>>, %arg16: memref<!tpu.dma_semaphore, #tpu.memory_space<semaphore_mem>>, %arg17: memref<!tpu.dma_semaphore, #tpu.memory_space<semaphore_mem>>, %arg18: memref<!tpu.dma_semaphore, #tpu.memory_space<semaphore_mem>>) attributes {dimension_semantics = [#tpu.dimension_semantics<core_parallel>, #tpu.dimension_semantics<subcore_parallel>], iteration_bounds = array<i64: 2, 16>, scalar_prefetch = 0 : i64, scratch_operands = 13 : i64, tpu.core_type = #tpu.core_type<sc_vector_subcore>, window_params = [{transform_indices = #map}, {transform_indices = #map1}, {transform_indices = #map1}, {transform_indices = #map2}]} {
    %mul3A = arith.constant 2 : i32
    %mul3A_0 = arith.muli %arg1, %mul3A : i32
    %add3A = arith.addi %mul3A_0, %arg0 : i32
    %mul3A_1 = arith.constant 5120 : i32
    %mul3A_2 = arith.muli %add3A, %mul3A_1 : i32
    %dma_start3A = tpu.memref_slice %arg3[%mul3A_2] : memref<163840xi32, #tpu.memory_space<hbm>> -> memref<5120xi32, #tpu.memory_space<hbm>>
    %dma_start3A_3 = tpu.memref_slice %arg3[%mul3A_2] : memref<163840xi32, #tpu.memory_space<hbm>> -> memref<5120xi32, #tpu.memory_space<hbm>>
    tpu.enqueue_dma source(%dma_start3A_3 : memref<5120xi32, #tpu.memory_space<hbm>>) target(%arg6 : memref<5120xi32, #tpu.memory_space<vmem>>) target_semaphore(%arg18 : memref<!tpu.dma_semaphore, #tpu.memory_space<semaphore_mem>>)
    %dma_start3A_4 = tpu.memref_slice %arg4[%mul3A_2] : memref<163840xi32, #tpu.memory_space<hbm>> -> memref<5120xi32, #tpu.memory_space<hbm>>
    %dma_start3A_5 = tpu.memref_slice %arg4[%mul3A_2] : memref<163840xi32, #tpu.memory_space<hbm>> -> memref<5120xi32, #tpu.memory_space<hbm>>
    tpu.enqueue_dma source(%dma_start3A_5 : memref<5120xi32, #tpu.memory_space<hbm>>) target(%arg7 : memref<5120xi32, #tpu.memory_space<vmem>>) target_semaphore(%arg18 : memref<!tpu.dma_semaphore, #tpu.memory_space<semaphore_mem>>)
    %scan3A = arith.constant 0 : i32
    %scan3A_6 = arith.constant 8 : i32
    %scan3A_7 = arith.addi %scan3A, %scan3A_6 : i32
    %scan3A_8 = arith.constant 1 : i32
    scf.for %scan3A_226 = %scan3A to %scan3A_7 step %scan3A_8  : i32 {
      %mul3A_227 = arith.constant 1 : i32
      %mul3A_228 = arith.muli %scan3A_226, %mul3A_227 : i32
      %add3A_229 = arith.constant 0 : i32
      %add3A_230 = arith.addi %add3A_229, %mul3A_228 : i32
      %scan3A_231 = arith.constant 0 : i32
      %scan3A_232 = arith.constant 8 : i32
      %scan3A_233 = arith.addi %scan3A_231, %scan3A_232 : i32
      %scan3A_234 = arith.constant 1 : i32
      scf.for %scan3A_236 = %scan3A_231 to %scan3A_233 step %scan3A_234  : i32 {
        %mul3A_237 = arith.constant 1 : i32
        %mul3A_238 = arith.muli %scan3A_236, %mul3A_237 : i32
        %add3A_239 = arith.constant 0 : i32
        %add3A_240 = arith.addi %add3A_239, %mul3A_238 : i32
        %broadcast_in_dim3A = arith.constant 0.000000e+00 : f32
        %broadcast_in_dim3A_241 = vector.broadcast %broadcast_in_dim3A : f32 to vector<16xf32>
        %mul3A_242 = arith.constant 16 : i32
        %mul3A_243 = arith.muli %add3A_240, %mul3A_242 : i32
        %swap3A_244 = arith.index_cast %add3A_230 : i32 to index
        %swap3A_245 = arith.index_cast %mul3A_243 : i32 to index
        %swap3A_246 = tpu.vector_load %arg14[%swap3A_244, %swap3A_245] {strides = array<i32>} : memref<8x128xf32, #tpu.memory_space<vmem>>, vector<16xf32>,
        tpu.vector_store %arg14[%swap3A_244, %swap3A_245], %broadcast_in_dim3A_241 {strides = array<i32>} : memref<8x128xf32, #tpu.memory_space<vmem>>, vector<16xf32>,
      }
      %scan3A_235 = arith.constant 8 : i32
    }
    %scan3A_9 = arith.constant 8 : i32
    %mul3A_10 = arith.constant 632 : i32
    %mul3A_11 = arith.muli %arg1, %mul3A_10 : i32
    %scan3A_12 = arith.constant 0 : i32
    %scan3A_13 = arith.constant 79 : i32
    %scan3A_14 = arith.addi %scan3A_12, %scan3A_13 : i32
    %scan3A_15 = arith.constant 1 : i32
    scf.for %scan3A_226 = %scan3A_12 to %scan3A_14 step %scan3A_15  : i32 {
      %mul3A_227 = arith.constant 1 : i32
      %mul3A_228 = arith.muli %scan3A_226, %mul3A_227 : i32
      %add3A_229 = arith.constant 0 : i32
      %add3A_230 = arith.addi %add3A_229, %mul3A_228 : i32
      %mul3A_231 = arith.constant 8 : i32
      %mul3A_232 = arith.muli %add3A_230, %mul3A_231 : i32
      %add3A_233 = arith.addi %mul3A_11, %mul3A_232 : i32
      "tpu.region"() ({
        %run_scoped3A = tpu.sem_alloc : memref<!tpu.dma_semaphore, #tpu.memory_space<semaphore_mem>>
        %dma_start3A_234 = arith.constant 0 : i32
        %dma_start3A_235 = tpu.memref_slice %arg15[%add3A_233, %dma_start3A_234] : memref<10112x128xf32, #tpu.memory_space<vmem_shared>> -> memref<8x128xf32, #tpu.memory_space<vmem_shared>>
        %dma_start3A_236 = arith.constant 0 : i32
        %dma_start3A_237 = tpu.memref_slice %arg15[%add3A_233, %dma_start3A_236] : memref<10112x128xf32, #tpu.memory_space<vmem_shared>> -> memref<8x128xf32, #tpu.memory_space<vmem_shared>>
        tpu.enqueue_dma source(%arg14 : memref<8x128xf32, #tpu.memory_space<vmem>>) target(%dma_start3A_237 : memref<8x128xf32, #tpu.memory_space<vmem_shared>>) target_semaphore(%run_scoped3A : memref<!tpu.dma_semaphore, #tpu.memory_space<semaphore_mem>>)
        %dma_wait3A_238 = arith.constant 0 : i32
        %dma_wait3A_239 = tpu.memref_slice %arg15[%add3A_233, %dma_wait3A_238] : memref<10112x128xf32, #tpu.memory_space<vmem_shared>> -> memref<8x128xf32, #tpu.memory_space<vmem_shared>>
        %dma_wait3A_240 = arith.constant 0 : i32
        %dma_wait3A_241 = tpu.memref_slice %arg15[%add3A_233, %dma_wait3A_240] : memref<10112x128xf32, #tpu.memory_space<vmem_shared>> -> memref<8x128xf32, #tpu.memory_space<vmem_shared>>
        tpu.wait_dma2 semaphore(%run_scoped3A : memref<!tpu.dma_semaphore, #tpu.memory_space<semaphore_mem>>) src(%arg14 : memref<8x128xf32, #tpu.memory_space<vmem>>) dst(%dma_wait3A_241 : memref<8x128xf32, #tpu.memory_space<vmem_shared>>)
        tpu.yield
      }) : () -> ()
    }
    %scan3A_16 = arith.constant 79 : i32
    %dma_wait3A = tpu.memref_slice %arg3[%mul3A_2] : memref<163840xi32, #tpu.memory_space<hbm>> -> memref<5120xi32, #tpu.memory_space<hbm>>
    %dma_wait3A_17 = tpu.memref_slice %arg3[%mul3A_2] : memref<163840xi32, #tpu.memory_space<hbm>> -> memref<5120xi32, #tpu.memory_space<hbm>>
    tpu.wait_dma2 semaphore(%arg18 : memref<!tpu.dma_semaphore, #tpu.memory_space<semaphore_mem>>) src(%dma_wait3A_17 : memref<5120xi32, #tpu.memory_space<hbm>>) dst(%arg6 : memref<5120xi32, #tpu.memory_space<vmem>>)
    %dma_wait3A_18 = tpu.memref_slice %arg4[%mul3A_2] : memref<163840xi32, #tpu.memory_space<hbm>> -> memref<5120xi32, #tpu.memory_space<hbm>>
    %dma_wait3A_19 = tpu.memref_slice %arg4[%mul3A_2] : memref<163840xi32, #tpu.memory_space<hbm>> -> memref<5120xi32, #tpu.memory_space<hbm>>
    tpu.wait_dma2 semaphore(%arg18 : memref<!tpu.dma_semaphore, #tpu.memory_space<semaphore_mem>>) src(%dma_wait3A_19 : memref<5120xi32, #tpu.memory_space<hbm>>) dst(%arg7 : memref<5120xi32, #tpu.memory_space<vmem>>)
    %barrier3A = arith.constant 0 : index
    tpu.barrier barrier_id(%barrier3A)
    %get3A = arith.constant 0 : index
    %get3A_20 = tpu.vector_load %arg6[%get3A] {strides = array<i32>} : memref<5120xi32, #tpu.memory_space<vmem>>, vector<16xi32>,
    %and3A = arith.constant 65535 : i32
    %and3A_21 = vector.broadcast %and3A : i32 to vector<16xi32>
    %and3A_22 = arith.andi %get3A_20, %and3A_21 : vector<16xi32>
    %swap3A = arith.constant 0 : index
    %swap3A_23 = tpu.vector_load %arg8[%swap3A] {strides = array<i32>} : memref<128xi32, #tpu.memory_space<vmem>>, vector<16xi32>,
    tpu.vector_store %arg8[%swap3A], %and3A_22 {strides = array<i32>} : memref<128xi32, #tpu.memory_space<vmem>>, vector<16xi32>,
    %shift_right_logical3A = arith.constant 16 : i32
    %shift_right_logical3A_24 = vector.broadcast %shift_right_logical3A : i32 to vector<16xi32>
    %shift_right_logical3A_25 = arith.shrui %get3A_20, %shift_right_logical3A_24 : vector<16xi32>
    %swap3A_26 = arith.constant 16 : index
    %swap3A_27 = tpu.vector_load %arg8[%swap3A_26] {strides = array<i32>} : memref<128xi32, #tpu.memory_space<vmem>>, vector<16xi32>,
    tpu.vector_store %arg8[%swap3A_26], %shift_right_logical3A_25 {strides = array<i32>} : memref<128xi32, #tpu.memory_space<vmem>>, vector<16xi32>,
    %get3A_28 = arith.constant 0 : index
    %get3A_29 = tpu.vector_load %arg7[%get3A_28] {strides = array<i32>} : memref<5120xi32, #tpu.memory_space<vmem>>, vector<16xi32>,
    %and3A_30 = arith.constant 65535 : i32
    %and3A_31 = vector.broadcast %and3A_30 : i32 to vector<16xi32>
    %and3A_32 = arith.andi %get3A_29, %and3A_31 : vector<16xi32>
    %swap3A_33 = arith.constant 0 : index
    %swap3A_34 = tpu.vector_load %arg10[%swap3A_33] {strides = array<i32>} : memref<128xi32, #tpu.memory_space<vmem>>, vector<16xi32>,
    tpu.vector_store %arg10[%swap3A_33], %and3A_32 {strides = array<i32>} : memref<128xi32, #tpu.memory_space<vmem>>, vector<16xi32>,
    %shift_right_logical3A_35 = arith.constant 16 : i32
    %shift_right_logical3A_36 = vector.broadcast %shift_right_logical3A_35 : i32 to vector<16xi32>
    %shift_right_logical3A_37 = arith.shrui %get3A_29, %shift_right_logical3A_36 : vector<16xi32>
    %swap3A_38 = arith.constant 16 : index
    %swap3A_39 = tpu.vector_load %arg10[%swap3A_38] {strides = array<i32>} : memref<128xi32, #tpu.memory_space<vmem>>, vector<16xi32>,
    tpu.vector_store %arg10[%swap3A_38], %shift_right_logical3A_37 {strides = array<i32>} : memref<128xi32, #tpu.memory_space<vmem>>, vector<16xi32>,
    %get3A_40 = arith.constant 16 : index
    %get3A_41 = tpu.vector_load %arg6[%get3A_40] {strides = array<i32>} : memref<5120xi32, #tpu.memory_space<vmem>>, vector<16xi32>,
    %and3A_42 = arith.constant 65535 : i32
    %and3A_43 = vector.broadcast %and3A_42 : i32 to vector<16xi32>
    %and3A_44 = arith.andi %get3A_41, %and3A_43 : vector<16xi32>
    %swap3A_45 = arith.constant 32 : index
    %swap3A_46 = tpu.vector_load %arg8[%swap3A_45] {strides = array<i32>} : memref<128xi32, #tpu.memory_space<vmem>>, vector<16xi32>,
    tpu.vector_store %arg8[%swap3A_45], %and3A_44 {strides = array<i32>} : memref<128xi32, #tpu.memory_space<vmem>>, vector<16xi32>,
    %shift_right_logical3A_47 = arith.constant 16 : i32
    %shift_right_logical3A_48 = vector.broadcast %shift_right_logical3A_47 : i32 to vector<16xi32>
    %shift_right_logical3A_49 = arith.shrui %get3A_41, %shift_right_logical3A_48 : vector<16xi32>
    %swap3A_50 = arith.constant 48 : index
    %swap3A_51 = tpu.vector_load %arg8[%swap3A_50] {strides = array<i32>} : memref<128xi32, #tpu.memory_space<vmem>>, vector<16xi32>,
    tpu.vector_store %arg8[%swap3A_50], %shift_right_logical3A_49 {strides = array<i32>} : memref<128xi32, #tpu.memory_space<vmem>>, vector<16xi32>,
    %get3A_52 = arith.constant 16 : index
    %get3A_53 = tpu.vector_load %arg7[%get3A_52] {strides = array<i32>} : memref<5120xi32, #tpu.memory_space<vmem>>, vector<16xi32>,
    %and3A_54 = arith.constant 65535 : i32
    %and3A_55 = vector.broadcast %and3A_54 : i32 to vector<16xi32>
    %and3A_56 = arith.andi %get3A_53, %and3A_55 : vector<16xi32>
    %swap3A_57 = arith.constant 32 : index
    %swap3A_58 = tpu.vector_load %arg10[%swap3A_57] {strides = array<i32>} : memref<128xi32, #tpu.memory_space<vmem>>, vector<16xi32>,
    tpu.vector_store %arg10[%swap3A_57], %and3A_56 {strides = array<i32>} : memref<128xi32, #tpu.memory_space<vmem>>, vector<16xi32>,
    %shift_right_logical3A_59 = arith.constant 16 : i32
    %shift_right_logical3A_60 = vector.broadcast %shift_right_logical3A_59 : i32 to vector<16xi32>
    %shift_right_logical3A_61 = arith.shrui %get3A_53, %shift_right_logical3A_60 : vector<16xi32>
    %swap3A_62 = arith.constant 48 : index
    %swap3A_63 = tpu.vector_load %arg10[%swap3A_62] {strides = array<i32>} : memref<128xi32, #tpu.memory_space<vmem>>, vector<16xi32>,
    tpu.vector_store %arg10[%swap3A_62], %shift_right_logical3A_61 {strides = array<i32>} : memref<128xi32, #tpu.memory_space<vmem>>, vector<16xi32>,
    %get3A_64 = arith.constant 32 : index
    %get3A_65 = tpu.vector_load %arg6[%get3A_64] {strides = array<i32>} : memref<5120xi32, #tpu.memory_space<vmem>>, vector<16xi32>,
    %and3A_66 = arith.constant 65535 : i32
    %and3A_67 = vector.broadcast %and3A_66 : i32 to vector<16xi32>
    %and3A_68 = arith.andi %get3A_65, %and3A_67 : vector<16xi32>
    %swap3A_69 = arith.constant 64 : index
    %swap3A_70 = tpu.vector_load %arg8[%swap3A_69] {strides = array<i32>} : memref<128xi32, #tpu.memory_space<vmem>>, vector<16xi32>,
    tpu.vector_store %arg8[%swap3A_69], %and3A_68 {strides = array<i32>} : memref<128xi32, #tpu.memory_space<vmem>>, vector<16xi32>,
    %shift_right_logical3A_71 = arith.constant 16 : i32
    %shift_right_logical3A_72 = vector.broadcast %shift_right_logical3A_71 : i32 to vector<16xi32>
    %shift_right_logical3A_73 = arith.shrui %get3A_65, %shift_right_logical3A_72 : vector<16xi32>
    %swap3A_74 = arith.constant 80 : index
    %swap3A_75 = tpu.vector_load %arg8[%swap3A_74] {strides = array<i32>} : memref<128xi32, #tpu.memory_space<vmem>>, vector<16xi32>,
    tpu.vector_store %arg8[%swap3A_74], %shift_right_logical3A_73 {strides = array<i32>} : memref<128xi32, #tpu.memory_space<vmem>>, vector<16xi32>,
    %get3A_76 = arith.constant 32 : index
    %get3A_77 = tpu.vector_load %arg7[%get3A_76] {strides = array<i32>} : memref<5120xi32, #tpu.memory_space<vmem>>, vector<16xi32>,
    %and3A_78 = arith.constant 65535 : i32
    %and3A_79 = vector.broadcast %and3A_78 : i32 to vector<16xi32>
    %and3A_80 = arith.andi %get3A_77, %and3A_79 : vector<16xi32>
    %swap3A_81 = arith.constant 64 : index
    %swap3A_82 = tpu.vector_load %arg10[%swap3A_81] {strides = array<i32>} : memref<128xi32, #tpu.memory_space<vmem>>, vector<16xi32>,
    tpu.vector_store %arg10[%swap3A_81], %and3A_80 {strides = array<i32>} : memref<128xi32, #tpu.memory_space<vmem>>, vector<16xi32>,
    %shift_right_logical3A_83 = arith.constant 16 : i32
    %shift_right_logical3A_84 = vector.broadcast %shift_right_logical3A_83 : i32 to vector<16xi32>
    %shift_right_logical3A_85 = arith.shrui %get3A_77, %shift_right_logical3A_84 : vector<16xi32>
    %swap3A_86 = arith.constant 80 : index
    %swap3A_87 = tpu.vector_load %arg10[%swap3A_86] {strides = array<i32>} : memref<128xi32, #tpu.memory_space<vmem>>, vector<16xi32>,
    tpu.vector_store %arg10[%swap3A_86], %shift_right_logical3A_85 {strides = array<i32>} : memref<128xi32, #tpu.memory_space<vmem>>, vector<16xi32>,
    %get3A_88 = arith.constant 48 : index
    %get3A_89 = tpu.vector_load %arg6[%get3A_88] {strides = array<i32>} : memref<5120xi32, #tpu.memory_space<vmem>>, vector<16xi32>,
    %and3A_90 = arith.constant 65535 : i32
    %and3A_91 = vector.broadcast %and3A_90 : i32 to vector<16xi32>
    %and3A_92 = arith.andi %get3A_89, %and3A_91 : vector<16xi32>
    %swap3A_93 = arith.constant 96 : index
    %swap3A_94 = tpu.vector_load %arg8[%swap3A_93] {strides = array<i32>} : memref<128xi32, #tpu.memory_space<vmem>>, vector<16xi32>,
    tpu.vector_store %arg8[%swap3A_93], %and3A_92 {strides = array<i32>} : memref<128xi32, #tpu.memory_space<vmem>>, vector<16xi32>,
    %shift_right_logical3A_95 = arith.constant 16 : i32
    %shift_right_logical3A_96 = vector.broadcast %shift_right_logical3A_95 : i32 to vector<16xi32>
    %shift_right_logical3A_97 = arith.shrui %get3A_89, %shift_right_logical3A_96 : vector<16xi32>
    %swap3A_98 = arith.constant 112 : index
    %swap3A_99 = tpu.vector_load %arg8[%swap3A_98] {strides = array<i32>} : memref<128xi32, #tpu.memory_space<vmem>>, vector<16xi32>,
    tpu.vector_store %arg8[%swap3A_98], %shift_right_logical3A_97 {strides = array<i32>} : memref<128xi32, #tpu.memory_space<vmem>>, vector<16xi32>,
    %get3A_100 = arith.constant 48 : index
    %get3A_101 = tpu.vector_load %arg7[%get3A_100] {strides = array<i32>} : memref<5120xi32, #tpu.memory_space<vmem>>, vector<16xi32>,
    %and3A_102 = arith.constant 65535 : i32
    %and3A_103 = vector.broadcast %and3A_102 : i32 to vector<16xi32>
    %and3A_104 = arith.andi %get3A_101, %and3A_103 : vector<16xi32>
    %swap3A_105 = arith.constant 96 : index
    %swap3A_106 = tpu.vector_load %arg10[%swap3A_105] {strides = array<i32>} : memref<128xi32, #tpu.memory_space<vmem>>, vector<16xi32>,
    tpu.vector_store %arg10[%swap3A_105], %and3A_104 {strides = array<i32>} : memref<128xi32, #tpu.memory_space<vmem>>, vector<16xi32>,
    %shift_right_logical3A_107 = arith.constant 16 : i32
    %shift_right_logical3A_108 = vector.broadcast %shift_right_logical3A_107 : i32 to vector<16xi32>
    %shift_right_logical3A_109 = arith.shrui %get3A_101, %shift_right_logical3A_108 : vector<16xi32>
    %swap3A_110 = arith.constant 112 : index
    %swap3A_111 = tpu.vector_load %arg10[%swap3A_110] {strides = array<i32>} : memref<128xi32, #tpu.memory_space<vmem>>, vector<16xi32>,
    tpu.vector_store %arg10[%swap3A_110], %shift_right_logical3A_109 {strides = array<i32>} : memref<128xi32, #tpu.memory_space<vmem>>, vector<16xi32>,
    %dma_start3A_112 = arith.constant 0 : i32
    %dma_start3A_113 = arith.constant 0 : i32
    %dma_start3A_114 = tpu.memref_slice %arg2[%dma_start3A_112, %dma_start3A_113] : memref<10112x128xf32, #tpu.memory_space<hbm>> -> memref<10112x128xf32, #tpu.memory_space<hbm>>
    tpu.enqueue_indirect_dma source(%dma_start3A_114 : memref<10112x128xf32, #tpu.memory_space<hbm>>) target(%arg12 : memref<128x128xf32, #tpu.memory_space<vmem>>) offsets(%arg8 : memref<128xi32, #tpu.memory_space<vmem>>) semaphore(%arg16 : memref<!tpu.dma_semaphore, #tpu.memory_space<semaphore_mem>>)
    %scan3A_115 = arith.constant 0 : i32
    %scan3A_116 = arith.constant 39 : i32
    %scan3A_117 = arith.addi %scan3A_115, %scan3A_116 : i32
    %scan3A_118 = arith.constant 1 : i32
    scf.for %scan3A_226 = %scan3A_115 to %scan3A_117 step %scan3A_118  : i32 {
      %mul3A_227 = arith.constant 1 : i32
      %mul3A_228 = arith.muli %scan3A_226, %mul3A_227 : i32
      %add3A_229 = arith.constant 0 : i32
      %add3A_230 = arith.addi %add3A_229, %mul3A_228 : i32
      %mul3A_231 = arith.constant 2 : i32
      %mul3A_232 = arith.muli %mul3A_231, %add3A_230 : i32
      %add3A_233 = arith.constant 1 : i32
      %add3A_234 = arith.addi %mul3A_232, %add3A_233 : i32
      %mul3A_235 = arith.constant 64 : i32
      %mul3A_236 = arith.muli %add3A_234, %mul3A_235 : i32
      %add3A_237 = arith.constant 0 : i32
      %add3A_238 = arith.addi %mul3A_236, %add3A_237 : i32
      %get3A_239 = arith.index_cast %add3A_238 : i32 to index
      %get3A_240 = tpu.vector_load %arg6[%get3A_239] {strides = array<i32>} : memref<5120xi32, #tpu.memory_space<vmem>>, vector<16xi32>,
      %and3A_241 = arith.constant 65535 : i32
      %and3A_242 = vector.broadcast %and3A_241 : i32 to vector<16xi32>
      %and3A_243 = arith.andi %get3A_240, %and3A_242 : vector<16xi32>
      %swap3A_244 = arith.constant 0 : index
      %swap3A_245 = tpu.vector_load %arg9[%swap3A_244] {strides = array<i32>} : memref<128xi32, #tpu.memory_space<vmem>>, vector<16xi32>,
      tpu.vector_store %arg9[%swap3A_244], %and3A_243 {strides = array<i32>} : memref<128xi32, #tpu.memory_space<vmem>>, vector<16xi32>,
      %shift_right_logical3A_246 = arith.constant 16 : i32
      %shift_right_logical3A_247 = vector.broadcast %shift_right_logical3A_246 : i32 to vector<16xi32>
      %shift_right_logical3A_248 = arith.shrui %get3A_240, %shift_right_logical3A_247 : vector<16xi32>
      %swap3A_249 = arith.constant 16 : index
      %swap3A_250 = tpu.vector_load %arg9[%swap3A_249] {strides = array<i32>} : memref<128xi32, #tpu.memory_space<vmem>>, vector<16xi32>,
      tpu.vector_store %arg9[%swap3A_249], %shift_right_logical3A_248 {strides = array<i32>} : memref<128xi32, #tpu.memory_space<vmem>>, vector<16xi32>,
      %mul3A_251 = arith.constant 64 : i32
      %mul3A_252 = arith.muli %add3A_234, %mul3A_251 : i32
      %add3A_253 = arith.constant 0 : i32
      %add3A_254 = arith.addi %mul3A_252, %add3A_253 : i32
      %get3A_255 = arith.index_cast %add3A_254 : i32 to index
      %get3A_256 = tpu.vector_load %arg7[%get3A_255] {strides = array<i32>} : memref<5120xi32, #tpu.memory_space<vmem>>, vector<16xi32>,
      %and3A_257 = arith.constant 65535 : i32
      %and3A_258 = vector.broadcast %and3A_257 : i32 to vector<16xi32>
      %and3A_259 = arith.andi %get3A_256, %and3A_258 : vector<16xi32>
      %swap3A_260 = arith.constant 0 : index
      %swap3A_261 = tpu.vector_load %arg11[%swap3A_260] {strides = array<i32>} : memref<128xi32, #tpu.memory_space<vmem>>, vector<16xi32>,
      tpu.vector_store %arg11[%swap3A_260], %and3A_259 {strides = array<i32>} : memref<128xi32, #tpu.memory_space<vmem>>, vector<16xi32>,
      %shift_right_logical3A_262 = arith.constant 16 : i32
      %shift_right_logical3A_263 = vector.broadcast %shift_right_logical3A_262 : i32 to vector<16xi32>
      %shift_right_logical3A_264 = arith.shrui %get3A_256, %shift_right_logical3A_263 : vector<16xi32>
      %swap3A_265 = arith.constant 16 : index
      %swap3A_266 = tpu.vector_load %arg11[%swap3A_265] {strides = array<i32>} : memref<128xi32, #tpu.memory_space<vmem>>, vector<16xi32>,
      tpu.vector_store %arg11[%swap3A_265], %shift_right_logical3A_264 {strides = array<i32>} : memref<128xi32, #tpu.memory_space<vmem>>, vector<16xi32>,
      %mul3A_267 = arith.constant 64 : i32
      %mul3A_268 = arith.muli %add3A_234, %mul3A_267 : i32
      %add3A_269 = arith.constant 16 : i32
      %add3A_270 = arith.addi %mul3A_268, %add3A_269 : i32
      %get3A_271 = arith.index_cast %add3A_270 : i32 to index
      %get3A_272 = tpu.vector_load %arg6[%get3A_271] {strides = array<i32>} : memref<5120xi32, #tpu.memory_space<vmem>>, vector<16xi32>,
      %and3A_273 = arith.constant 65535 : i32
      %and3A_274 = vector.broadcast %and3A_273 : i32 to vector<16xi32>
      %and3A_275 = arith.andi %get3A_272, %and3A_274 : vector<16xi32>
      %swap3A_276 = arith.constant 32 : index
      %swap3A_277 = tpu.vector_load %arg9[%swap3A_276] {strides = array<i32>} : memref<128xi32, #tpu.memory_space<vmem>>, vector<16xi32>,
      tpu.vector_store %arg9[%swap3A_276], %and3A_275 {strides = array<i32>} : memref<128xi32, #tpu.memory_space<vmem>>, vector<16xi32>,
      %shift_right_logical3A_278 = arith.constant 16 : i32
      %shift_right_logical3A_279 = vector.broadcast %shift_right_logical3A_278 : i32 to vector<16xi32>
      %shift_right_logical3A_280 = arith.shrui %get3A_272, %shift_right_logical3A_279 : vector<16xi32>
      %swap3A_281 = arith.constant 48 : index
      %swap3A_282 = tpu.vector_load %arg9[%swap3A_281] {strides = array<i32>} : memref<128xi32, #tpu.memory_space<vmem>>, vector<16xi32>,
      tpu.vector_store %arg9[%swap3A_281], %shift_right_logical3A_280 {strides = array<i32>} : memref<128xi32, #tpu.memory_space<vmem>>, vector<16xi32>,
      %mul3A_283 = arith.constant 64 : i32
      %mul3A_284 = arith.muli %add3A_234, %mul3A_283 : i32
      %add3A_285 = arith.constant 16 : i32
      %add3A_286 = arith.addi %mul3A_284, %add3A_285 : i32
      %get3A_287 = arith.index_cast %add3A_286 : i32 to index
      %get3A_288 = tpu.vector_load %arg7[%get3A_287] {strides = array<i32>} : memref<5120xi32, #tpu.memory_space<vmem>>, vector<16xi32>,
      %and3A_289 = arith.constant 65535 : i32
      %and3A_290 = vector.broadcast %and3A_289 : i32 to vector<16xi32>
      %and3A_291 = arith.andi %get3A_288, %and3A_290 : vector<16xi32>
      %swap3A_292 = arith.constant 32 : index
      %swap3A_293 = tpu.vector_load %arg11[%swap3A_292] {strides = array<i32>} : memref<128xi32, #tpu.memory_space<vmem>>, vector<16xi32>,
      tpu.vector_store %arg11[%swap3A_292], %and3A_291 {strides = array<i32>} : memref<128xi32, #tpu.memory_space<vmem>>, vector<16xi32>,
      %shift_right_logical3A_294 = arith.constant 16 : i32
      %shift_right_logical3A_295 = vector.broadcast %shift_right_logical3A_294 : i32 to vector<16xi32>
      %shift_right_logical3A_296 = arith.shrui %get3A_288, %shift_right_logical3A_295 : vector<16xi32>
      %swap3A_297 = arith.constant 48 : index
      %swap3A_298 = tpu.vector_load %arg11[%swap3A_297] {strides = array<i32>} : memref<128xi32, #tpu.memory_space<vmem>>, vector<16xi32>,
      tpu.vector_store %arg11[%swap3A_297], %shift_right_logical3A_296 {strides = array<i32>} : memref<128xi32, #tpu.memory_space<vmem>>, vector<16xi32>,
      %mul3A_299 = arith.constant 64 : i32
      %mul3A_300 = arith.muli %add3A_234, %mul3A_299 : i32
      %add3A_301 = arith.constant 32 : i32
      %add3A_302 = arith.addi %mul3A_300, %add3A_301 : i32
      %get3A_303 = arith.index_cast %add3A_302 : i32 to index
      %get3A_304 = tpu.vector_load %arg6[%get3A_303] {strides = array<i32>} : memref<5120xi32, #tpu.memory_space<vmem>>, vector<16xi32>,
      %and3A_305 = arith.constant 65535 : i32
      %and3A_306 = vector.broadcast %and3A_305 : i32 to vector<16xi32>
      %and3A_307 = arith.andi %get3A_304, %and3A_306 : vector<16xi32>
      %swap3A_308 = arith.constant 64 : index
      %swap3A_309 = tpu.vector_load %arg9[%swap3A_308] {strides = array<i32>} : memref<128xi32, #tpu.memory_space<vmem>>, vector<16xi32>,
      tpu.vector_store %arg9[%swap3A_308], %and3A_307 {strides = array<i32>} : memref<128xi32, #tpu.memory_space<vmem>>, vector<16xi32>,
      %shift_right_logical3A_310 = arith.constant 16 : i32
      %shift_right_logical3A_311 = vector.broadcast %shift_right_logical3A_310 : i32 to vector<16xi32>
      %shift_right_logical3A_312 = arith.shrui %get3A_304, %shift_right_logical3A_311 : vector<16xi32>
      %swap3A_313 = arith.constant 80 : index
      %swap3A_314 = tpu.vector_load %arg9[%swap3A_313] {strides = array<i32>} : memref<128xi32, #tpu.memory_space<vmem>>, vector<16xi32>,
      tpu.vector_store %arg9[%swap3A_313], %shift_right_logical3A_312 {strides = array<i32>} : memref<128xi32, #tpu.memory_space<vmem>>, vector<16xi32>,
      %mul3A_315 = arith.constant 64 : i32
      %mul3A_316 = arith.muli %add3A_234, %mul3A_315 : i32
      %add3A_317 = arith.constant 32 : i32
      %add3A_318 = arith.addi %mul3A_316, %add3A_317 : i32
      %get3A_319 = arith.index_cast %add3A_318 : i32 to index
      %get3A_320 = tpu.vector_load %arg7[%get3A_319] {strides = array<i32>} : memref<5120xi32, #tpu.memory_space<vmem>>, vector<16xi32>,
      %and3A_321 = arith.constant 65535 : i32
      %and3A_322 = vector.broadcast %and3A_321 : i32 to vector<16xi32>
      %and3A_323 = arith.andi %get3A_320, %and3A_322 : vector<16xi32>
      %swap3A_324 = arith.constant 64 : index
      %swap3A_325 = tpu.vector_load %arg11[%swap3A_324] {strides = array<i32>} : memref<128xi32, #tpu.memory_space<vmem>>, vector<16xi32>,
      tpu.vector_store %arg11[%swap3A_324], %and3A_323 {strides = array<i32>} : memref<128xi32, #tpu.memory_space<vmem>>, vector<16xi32>,
      %shift_right_logical3A_326 = arith.constant 16 : i32
      %shift_right_logical3A_327 = vector.broadcast %shift_right_logical3A_326 : i32 to vector<16xi32>
      %shift_right_logical3A_328 = arith.shrui %get3A_320, %shift_right_logical3A_327 : vector<16xi32>
      %swap3A_329 = arith.constant 80 : index
      %swap3A_330 = tpu.vector_load %arg11[%swap3A_329] {strides = array<i32>} : memref<128xi32, #tpu.memory_space<vmem>>, vector<16xi32>,
      tpu.vector_store %arg11[%swap3A_329], %shift_right_logical3A_328 {strides = array<i32>} : memref<128xi32, #tpu.memory_space<vmem>>, vector<16xi32>,
      %mul3A_331 = arith.constant 64 : i32
      %mul3A_332 = arith.muli %add3A_234, %mul3A_331 : i32
      %add3A_333 = arith.constant 48 : i32
      %add3A_334 = arith.addi %mul3A_332, %add3A_333 : i32
      %get3A_335 = arith.index_cast %add3A_334 : i32 to index
      %get3A_336 = tpu.vector_load %arg6[%get3A_335] {strides = array<i32>} : memref<5120xi32, #tpu.memory_space<vmem>>, vector<16xi32>,
      %and3A_337 = arith.constant 65535 : i32
      %and3A_338 = vector.broadcast %and3A_337 : i32 to vector<16xi32>
      %and3A_339 = arith.andi %get3A_336, %and3A_338 : vector<16xi32>
      %swap3A_340 = arith.constant 96 : index
      %swap3A_341 = tpu.vector_load %arg9[%swap3A_340] {strides = array<i32>} : memref<128xi32, #tpu.memory_space<vmem>>, vector<16xi32>,
      tpu.vector_store %arg9[%swap3A_340], %and3A_339 {strides = array<i32>} : memref<128xi32, #tpu.memory_space<vmem>>, vector<16xi32>,
      %shift_right_logical3A_342 = arith.constant 16 : i32
      %shift_right_logical3A_343 = vector.broadcast %shift_right_logical3A_342 : i32 to vector<16xi32>
      %shift_right_logical3A_344 = arith.shrui %get3A_336, %shift_right_logical3A_343 : vector<16xi32>
      %swap3A_345 = arith.constant 112 : index
      %swap3A_346 = tpu.vector_load %arg9[%swap3A_345] {strides = array<i32>} : memref<128xi32, #tpu.memory_space<vmem>>, vector<16xi32>,
      tpu.vector_store %arg9[%swap3A_345], %shift_right_logical3A_344 {strides = array<i32>} : memref<128xi32, #tpu.memory_space<vmem>>, vector<16xi32>,
      %mul3A_347 = arith.constant 64 : i32
      %mul3A_348 = arith.muli %add3A_234, %mul3A_347 : i32
      %add3A_349 = arith.constant 48 : i32
      %add3A_350 = arith.addi %mul3A_348, %add3A_349 : i32
      %get3A_351 = arith.index_cast %add3A_350 : i32 to index
      %get3A_352 = tpu.vector_load %arg7[%get3A_351] {strides = array<i32>} : memref<5120xi32, #tpu.memory_space<vmem>>, vector<16xi32>,
      %and3A_353 = arith.constant 65535 : i32
      %and3A_354 = vector.broadcast %and3A_353 : i32 to vector<16xi32>
      %and3A_355 = arith.andi %get3A_352, %and3A_354 : vector<16xi32>
      %swap3A_356 = arith.constant 96 : index
      %swap3A_357 = tpu.vector_load %arg11[%swap3A_356] {strides = array<i32>} : memref<128xi32, #tpu.memory_space<vmem>>, vector<16xi32>,
      tpu.vector_store %arg11[%swap3A_356], %and3A_355 {strides = array<i32>} : memref<128xi32, #tpu.memory_space<vmem>>, vector<16xi32>,
      %shift_right_logical3A_358 = arith.constant 16 : i32
      %shift_right_logical3A_359 = vector.broadcast %shift_right_logical3A_358 : i32 to vector<16xi32>
      %shift_right_logical3A_360 = arith.shrui %get3A_352, %shift_right_logical3A_359 : vector<16xi32>
      %swap3A_361 = arith.constant 112 : index
      %swap3A_362 = tpu.vector_load %arg11[%swap3A_361] {strides = array<i32>} : memref<128xi32, #tpu.memory_space<vmem>>, vector<16xi32>,
      tpu.vector_store %arg11[%swap3A_361], %shift_right_logical3A_360 {strides = array<i32>} : memref<128xi32, #tpu.memory_space<vmem>>, vector<16xi32>,
      %dma_start3A_363 = arith.constant 0 : i32
      %dma_start3A_364 = arith.constant 0 : i32
      %dma_start3A_365 = tpu.memref_slice %arg2[%dma_start3A_363, %dma_start3A_364] : memref<10112x128xf32, #tpu.memory_space<hbm>> -> memref<10112x128xf32, #tpu.memory_space<hbm>>
      tpu.enqueue_indirect_dma source(%dma_start3A_365 : memref<10112x128xf32, #tpu.memory_space<hbm>>) target(%arg13 : memref<128x128xf32, #tpu.memory_space<vmem>>) offsets(%arg9 : memref<128xi32, #tpu.memory_space<vmem>>) semaphore(%arg17 : memref<!tpu.dma_semaphore, #tpu.memory_space<semaphore_mem>>)
      %dma_wait3A_366 = arith.constant 0 : i32
      %dma_wait3A_367 = arith.constant 0 : i32
      %dma_wait3A_368 = tpu.memref_slice %arg2[%dma_wait3A_366, %dma_wait3A_367] : memref<10112x128xf32, #tpu.memory_space<hbm>> -> memref<10112x128xf32, #tpu.memory_space<hbm>>
      tpu.wait_indirect_dma semaphore(%arg16 : memref<!tpu.dma_semaphore, #tpu.memory_space<semaphore_mem>>) src(%dma_wait3A_368 : memref<10112x128xf32, #tpu.memory_space<hbm>>) dst(%arg12 : memref<128x128xf32, #tpu.memory_space<vmem>>)
      "tpu.region"() ({
        %run_scoped3A = tpu.sem_alloc : memref<!tpu.dma_semaphore, #tpu.memory_space<semaphore_mem>>
        %dma_start3A_505 = arith.constant 0 : i32
        %dma_start3A_506 = arith.constant 0 : i32
        %dma_start3A_507 = tpu.memref_slice %arg15[%dma_start3A_505, %dma_start3A_506] : memref<10112x128xf32, #tpu.memory_space<vmem_shared>> -> memref<10112x128xf32, #tpu.memory_space<vmem_shared>>
        tpu.enqueue_indirect_dma source(%arg12 : memref<128x128xf32, #tpu.memory_space<vmem>>) target(%dma_start3A_507 : memref<10112x128xf32, #tpu.memory_space<vmem_shared>>) offsets(%arg10 : memref<128xi32, #tpu.memory_space<vmem>>) semaphore(%run_scoped3A : memref<!tpu.dma_semaphore, #tpu.memory_space<semaphore_mem>>) {add = true}
        %dma_wait3A_508 = arith.constant 0 : i32
        %dma_wait3A_509 = arith.constant 0 : i32
        %dma_wait3A_510 = tpu.memref_slice %arg15[%dma_wait3A_508, %dma_wait3A_509] : memref<10112x128xf32, #tpu.memory_space<vmem_shared>> -> memref<10112x128xf32, #tpu.memory_space<vmem_shared>>
        tpu.wait_indirect_dma semaphore(%run_scoped3A : memref<!tpu.dma_semaphore, #tpu.memory_space<semaphore_mem>>) src(%arg12 : memref<128x128xf32, #tpu.memory_space<vmem>>) dst(%dma_wait3A_510 : memref<10112x128xf32, #tpu.memory_space<vmem_shared>>)
        tpu.yield
      }) : () -> ()
      %add3A_369 = arith.constant 2 : i32
      %add3A_370 = arith.addi %mul3A_232, %add3A_369 : i32
      %mul3A_371 = arith.constant 64 : i32
      %mul3A_372 = arith.muli %add3A_370, %mul3A_371 : i32
      %add3A_373 = arith.constant 0 : i32
      %add3A_374 = arith.addi %mul3A_372, %add3A_373 : i32
      %get3A_375 = arith.index_cast %add3A_374 : i32 to index
      %get3A_376 = tpu.vector_load %arg6[%get3A_375] {strides = array<i32>} : memref<5120xi32, #tpu.memory_space<vmem>>, vector<16xi32>,
      %and3A_377 = arith.constant 65535 : i32
      %and3A_378 = vector.broadcast %and3A_377 : i32 to vector<16xi32>
      %and3A_379 = arith.andi %get3A_376, %and3A_378 : vector<16xi32>
      %swap3A_380 = arith.constant 0 : index
      %swap3A_381 = tpu.vector_load %arg8[%swap3A_380] {strides = array<i32>} : memref<128xi32, #tpu.memory_space<vmem>>, vector<16xi32>,
      tpu.vector_store %arg8[%swap3A_380], %and3A_379 {strides = array<i32>} : memref<128xi32, #tpu.memory_space<vmem>>, vector<16xi32>,
      %shift_right_logical3A_382 = arith.constant 16 : i32
      %shift_right_logical3A_383 = vector.broadcast %shift_right_logical3A_382 : i32 to vector<16xi32>
      %shift_right_logical3A_384 = arith.shrui %get3A_376, %shift_right_logical3A_383 : vector<16xi32>
      %swap3A_385 = arith.constant 16 : index
      %swap3A_386 = tpu.vector_load %arg8[%swap3A_385] {strides = array<i32>} : memref<128xi32, #tpu.memory_space<vmem>>, vector<16xi32>,
      tpu.vector_store %arg8[%swap3A_385], %shift_right_logical3A_384 {strides = array<i32>} : memref<128xi32, #tpu.memory_space<vmem>>, vector<16xi32>,
      %mul3A_387 = arith.constant 64 : i32
      %mul3A_388 = arith.muli %add3A_370, %mul3A_387 : i32
      %add3A_389 = arith.constant 0 : i32
      %add3A_390 = arith.addi %mul3A_388, %add3A_389 : i32
      %get3A_391 = arith.index_cast %add3A_390 : i32 to index
      %get3A_392 = tpu.vector_load %arg7[%get3A_391] {strides = array<i32>} : memref<5120xi32, #tpu.memory_space<vmem>>, vector<16xi32>,
      %and3A_393 = arith.constant 65535 : i32
      %and3A_394 = vector.broadcast %and3A_393 : i32 to vector<16xi32>
      %and3A_395 = arith.andi %get3A_392, %and3A_394 : vector<16xi32>
      %swap3A_396 = arith.constant 0 : index
      %swap3A_397 = tpu.vector_load %arg10[%swap3A_396] {strides = array<i32>} : memref<128xi32, #tpu.memory_space<vmem>>, vector<16xi32>,
      tpu.vector_store %arg10[%swap3A_396], %and3A_395 {strides = array<i32>} : memref<128xi32, #tpu.memory_space<vmem>>, vector<16xi32>,
      %shift_right_logical3A_398 = arith.constant 16 : i32
      %shift_right_logical3A_399 = vector.broadcast %shift_right_logical3A_398 : i32 to vector<16xi32>
      %shift_right_logical3A_400 = arith.shrui %get3A_392, %shift_right_logical3A_399 : vector<16xi32>
      %swap3A_401 = arith.constant 16 : index
      %swap3A_402 = tpu.vector_load %arg10[%swap3A_401] {strides = array<i32>} : memref<128xi32, #tpu.memory_space<vmem>>, vector<16xi32>,
      tpu.vector_store %arg10[%swap3A_401], %shift_right_logical3A_400 {strides = array<i32>} : memref<128xi32, #tpu.memory_space<vmem>>, vector<16xi32>,
      %mul3A_403 = arith.constant 64 : i32
      %mul3A_404 = arith.muli %add3A_370, %mul3A_403 : i32
      %add3A_405 = arith.constant 16 : i32
      %add3A_406 = arith.addi %mul3A_404, %add3A_405 : i32
      %get3A_407 = arith.index_cast %add3A_406 : i32 to index
      %get3A_408 = tpu.vector_load %arg6[%get3A_407] {strides = array<i32>} : memref<5120xi32, #tpu.memory_space<vmem>>, vector<16xi32>,
      %and3A_409 = arith.constant 65535 : i32
      %and3A_410 = vector.broadcast %and3A_409 : i32 to vector<16xi32>
      %and3A_411 = arith.andi %get3A_408, %and3A_410 : vector<16xi32>
      %swap3A_412 = arith.constant 32 : index
      %swap3A_413 = tpu.vector_load %arg8[%swap3A_412] {strides = array<i32>} : memref<128xi32, #tpu.memory_space<vmem>>, vector<16xi32>,
      tpu.vector_store %arg8[%swap3A_412], %and3A_411 {strides = array<i32>} : memref<128xi32, #tpu.memory_space<vmem>>, vector<16xi32>,
      %shift_right_logical3A_414 = arith.constant 16 : i32
      %shift_right_logical3A_415 = vector.broadcast %shift_right_logical3A_414 : i32 to vector<16xi32>
      %shift_right_logical3A_416 = arith.shrui %get3A_408, %shift_right_logical3A_415 : vector<16xi32>
      %swap3A_417 = arith.constant 48 : index
      %swap3A_418 = tpu.vector_load %arg8[%swap3A_417] {strides = array<i32>} : memref<128xi32, #tpu.memory_space<vmem>>, vector<16xi32>,
      tpu.vector_store %arg8[%swap3A_417], %shift_right_logical3A_416 {strides = array<i32>} : memref<128xi32, #tpu.memory_space<vmem>>, vector<16xi32>,
      %mul3A_419 = arith.constant 64 : i32
      %mul3A_420 = arith.muli %add3A_370, %mul3A_419 : i32
      %add3A_421 = arith.constant 16 : i32
      %add3A_422 = arith.addi %mul3A_420, %add3A_421 : i32
      %get3A_423 = arith.index_cast %add3A_422 : i32 to index
      %get3A_424 = tpu.vector_load %arg7[%get3A_423] {strides = array<i32>} : memref<5120xi32, #tpu.memory_space<vmem>>, vector<16xi32>,
      %and3A_425 = arith.constant 65535 : i32
      %and3A_426 = vector.broadcast %and3A_425 : i32 to vector<16xi32>
      %and3A_427 = arith.andi %get3A_424, %and3A_426 : vector<16xi32>
      %swap3A_428 = arith.constant 32 : index
      %swap3A_429 = tpu.vector_load %arg10[%swap3A_428] {strides = array<i32>} : memref<128xi32, #tpu.memory_space<vmem>>, vector<16xi32>,
      tpu.vector_store %arg10[%swap3A_428], %and3A_427 {strides = array<i32>} : memref<128xi32, #tpu.memory_space<vmem>>, vector<16xi32>,
      %shift_right_logical3A_430 = arith.constant 16 : i32
      %shift_right_logical3A_431 = vector.broadcast %shift_right_logical3A_430 : i32 to vector<16xi32>
      %shift_right_logical3A_432 = arith.shrui %get3A_424, %shift_right_logical3A_431 : vector<16xi32>
      %swap3A_433 = arith.constant 48 : index
      %swap3A_434 = tpu.vector_load %arg10[%swap3A_433] {strides = array<i32>} : memref<128xi32, #tpu.memory_space<vmem>>, vector<16xi32>,
      tpu.vector_store %arg10[%swap3A_433], %shift_right_logical3A_432 {strides = array<i32>} : memref<128xi32, #tpu.memory_space<vmem>>, vector<16xi32>,
      %mul3A_435 = arith.constant 64 : i32
      %mul3A_436 = arith.muli %add3A_370, %mul3A_435 : i32
      %add3A_437 = arith.constant 32 : i32
      %add3A_438 = arith.addi %mul3A_436, %add3A_437 : i32
      %get3A_439 = arith.index_cast %add3A_438 : i32 to index
      %get3A_440 = tpu.vector_load %arg6[%get3A_439] {strides = array<i32>} : memref<5120xi32, #tpu.memory_space<vmem>>, vector<16xi32>,
      %and3A_441 = arith.constant 65535 : i32
      %and3A_442 = vector.broadcast %and3A_441 : i32 to vector<16xi32>
      %and3A_443 = arith.andi %get3A_440, %and3A_442 : vector<16xi32>
      %swap3A_444 = arith.constant 64 : index
      %swap3A_445 = tpu.vector_load %arg8[%swap3A_444] {strides = array<i32>} : memref<128xi32, #tpu.memory_space<vmem>>, vector<16xi32>,
      tpu.vector_store %arg8[%swap3A_444], %and3A_443 {strides = array<i32>} : memref<128xi32, #tpu.memory_space<vmem>>, vector<16xi32>,
      %shift_right_logical3A_446 = arith.constant 16 : i32
      %shift_right_logical3A_447 = vector.broadcast %shift_right_logical3A_446 : i32 to vector<16xi32>
      %shift_right_logical3A_448 = arith.shrui %get3A_440, %shift_right_logical3A_447 : vector<16xi32>
      %swap3A_449 = arith.constant 80 : index
      %swap3A_450 = tpu.vector_load %arg8[%swap3A_449] {strides = array<i32>} : memref<128xi32, #tpu.memory_space<vmem>>, vector<16xi32>,
      tpu.vector_store %arg8[%swap3A_449], %shift_right_logical3A_448 {strides = array<i32>} : memref<128xi32, #tpu.memory_space<vmem>>, vector<16xi32>,
      %mul3A_451 = arith.constant 64 : i32
      %mul3A_452 = arith.muli %add3A_370, %mul3A_451 : i32
      %add3A_453 = arith.constant 32 : i32
      %add3A_454 = arith.addi %mul3A_452, %add3A_453 : i32
      %get3A_455 = arith.index_cast %add3A_454 : i32 to index
      %get3A_456 = tpu.vector_load %arg7[%get3A_455] {strides = array<i32>} : memref<5120xi32, #tpu.memory_space<vmem>>, vector<16xi32>,
      %and3A_457 = arith.constant 65535 : i32
      %and3A_458 = vector.broadcast %and3A_457 : i32 to vector<16xi32>
      %and3A_459 = arith.andi %get3A_456, %and3A_458 : vector<16xi32>
      %swap3A_460 = arith.constant 64 : index
      %swap3A_461 = tpu.vector_load %arg10[%swap3A_460] {strides = array<i32>} : memref<128xi32, #tpu.memory_space<vmem>>, vector<16xi32>,
      tpu.vector_store %arg10[%swap3A_460], %and3A_459 {strides = array<i32>} : memref<128xi32, #tpu.memory_space<vmem>>, vector<16xi32>,
      %shift_right_logical3A_462 = arith.constant 16 : i32
      %shift_right_logical3A_463 = vector.broadcast %shift_right_logical3A_462 : i32 to vector<16xi32>
      %shift_right_logical3A_464 = arith.shrui %get3A_456, %shift_right_logical3A_463 : vector<16xi32>
      %swap3A_465 = arith.constant 80 : index
      %swap3A_466 = tpu.vector_load %arg10[%swap3A_465] {strides = array<i32>} : memref<128xi32, #tpu.memory_space<vmem>>, vector<16xi32>,
      tpu.vector_store %arg10[%swap3A_465], %shift_right_logical3A_464 {strides = array<i32>} : memref<128xi32, #tpu.memory_space<vmem>>, vector<16xi32>,
      %mul3A_467 = arith.constant 64 : i32
      %mul3A_468 = arith.muli %add3A_370, %mul3A_467 : i32
      %add3A_469 = arith.constant 48 : i32
      %add3A_470 = arith.addi %mul3A_468, %add3A_469 : i32
      %get3A_471 = arith.index_cast %add3A_470 : i32 to index
      %get3A_472 = tpu.vector_load %arg6[%get3A_471] {strides = array<i32>} : memref<5120xi32, #tpu.memory_space<vmem>>, vector<16xi32>,
      %and3A_473 = arith.constant 65535 : i32
      %and3A_474 = vector.broadcast %and3A_473 : i32 to vector<16xi32>
      %and3A_475 = arith.andi %get3A_472, %and3A_474 : vector<16xi32>
      %swap3A_476 = arith.constant 96 : index
      %swap3A_477 = tpu.vector_load %arg8[%swap3A_476] {strides = array<i32>} : memref<128xi32, #tpu.memory_space<vmem>>, vector<16xi32>,
      tpu.vector_store %arg8[%swap3A_476], %and3A_475 {strides = array<i32>} : memref<128xi32, #tpu.memory_space<vmem>>, vector<16xi32>,
      %shift_right_logical3A_478 = arith.constant 16 : i32
      %shift_right_logical3A_479 = vector.broadcast %shift_right_logical3A_478 : i32 to vector<16xi32>
      %shift_right_logical3A_480 = arith.shrui %get3A_472, %shift_right_logical3A_479 : vector<16xi32>
      %swap3A_481 = arith.constant 112 : index
      %swap3A_482 = tpu.vector_load %arg8[%swap3A_481] {strides = array<i32>} : memref<128xi32, #tpu.memory_space<vmem>>, vector<16xi32>,
      tpu.vector_store %arg8[%swap3A_481], %shift_right_logical3A_480 {strides = array<i32>} : memref<128xi32, #tpu.memory_space<vmem>>, vector<16xi32>,
      %mul3A_483 = arith.constant 64 : i32
      %mul3A_484 = arith.muli %add3A_370, %mul3A_483 : i32
      %add3A_485 = arith.constant 48 : i32
      %add3A_486 = arith.addi %mul3A_484, %add3A_485 : i32
      %get3A_487 = arith.index_cast %add3A_486 : i32 to index
      %get3A_488 = tpu.vector_load %arg7[%get3A_487] {strides = array<i32>} : memref<5120xi32, #tpu.memory_space<vmem>>, vector<16xi32>,
      %and3A_489 = arith.constant 65535 : i32
      %and3A_490 = vector.broadcast %and3A_489 : i32 to vector<16xi32>
      %and3A_491 = arith.andi %get3A_488, %and3A_490 : vector<16xi32>
      %swap3A_492 = arith.constant 96 : index
      %swap3A_493 = tpu.vector_load %arg10[%swap3A_492] {strides = array<i32>} : memref<128xi32, #tpu.memory_space<vmem>>, vector<16xi32>,
      tpu.vector_store %arg10[%swap3A_492], %and3A_491 {strides = array<i32>} : memref<128xi32, #tpu.memory_space<vmem>>, vector<16xi32>,
      %shift_right_logical3A_494 = arith.constant 16 : i32
      %shift_right_logical3A_495 = vector.broadcast %shift_right_logical3A_494 : i32 to vector<16xi32>
      %shift_right_logical3A_496 = arith.shrui %get3A_488, %shift_right_logical3A_495 : vector<16xi32>
      %swap3A_497 = arith.constant 112 : index
      %swap3A_498 = tpu.vector_load %arg10[%swap3A_497] {strides = array<i32>} : memref<128xi32, #tpu.memory_space<vmem>>, vector<16xi32>,
      tpu.vector_store %arg10[%swap3A_497], %shift_right_logical3A_496 {strides = array<i32>} : memref<128xi32, #tpu.memory_space<vmem>>, vector<16xi32>,
      %dma_start3A_499 = arith.constant 0 : i32
      %dma_start3A_500 = arith.constant 0 : i32
      %dma_start3A_501 = tpu.memref_slice %arg2[%dma_start3A_499, %dma_start3A_500] : memref<10112x128xf32, #tpu.memory_space<hbm>> -> memref<10112x128xf32, #tpu.memory_space<hbm>>
      tpu.enqueue_indirect_dma source(%dma_start3A_501 : memref<10112x128xf32, #tpu.memory_space<hbm>>) target(%arg12 : memref<128x128xf32, #tpu.memory_space<vmem>>) offsets(%arg8 : memref<128xi32, #tpu.memory_space<vmem>>) semaphore(%arg16 : memref<!tpu.dma_semaphore, #tpu.memory_space<semaphore_mem>>)
      %dma_wait3A_502 = arith.constant 0 : i32
      %dma_wait3A_503 = arith.constant 0 : i32
      %dma_wait3A_504 = tpu.memref_slice %arg2[%dma_wait3A_502, %dma_wait3A_503] : memref<10112x128xf32, #tpu.memory_space<hbm>> -> memref<10112x128xf32, #tpu.memory_space<hbm>>
      tpu.wait_indirect_dma semaphore(%arg17 : memref<!tpu.dma_semaphore, #tpu.memory_space<semaphore_mem>>) src(%dma_wait3A_504 : memref<10112x128xf32, #tpu.memory_space<hbm>>) dst(%arg13 : memref<128x128xf32, #tpu.memory_space<vmem>>)
      "tpu.region"() ({
        %run_scoped3A = tpu.sem_alloc : memref<!tpu.dma_semaphore, #tpu.memory_space<semaphore_mem>>
        %dma_start3A_505 = arith.constant 0 : i32
        %dma_start3A_506 = arith.constant 0 : i32
        %dma_start3A_507 = tpu.memref_slice %arg15[%dma_start3A_505, %dma_start3A_506] : memref<10112x128xf32, #tpu.memory_space<vmem_shared>> -> memref<10112x128xf32, #tpu.memory_space<vmem_shared>>
        tpu.enqueue_indirect_dma source(%arg13 : memref<128x128xf32, #tpu.memory_space<vmem>>) target(%dma_start3A_507 : memref<10112x128xf32, #tpu.memory_space<vmem_shared>>) offsets(%arg11 : memref<128xi32, #tpu.memory_space<vmem>>) semaphore(%run_scoped3A : memref<!tpu.dma_semaphore, #tpu.memory_space<semaphore_mem>>) {add = true}
        %dma_wait3A_508 = arith.constant 0 : i32
        %dma_wait3A_509 = arith.constant 0 : i32
        %dma_wait3A_510 = tpu.memref_slice %arg15[%dma_wait3A_508, %dma_wait3A_509] : memref<10112x128xf32, #tpu.memory_space<vmem_shared>> -> memref<10112x128xf32, #tpu.memory_space<vmem_shared>>
        tpu.wait_indirect_dma semaphore(%run_scoped3A : memref<!tpu.dma_semaphore, #tpu.memory_space<semaphore_mem>>) src(%arg13 : memref<128x128xf32, #tpu.memory_space<vmem>>) dst(%dma_wait3A_510 : memref<10112x128xf32, #tpu.memory_space<vmem_shared>>)
        tpu.yield
      }) : () -> ()
    }
    %scan3A_119 = arith.constant 39 : i32
    %get3A_120 = arith.constant 5056 : index
    %get3A_121 = tpu.vector_load %arg6[%get3A_120] {strides = array<i32>} : memref<5120xi32, #tpu.memory_space<vmem>>, vector<16xi32>,
    %and3A_122 = arith.constant 65535 : i32
    %and3A_123 = vector.broadcast %and3A_122 : i32 to vector<16xi32>
    %and3A_124 = arith.andi %get3A_121, %and3A_123 : vector<16xi32>
    %swap3A_125 = arith.constant 0 : index
    %swap3A_126 = tpu.vector_load %arg9[%swap3A_125] {strides = array<i32>} : memref<128xi32, #tpu.memory_space<vmem>>, vector<16xi32>,
    tpu.vector_store %arg9[%swap3A_125], %and3A_124 {strides = array<i32>} : memref<128xi32, #tpu.memory_space<vmem>>, vector<16xi32>,
    %shift_right_logical3A_127 = arith.constant 16 : i32
    %shift_right_logical3A_128 = vector.broadcast %shift_right_logical3A_127 : i32 to vector<16xi32>
    %shift_right_logical3A_129 = arith.shrui %get3A_121, %shift_right_logical3A_128 : vector<16xi32>
    %swap3A_130 = arith.constant 16 : index
    %swap3A_131 = tpu.vector_load %arg9[%swap3A_130] {strides = array<i32>} : memref<128xi32, #tpu.memory_space<vmem>>, vector<16xi32>,
    tpu.vector_store %arg9[%swap3A_130], %shift_right_logical3A_129 {strides = array<i32>} : memref<128xi32, #tpu.memory_space<vmem>>, vector<16xi32>,
    %get3A_132 = arith.constant 5056 : index
    %get3A_133 = tpu.vector_load %arg7[%get3A_132] {strides = array<i32>} : memref<5120xi32, #tpu.memory_space<vmem>>, vector<16xi32>,
    %and3A_134 = arith.constant 65535 : i32
    %and3A_135 = vector.broadcast %and3A_134 : i32 to vector<16xi32>
    %and3A_136 = arith.andi %get3A_133, %and3A_135 : vector<16xi32>
    %swap3A_137 = arith.constant 0 : index
    %swap3A_138 = tpu.vector_load %arg11[%swap3A_137] {strides = array<i32>} : memref<128xi32, #tpu.memory_space<vmem>>, vector<16xi32>,
    tpu.vector_store %arg11[%swap3A_137], %and3A_136 {strides = array<i32>} : memref<128xi32, #tpu.memory_space<vmem>>, vector<16xi32>,
    %shift_right_logical3A_139 = arith.constant 16 : i32
    %shift_right_logical3A_140 = vector.broadcast %shift_right_logical3A_139 : i32 to vector<16xi32>
    %shift_right_logical3A_141 = arith.shrui %get3A_133, %shift_right_logical3A_140 : vector<16xi32>
    %swap3A_142 = arith.constant 16 : index
    %swap3A_143 = tpu.vector_load %arg11[%swap3A_142] {strides = array<i32>} : memref<128xi32, #tpu.memory_space<vmem>>, vector<16xi32>,
    tpu.vector_store %arg11[%swap3A_142], %shift_right_logical3A_141 {strides = array<i32>} : memref<128xi32, #tpu.memory_space<vmem>>, vector<16xi32>,
    %get3A_144 = arith.constant 5072 : index
    %get3A_145 = tpu.vector_load %arg6[%get3A_144] {strides = array<i32>} : memref<5120xi32, #tpu.memory_space<vmem>>, vector<16xi32>,
    %and3A_146 = arith.constant 65535 : i32
    %and3A_147 = vector.broadcast %and3A_146 : i32 to vector<16xi32>
    %and3A_148 = arith.andi %get3A_145, %and3A_147 : vector<16xi32>
    %swap3A_149 = arith.constant 32 : index
    %swap3A_150 = tpu.vector_load %arg9[%swap3A_149] {strides = array<i32>} : memref<128xi32, #tpu.memory_space<vmem>>, vector<16xi32>,
    tpu.vector_store %arg9[%swap3A_149], %and3A_148 {strides = array<i32>} : memref<128xi32, #tpu.memory_space<vmem>>, vector<16xi32>,
    %shift_right_logical3A_151 = arith.constant 16 : i32
    %shift_right_logical3A_152 = vector.broadcast %shift_right_logical3A_151 : i32 to vector<16xi32>
    %shift_right_logical3A_153 = arith.shrui %get3A_145, %shift_right_logical3A_152 : vector<16xi32>
    %swap3A_154 = arith.constant 48 : index
    %swap3A_155 = tpu.vector_load %arg9[%swap3A_154] {strides = array<i32>} : memref<128xi32, #tpu.memory_space<vmem>>, vector<16xi32>,
    tpu.vector_store %arg9[%swap3A_154], %shift_right_logical3A_153 {strides = array<i32>} : memref<128xi32, #tpu.memory_space<vmem>>, vector<16xi32>,
    %get3A_156 = arith.constant 5072 : index
    %get3A_157 = tpu.vector_load %arg7[%get3A_156] {strides = array<i32>} : memref<5120xi32, #tpu.memory_space<vmem>>, vector<16xi32>,
    %and3A_158 = arith.constant 65535 : i32
    %and3A_159 = vector.broadcast %and3A_158 : i32 to vector<16xi32>
    %and3A_160 = arith.andi %get3A_157, %and3A_159 : vector<16xi32>
    %swap3A_161 = arith.constant 32 : index
    %swap3A_162 = tpu.vector_load %arg11[%swap3A_161] {strides = array<i32>} : memref<128xi32, #tpu.memory_space<vmem>>, vector<16xi32>,
    tpu.vector_store %arg11[%swap3A_161], %and3A_160 {strides = array<i32>} : memref<128xi32, #tpu.memory_space<vmem>>, vector<16xi32>,
    %shift_right_logical3A_163 = arith.constant 16 : i32
    %shift_right_logical3A_164 = vector.broadcast %shift_right_logical3A_163 : i32 to vector<16xi32>
    %shift_right_logical3A_165 = arith.shrui %get3A_157, %shift_right_logical3A_164 : vector<16xi32>
    %swap3A_166 = arith.constant 48 : index
    %swap3A_167 = tpu.vector_load %arg11[%swap3A_166] {strides = array<i32>} : memref<128xi32, #tpu.memory_space<vmem>>, vector<16xi32>,
    tpu.vector_store %arg11[%swap3A_166], %shift_right_logical3A_165 {strides = array<i32>} : memref<128xi32, #tpu.memory_space<vmem>>, vector<16xi32>,
    %get3A_168 = arith.constant 5088 : index
    %get3A_169 = tpu.vector_load %arg6[%get3A_168] {strides = array<i32>} : memref<5120xi32, #tpu.memory_space<vmem>>, vector<16xi32>,
    %and3A_170 = arith.constant 65535 : i32
    %and3A_171 = vector.broadcast %and3A_170 : i32 to vector<16xi32>
    %and3A_172 = arith.andi %get3A_169, %and3A_171 : vector<16xi32>
    %swap3A_173 = arith.constant 64 : index
    %swap3A_174 = tpu.vector_load %arg9[%swap3A_173] {strides = array<i32>} : memref<128xi32, #tpu.memory_space<vmem>>, vector<16xi32>,
    tpu.vector_store %arg9[%swap3A_173], %and3A_172 {strides = array<i32>} : memref<128xi32, #tpu.memory_space<vmem>>, vector<16xi32>,
    %shift_right_logical3A_175 = arith.constant 16 : i32
    %shift_right_logical3A_176 = vector.broadcast %shift_right_logical3A_175 : i32 to vector<16xi32>
    %shift_right_logical3A_177 = arith.shrui %get3A_169, %shift_right_logical3A_176 : vector<16xi32>
    %swap3A_178 = arith.constant 80 : index
    %swap3A_179 = tpu.vector_load %arg9[%swap3A_178] {strides = array<i32>} : memref<128xi32, #tpu.memory_space<vmem>>, vector<16xi32>,
    tpu.vector_store %arg9[%swap3A_178], %shift_right_logical3A_177 {strides = array<i32>} : memref<128xi32, #tpu.memory_space<vmem>>, vector<16xi32>,
    %get3A_180 = arith.constant 5088 : index
    %get3A_181 = tpu.vector_load %arg7[%get3A_180] {strides = array<i32>} : memref<5120xi32, #tpu.memory_space<vmem>>, vector<16xi32>,
    %and3A_182 = arith.constant 65535 : i32
    %and3A_183 = vector.broadcast %and3A_182 : i32 to vector<16xi32>
    %and3A_184 = arith.andi %get3A_181, %and3A_183 : vector<16xi32>
    %swap3A_185 = arith.constant 64 : index
    %swap3A_186 = tpu.vector_load %arg11[%swap3A_185] {strides = array<i32>} : memref<128xi32, #tpu.memory_space<vmem>>, vector<16xi32>,
    tpu.vector_store %arg11[%swap3A_185], %and3A_184 {strides = array<i32>} : memref<128xi32, #tpu.memory_space<vmem>>, vector<16xi32>,
    %shift_right_logical3A_187 = arith.constant 16 : i32
    %shift_right_logical3A_188 = vector.broadcast %shift_right_logical3A_187 : i32 to vector<16xi32>
    %shift_right_logical3A_189 = arith.shrui %get3A_181, %shift_right_logical3A_188 : vector<16xi32>
    %swap3A_190 = arith.constant 80 : index
    %swap3A_191 = tpu.vector_load %arg11[%swap3A_190] {strides = array<i32>} : memref<128xi32, #tpu.memory_space<vmem>>, vector<16xi32>,
    tpu.vector_store %arg11[%swap3A_190], %shift_right_logical3A_189 {strides = array<i32>} : memref<128xi32, #tpu.memory_space<vmem>>, vector<16xi32>,
    %get3A_192 = arith.constant 5104 : index
    %get3A_193 = tpu.vector_load %arg6[%get3A_192] {strides = array<i32>} : memref<5120xi32, #tpu.memory_space<vmem>>, vector<16xi32>,
    %and3A_194 = arith.constant 65535 : i32
    %and3A_195 = vector.broadcast %and3A_194 : i32 to vector<16xi32>
    %and3A_196 = arith.andi %get3A_193, %and3A_195 : vector<16xi32>
    %swap3A_197 = arith.constant 96 : index
    %swap3A_198 = tpu.vector_load %arg9[%swap3A_197] {strides = array<i32>} : memref<128xi32, #tpu.memory_space<vmem>>, vector<16xi32>,
    tpu.vector_store %arg9[%swap3A_197], %and3A_196 {strides = array<i32>} : memref<128xi32, #tpu.memory_space<vmem>>, vector<16xi32>,
    %shift_right_logical3A_199 = arith.constant 16 : i32
    %shift_right_logical3A_200 = vector.broadcast %shift_right_logical3A_199 : i32 to vector<16xi32>
    %shift_right_logical3A_201 = arith.shrui %get3A_193, %shift_right_logical3A_200 : vector<16xi32>
    %swap3A_202 = arith.constant 112 : index
    %swap3A_203 = tpu.vector_load %arg9[%swap3A_202] {strides = array<i32>} : memref<128xi32, #tpu.memory_space<vmem>>, vector<16xi32>,
    tpu.vector_store %arg9[%swap3A_202], %shift_right_logical3A_201 {strides = array<i32>} : memref<128xi32, #tpu.memory_space<vmem>>, vector<16xi32>,
    %get3A_204 = arith.constant 5104 : index
    %get3A_205 = tpu.vector_load %arg7[%get3A_204] {strides = array<i32>} : memref<5120xi32, #tpu.memory_space<vmem>>, vector<16xi32>,
    %and3A_206 = arith.constant 65535 : i32
    %and3A_207 = vector.broadcast %and3A_206 : i32 to vector<16xi32>
    %and3A_208 = arith.andi %get3A_205, %and3A_207 : vector<16xi32>
    %swap3A_209 = arith.constant 96 : index
    %swap3A_210 = tpu.vector_load %arg11[%swap3A_209] {strides = array<i32>} : memref<128xi32, #tpu.memory_space<vmem>>, vector<16xi32>,
    tpu.vector_store %arg11[%swap3A_209], %and3A_208 {strides = array<i32>} : memref<128xi32, #tpu.memory_space<vmem>>, vector<16xi32>,
    %shift_right_logical3A_211 = arith.constant 16 : i32
    %shift_right_logical3A_212 = vector.broadcast %shift_right_logical3A_211 : i32 to vector<16xi32>
    %shift_right_logical3A_213 = arith.shrui %get3A_205, %shift_right_logical3A_212 : vector<16xi32>
    %swap3A_214 = arith.constant 112 : index
    %swap3A_215 = tpu.vector_load %arg11[%swap3A_214] {strides = array<i32>} : memref<128xi32, #tpu.memory_space<vmem>>, vector<16xi32>,
    tpu.vector_store %arg11[%swap3A_214], %shift_right_logical3A_213 {strides = array<i32>} : memref<128xi32, #tpu.memory_space<vmem>>, vector<16xi32>,
    %dma_start3A_216 = arith.constant 0 : i32
    %dma_start3A_217 = arith.constant 0 : i32
    %dma_start3A_218 = tpu.memref_slice %arg2[%dma_start3A_216, %dma_start3A_217] : memref<10112x128xf32, #tpu.memory_space<hbm>> -> memref<10112x128xf32, #tpu.memory_space<hbm>>
    tpu.enqueue_indirect_dma source(%dma_start3A_218 : memref<10112x128xf32, #tpu.memory_space<hbm>>) target(%arg13 : memref<128x128xf32, #tpu.memory_space<vmem>>) offsets(%arg9 : memref<128xi32, #tpu.memory_space<vmem>>) semaphore(%arg17 : memref<!tpu.dma_semaphore, #tpu.memory_space<semaphore_mem>>)
    %dma_wait3A_219 = arith.constant 0 : i32
    %dma_wait3A_220 = arith.constant 0 : i32
    %dma_wait3A_221 = tpu.memref_slice %arg2[%dma_wait3A_219, %dma_wait3A_220] : memref<10112x128xf32, #tpu.memory_space<hbm>> -> memref<10112x128xf32, #tpu.memory_space<hbm>>
    tpu.wait_indirect_dma semaphore(%arg16 : memref<!tpu.dma_semaphore, #tpu.memory_space<semaphore_mem>>) src(%dma_wait3A_221 : memref<10112x128xf32, #tpu.memory_space<hbm>>) dst(%arg12 : memref<128x128xf32, #tpu.memory_space<vmem>>)
    "tpu.region"() ({
      %run_scoped3A = tpu.sem_alloc : memref<!tpu.dma_semaphore, #tpu.memory_space<semaphore_mem>>
      %dma_start3A_226 = arith.constant 0 : i32
      %dma_start3A_227 = arith.constant 0 : i32
      %dma_start3A_228 = tpu.memref_slice %arg15[%dma_start3A_226, %dma_start3A_227] : memref<10112x128xf32, #tpu.memory_space<vmem_shared>> -> memref<10112x128xf32, #tpu.memory_space<vmem_shared>>
      tpu.enqueue_indirect_dma source(%arg12 : memref<128x128xf32, #tpu.memory_space<vmem>>) target(%dma_start3A_228 : memref<10112x128xf32, #tpu.memory_space<vmem_shared>>) offsets(%arg10 : memref<128xi32, #tpu.memory_space<vmem>>) semaphore(%run_scoped3A : memref<!tpu.dma_semaphore, #tpu.memory_space<semaphore_mem>>) {add = true}
      %dma_wait3A_229 = arith.constant 0 : i32
      %dma_wait3A_230 = arith.constant 0 : i32
      %dma_wait3A_231 = tpu.memref_slice %arg15[%dma_wait3A_229, %dma_wait3A_230] : memref<10112x128xf32, #tpu.memory_space<vmem_shared>> -> memref<10112x128xf32, #tpu.memory_space<vmem_shared>>
      tpu.wait_indirect_dma semaphore(%run_scoped3A : memref<!tpu.dma_semaphore, #tpu.memory_space<semaphore_mem>>) src(%arg12 : memref<128x128xf32, #tpu.memory_space<vmem>>) dst(%dma_wait3A_231 : memref<10112x128xf32, #tpu.memory_space<vmem_shared>>)
      tpu.yield
    }) : () -> ()
    %dma_wait3A_222 = arith.constant 0 : i32
    %dma_wait3A_223 = arith.constant 0 : i32
    %dma_wait3A_224 = tpu.memref_slice %arg2[%dma_wait3A_222, %dma_wait3A_223] : memref<10112x128xf32, #tpu.memory_space<hbm>> -> memref<10112x128xf32, #tpu.memory_space<hbm>>
    tpu.wait_indirect_dma semaphore(%arg17 : memref<!tpu.dma_semaphore, #tpu.memory_space<semaphore_mem>>) src(%dma_wait3A_224 : memref<10112x128xf32, #tpu.memory_space<hbm>>) dst(%arg13 : memref<128x128xf32, #tpu.memory_space<vmem>>)
    "tpu.region"() ({
      %run_scoped3A = tpu.sem_alloc : memref<!tpu.dma_semaphore, #tpu.memory_space<semaphore_mem>>
      %dma_start3A_226 = arith.constant 0 : i32
      %dma_start3A_227 = arith.constant 0 : i32
      %dma_start3A_228 = tpu.memref_slice %arg15[%dma_start3A_226, %dma_start3A_227] : memref<10112x128xf32, #tpu.memory_space<vmem_shared>> -> memref<10112x128xf32, #tpu.memory_space<vmem_shared>>
      tpu.enqueue_indirect_dma source(%arg13 : memref<128x128xf32, #tpu.memory_space<vmem>>) target(%dma_start3A_228 : memref<10112x128xf32, #tpu.memory_space<vmem_shared>>) offsets(%arg11 : memref<128xi32, #tpu.memory_space<vmem>>) semaphore(%run_scoped3A : memref<!tpu.dma_semaphore, #tpu.memory_space<semaphore_mem>>) {add = true}
      %dma_wait3A_229 = arith.constant 0 : i32
      %dma_wait3A_230 = arith.constant 0 : i32
      %dma_wait3A_231 = tpu.memref_slice %arg15[%dma_wait3A_229, %dma_wait3A_230] : memref<10112x128xf32, #tpu.memory_space<vmem_shared>> -> memref<10112x128xf32, #tpu.memory_space<vmem_shared>>
      tpu.wait_indirect_dma semaphore(%run_scoped3A : memref<!tpu.dma_semaphore, #tpu.memory_space<semaphore_mem>>) src(%arg13 : memref<128x128xf32, #tpu.memory_space<vmem>>) dst(%dma_wait3A_231 : memref<10112x128xf32, #tpu.memory_space<vmem_shared>>)
      tpu.yield
    }) : () -> ()
    %barrier3A_225 = arith.constant 0 : index
    tpu.barrier barrier_id(%barrier3A_225)
    "tpu.region"() ({
      %run_scoped3A = tpu.sem_alloc : memref<!tpu.dma_semaphore, #tpu.memory_space<semaphore_mem>>
      %dma_start3A_226 = arith.constant 0 : i32
      %dma_start3A_227 = tpu.memref_slice %arg5[%arg0, %mul3A_11, %dma_start3A_226] : memref<2x10112x128xf32, #tpu.memory_space<hbm>> -> memref<1x632x128xf32, #tpu.memory_space<hbm>>
      %dma_start3A_228 = tpu.memref_squeeze %dma_start3A_227 : memref<1x632x128xf32, #tpu.memory_space<hbm>> -> memref<632x128xf32, #tpu.memory_space<hbm>>
      %dma_start3A_229 = arith.constant 0 : i32
      %dma_start3A_230 = tpu.memref_slice %arg15[%mul3A_11, %dma_start3A_229] : memref<10112x128xf32, #tpu.memory_space<vmem_shared>> -> memref<632x128xf32, #tpu.memory_space<vmem_shared>>
      tpu.enqueue_dma source(%dma_start3A_230 : memref<632x128xf32, #tpu.memory_space<vmem_shared>>) target(%dma_start3A_228 : memref<632x128xf32, #tpu.memory_space<hbm>>) target_semaphore(%run_scoped3A : memref<!tpu.dma_semaphore, #tpu.memory_space<semaphore_mem>>)
      %dma_wait3A_231 = arith.constant 0 : i32
      %dma_wait3A_232 = tpu.memref_slice %arg5[%arg0, %mul3A_11, %dma_wait3A_231] : memref<2x10112x128xf32, #tpu.memory_space<hbm>> -> memref<1x632x128xf32, #tpu.memory_space<hbm>>
      %dma_wait3A_233 = tpu.memref_squeeze %dma_wait3A_232 : memref<1x632x128xf32, #tpu.memory_space<hbm>> -> memref<632x128xf32, #tpu.memory_space<hbm>>
      %dma_wait3A_234 = arith.constant 0 : i32
      %dma_wait3A_235 = tpu.memref_slice %arg15[%mul3A_11, %dma_wait3A_234] : memref<10112x128xf32, #tpu.memory_space<vmem_shared>> -> memref<632x128xf32, #tpu.memory_space<vmem_shared>>
      tpu.wait_dma2 semaphore(%run_scoped3A : memref<!tpu.dma_semaphore, #tpu.memory_space<semaphore_mem>>) src(%dma_wait3A_235 : memref<632x128xf32, #tpu.memory_space<vmem_shared>>) dst(%dma_wait3A_233 : memref<632x128xf32, #tpu.memory_space<hbm>>)
      tpu.yield
    }) : () -> ()
    return
  }
}

module attributes {stable_mosaic.version = 14 : i64} {
  func.func @_mid_body(%arg0: memref<2x10112x128xf32, #tpu.memory_space<vmem>>, %arg1: memref<10240x16xf32, #tpu.memory_space<vmem>>, %arg2: memref<10240x16xf32, #tpu.memory_space<vmem>>, %arg3: memref<128x256xf32, #tpu.memory_space<vmem>>, %arg4: memref<256xf32, #tpu.memory_space<vmem>>, %arg5: memref<256x128xf32, #tpu.memory_space<vmem>>, %arg6: memref<10112x128xf32, #tpu.memory_space<vmem>>) attributes {dimension_semantics = [], scalar_prefetch = 0 : i64, scratch_operands = 0 : i64, tpu.core_type = #tpu.core_type<tc>} {
    %get3A = arith.constant 0 : index
    %get3A_0 = arith.constant 0 : index
    %get3A_1 = arith.constant 0 : index
    %get3A_2 = vector.load %arg0[%get3A, %get3A_0, %get3A_1] : memref<2x10112x128xf32, #tpu.memory_space<vmem>>, vector<1x10000x128xf32>
    %get3A_3 = vector.shape_cast %get3A_2 : vector<1x10000x128xf32> to vector<10000x128xf32>
    %get3A_4 = arith.constant 1 : index
    %get3A_5 = arith.constant 0 : index
    %get3A_6 = arith.constant 0 : index
    %get3A_7 = vector.load %arg0[%get3A_4, %get3A_5, %get3A_6] : memref<2x10112x128xf32, #tpu.memory_space<vmem>>, vector<1x10000x128xf32>
    %get3A_8 = vector.shape_cast %get3A_7 : vector<1x10000x128xf32> to vector<10000x128xf32>
    %add3A = arith.addf %get3A_3, %get3A_8 : vector<10000x128xf32>
    %get3A_9 = arith.constant 0 : index
    %get3A_10 = arith.constant 0 : index
    %get3A_11 = vector.load %arg3[%get3A_9, %get3A_10] : memref<128x256xf32, #tpu.memory_space<vmem>>, vector<128x256xf32>
    %dot_general3A = arith.constant dense<0.000000e+00> : vector<10000x256xf32>
    %dot_general3A_12 = tpu.matmul %add3A, %get3A_11, %dot_general3A {dimension_numbers = #tpu.dot_dimension_numbers<[1], [0], [0], [1], [0, 0, 1, 1], [], []>, transpose_lhs_hint = false} : vector<10000x128xf32>, vector<128x256xf32>, vector<10000x256xf32> -> vector<10000x256xf32>
    %get3A_13 = arith.constant 0 : index
    %get3A_14 = arith.constant 0 : index
    %get3A_15 = vector.load %arg1[%get3A_13, %get3A_14] : memref<10240x16xf32, #tpu.memory_space<vmem>>, vector<10000x1xf32>
    %mul3A = vector.broadcast %get3A_15 : vector<10000x1xf32> to vector<10000x256xf32>
    %mul3A_16 = arith.mulf %dot_general3A_12, %mul3A : vector<10000x256xf32>
    %get3A_17 = arith.constant 0 : index
    %get3A_18 = vector.load %arg4[%get3A_17] : memref<256xf32, #tpu.memory_space<vmem>>, vector<256xf32>
    %broadcast_in_dim3A = vector.shape_cast %get3A_18 : vector<256xf32> to vector<1x256xf32>
    %add3A_19 = vector.broadcast %broadcast_in_dim3A : vector<1x256xf32> to vector<10000x256xf32>
    %add3A_20 = arith.addf %mul3A_16, %add3A_19 : vector<10000x256xf32>
    %max3A = arith.constant 0.000000e+00 : f32
    %max3A_21 = vector.broadcast %max3A : f32 to vector<10000x256xf32>
    %max3A_22 = arith.maximumf %add3A_20, %max3A_21 : vector<10000x256xf32>
    %get3A_23 = arith.constant 0 : index
    %get3A_24 = arith.constant 0 : index
    %get3A_25 = vector.load %arg2[%get3A_23, %get3A_24] : memref<10240x16xf32, #tpu.memory_space<vmem>>, vector<10000x1xf32>
    %mul3A_26 = vector.broadcast %get3A_25 : vector<10000x1xf32> to vector<10000x256xf32>
    %mul3A_27 = arith.mulf %max3A_22, %mul3A_26 : vector<10000x256xf32>
    %get3A_28 = arith.constant 0 : index
    %get3A_29 = arith.constant 0 : index
    %get3A_30 = vector.load %arg5[%get3A_28, %get3A_29] : memref<256x128xf32, #tpu.memory_space<vmem>>, vector<256x128xf32>
    %dot_general3A_31 = arith.constant dense<0.000000e+00> : vector<10000x128xf32>
    %dot_general3A_32 = tpu.matmul %mul3A_27, %get3A_30, %dot_general3A_31 {dimension_numbers = #tpu.dot_dimension_numbers<[1], [0], [0], [1], [0, 0, 1, 1], [], []>, transpose_lhs_hint = false} : vector<10000x256xf32>, vector<256x128xf32>, vector<10000x128xf32> -> vector<10000x128xf32>
    %swap3A = arith.constant 0 : index
    %swap3A_33 = arith.constant 0 : index
    %swap3A_34 = vector.load %arg6[%swap3A, %swap3A_33] : memref<10112x128xf32, #tpu.memory_space<vmem>>, vector<10000x128xf32>
    tpu.vector_store %arg6[%swap3A, %swap3A_33], %dot_general3A_32 {strides = array<i32>} : memref<10112x128xf32, #tpu.memory_space<vmem>>, vector<10000x128xf32>,
    %broadcast_in_dim3A_35 = arith.constant 0.000000e+00 : f32
    %broadcast_in_dim3A_36 = vector.broadcast %broadcast_in_dim3A_35 : f32 to vector<112x128xf32>
    %swap3A_37 = arith.constant 10000 : index
    %swap3A_38 = arith.constant 0 : index
    %swap3A_39 = vector.load %arg6[%swap3A_37, %swap3A_38] : memref<10112x128xf32, #tpu.memory_space<vmem>>, vector<112x128xf32>
    tpu.vector_store %arg6[%swap3A_37, %swap3A_38], %broadcast_in_dim3A_36 {strides = array<i32>} : memref<10112x128xf32, #tpu.memory_space<vmem>>, vector<112x128xf32>,
    return
  }
}

module attributes {stable_mosaic.version = 14 : i64} {
  func.func @_prep_body(%arg0: memref<10000x128xf32, #tpu.memory_space<vmem>>, %arg1: memref<32x10240xf32, #tpu.memory_space<vmem>>, %arg2: memref<32x10240xf32, #tpu.memory_space<vmem>>, %arg3: memref<10112x128xf32, #tpu.memory_space<vmem>>, %arg4: memref<10240xf32, #tpu.memory_space<vmem>>, %arg5: memref<10240x16xf32, #tpu.memory_space<vmem>>, %arg6: memref<10240x16xf32, #tpu.memory_space<vmem>>) attributes {dimension_semantics = [], scalar_prefetch = 0 : i64, scratch_operands = 0 : i64, tpu.core_type = #tpu.core_type<tc>} {
    %get3A = arith.constant 0 : index
    %get3A_0 = arith.constant 0 : index
    %get3A_1 = vector.load %arg1[%get3A, %get3A_0] : memref<32x10240xf32, #tpu.memory_space<vmem>>, vector<32x10240xf32>
    %reduce_sum3A = arith.constant dense<0.000000e+00> : vector<10240xf32>
    %reduce_sum3A_2 = vector.multi_reduction <add>, %get3A_1, %reduce_sum3A [0] : vector<32x10240xf32> to vector<10240xf32>
    %get3A_3 = arith.constant 0 : index
    %get3A_4 = arith.constant 0 : index
    %get3A_5 = vector.load %arg2[%get3A_3, %get3A_4] : memref<32x10240xf32, #tpu.memory_space<vmem>>, vector<32x10240xf32>
    %reduce_sum3A_6 = arith.constant dense<0.000000e+00> : vector<10240xf32>
    %reduce_sum3A_7 = vector.multi_reduction <add>, %get3A_5, %reduce_sum3A_6 [0] : vector<32x10240xf32> to vector<10240xf32>
    %jit3A = arith.constant 1.000000e+00 : f32
    %max3A = vector.broadcast %jit3A : f32 to vector<10240xf32>
    %max3A_8 = arith.maximumf %max3A, %reduce_sum3A_2 : vector<10240xf32>
    %rsqrt3A = math.rsqrt %max3A_8 : vector<10240xf32>
    %jit3A_9 = arith.constant 1.000000e+00 : f32
    %max3A_10 = vector.broadcast %jit3A_9 : f32 to vector<10240xf32>
    %max3A_11 = arith.maximumf %max3A_10, %reduce_sum3A_7 : vector<10240xf32>
    %rsqrt3A_12 = math.rsqrt %max3A_11 : vector<10240xf32>
    %swap3A = arith.constant 0 : index
    %swap3A_13 = vector.load %arg4[%swap3A] : memref<10240xf32, #tpu.memory_space<vmem>>, vector<10240xf32>
    tpu.vector_store %arg4[%swap3A], %rsqrt3A_12 {strides = array<i32>} : memref<10240xf32, #tpu.memory_space<vmem>>, vector<10240xf32>,
    %broadcast_in_dim3A = vector.shape_cast %rsqrt3A_12 : vector<10240xf32> to vector<10240x1xf32>
    %broadcast_in_dim3A_14 = arith.constant 1.000000e+00 : f32
    %broadcast_in_dim3A_15 = vector.broadcast %broadcast_in_dim3A_14 : f32 to vector<1x16xf32>
    %mul3A = vector.broadcast %broadcast_in_dim3A : vector<10240x1xf32> to vector<10240x16xf32>
    %mul3A_16 = vector.broadcast %broadcast_in_dim3A_15 : vector<1x16xf32> to vector<10240x16xf32>
    %mul3A_17 = arith.mulf %mul3A, %mul3A_16 : vector<10240x16xf32>
    %swap3A_18 = arith.constant 0 : index
    %swap3A_19 = arith.constant 0 : index
    %swap3A_20 = vector.load %arg5[%swap3A_18, %swap3A_19] : memref<10240x16xf32, #tpu.memory_space<vmem>>, vector<10240x16xf32>
    tpu.vector_store %arg5[%swap3A_18, %swap3A_19], %mul3A_17 {strides = array<i32>} : memref<10240x16xf32, #tpu.memory_space<vmem>>, vector<10240x16xf32>,
    %broadcast_in_dim3A_21 = vector.shape_cast %rsqrt3A : vector<10240xf32> to vector<10240x1xf32>
    %broadcast_in_dim3A_22 = arith.constant 1.000000e+00 : f32
    %broadcast_in_dim3A_23 = vector.broadcast %broadcast_in_dim3A_22 : f32 to vector<1x16xf32>
    %mul3A_24 = vector.broadcast %broadcast_in_dim3A_21 : vector<10240x1xf32> to vector<10240x16xf32>
    %mul3A_25 = vector.broadcast %broadcast_in_dim3A_23 : vector<1x16xf32> to vector<10240x16xf32>
    %mul3A_26 = arith.mulf %mul3A_24, %mul3A_25 : vector<10240x16xf32>
    %swap3A_27 = arith.constant 0 : index
    %swap3A_28 = arith.constant 0 : index
    %swap3A_29 = vector.load %arg6[%swap3A_27, %swap3A_28] : memref<10240x16xf32, #tpu.memory_space<vmem>>, vector<10240x16xf32>
    tpu.vector_store %arg6[%swap3A_27, %swap3A_28], %mul3A_26 {strides = array<i32>} : memref<10240x16xf32, #tpu.memory_space<vmem>>, vector<10240x16xf32>,
    %get3A_30 = arith.constant 0 : index
    %get3A_31 = arith.constant 0 : index
    %get3A_32 = vector.load %arg0[%get3A_30, %get3A_31] : memref<10000x128xf32, #tpu.memory_space<vmem>>, vector<10000x128xf32>
    %slice3A = vector.extract_strided_slice %rsqrt3A {offsets = [0], sizes = [10000], strides = [1]} : vector<10240xf32> to vector<10000xf32>
    %broadcast_in_dim3A_33 = vector.shape_cast %slice3A : vector<10000xf32> to vector<10000x1xf32>
    %mul3A_34 = vector.broadcast %broadcast_in_dim3A_33 : vector<10000x1xf32> to vector<10000x128xf32>
    %mul3A_35 = arith.mulf %get3A_32, %mul3A_34 : vector<10000x128xf32>
    %swap3A_36 = arith.constant 0 : index
    %swap3A_37 = arith.constant 0 : index
    %swap3A_38 = vector.load %arg3[%swap3A_36, %swap3A_37] : memref<10112x128xf32, #tpu.memory_space<vmem>>, vector<10000x128xf32>
    tpu.vector_store %arg3[%swap3A_36, %swap3A_37], %mul3A_35 {strides = array<i32>} : memref<10112x128xf32, #tpu.memory_space<vmem>>, vector<10000x128xf32>,
    %broadcast_in_dim3A_39 = arith.constant 0.000000e+00 : f32
    %broadcast_in_dim3A_40 = vector.broadcast %broadcast_in_dim3A_39 : f32 to vector<112x128xf32>
    %swap3A_41 = arith.constant 10000 : index
    %swap3A_42 = arith.constant 0 : index
    %swap3A_43 = vector.load %arg3[%swap3A_41, %swap3A_42] : memref<10112x128xf32, #tpu.memory_space<vmem>>, vector<112x128xf32>
    tpu.vector_store %arg3[%swap3A_41, %swap3A_42], %broadcast_in_dim3A_40 {strides = array<i32>} : memref<10112x128xf32, #tpu.memory_space<vmem>>, vector<112x128xf32>,
    return
  }
}

module attributes {stable_mosaic.version = 14 : i64} {
  func.func @_fin_body(%arg0: memref<2x10112x128xf32, #tpu.memory_space<vmem>>, %arg1: memref<10240x16xf32, #tpu.memory_space<vmem>>, %arg2: memref<10240x16xf32, #tpu.memory_space<vmem>>, %arg3: memref<32x10240xf32, #tpu.memory_space<vmem>>, %arg4: memref<128xf32, #tpu.memory_space<vmem>>, %arg5: memref<128x16xf32, #tpu.memory_space<vmem>>, %arg6: memref<16xf32, #tpu.memory_space<vmem>>, %arg7: memref<1x16xf32, #tpu.memory_space<vmem>>) attributes {dimension_semantics = [], scalar_prefetch = 0 : i64, scratch_operands = 0 : i64, tpu.core_type = #tpu.core_type<tc>} {
    %get3A = arith.constant 0 : index
    %get3A_0 = arith.constant 0 : index
    %get3A_1 = arith.constant 0 : index
    %get3A_2 = vector.load %arg0[%get3A, %get3A_0, %get3A_1] : memref<2x10112x128xf32, #tpu.memory_space<vmem>>, vector<1x10000x128xf32>
    %get3A_3 = vector.shape_cast %get3A_2 : vector<1x10000x128xf32> to vector<10000x128xf32>
    %get3A_4 = arith.constant 1 : index
    %get3A_5 = arith.constant 0 : index
    %get3A_6 = arith.constant 0 : index
    %get3A_7 = vector.load %arg0[%get3A_4, %get3A_5, %get3A_6] : memref<2x10112x128xf32, #tpu.memory_space<vmem>>, vector<1x10000x128xf32>
    %get3A_8 = vector.shape_cast %get3A_7 : vector<1x10000x128xf32> to vector<10000x128xf32>
    %add3A = arith.addf %get3A_3, %get3A_8 : vector<10000x128xf32>
    %get3A_9 = arith.constant 0 : index
    %get3A_10 = arith.constant 0 : index
    %get3A_11 = vector.load %arg1[%get3A_9, %get3A_10] : memref<10240x16xf32, #tpu.memory_space<vmem>>, vector<10000x1xf32>
    %mul3A = vector.broadcast %get3A_11 : vector<10000x1xf32> to vector<10000x128xf32>
    %mul3A_12 = arith.mulf %add3A, %mul3A : vector<10000x128xf32>
    %get3A_13 = arith.constant 0 : index
    %get3A_14 = vector.load %arg4[%get3A_13] : memref<128xf32, #tpu.memory_space<vmem>>, vector<128xf32>
    %broadcast_in_dim3A = vector.shape_cast %get3A_14 : vector<128xf32> to vector<1x128xf32>
    %add3A_15 = vector.broadcast %broadcast_in_dim3A : vector<1x128xf32> to vector<10000x128xf32>
    %add3A_16 = arith.addf %mul3A_12, %add3A_15 : vector<10000x128xf32>
    %max3A = arith.constant 0.000000e+00 : f32
    %max3A_17 = vector.broadcast %max3A : f32 to vector<10000x128xf32>
    %max3A_18 = arith.maximumf %add3A_16, %max3A_17 : vector<10000x128xf32>
    %get3A_19 = arith.constant 0 : index
    %get3A_20 = arith.constant 0 : index
    %get3A_21 = vector.load %arg3[%get3A_19, %get3A_20] : memref<32x10240xf32, #tpu.memory_space<vmem>>, vector<32x10240xf32>
    %reduce_sum3A = arith.constant dense<0.000000e+00> : vector<10240xf32>
    %reduce_sum3A_22 = vector.multi_reduction <add>, %get3A_21, %reduce_sum3A [0] : vector<32x10240xf32> to vector<10240xf32>
    %slice3A = vector.extract_strided_slice %reduce_sum3A_22 {offsets = [0], sizes = [10000], strides = [1]} : vector<10240xf32> to vector<10000xf32>
    %broadcast_in_dim3A_23 = vector.shape_cast %slice3A : vector<10000xf32> to vector<10000x1xf32>
    %get3A_24 = arith.constant 0 : index
    %get3A_25 = arith.constant 0 : index
    %get3A_26 = vector.load %arg2[%get3A_24, %get3A_25] : memref<10240x16xf32, #tpu.memory_space<vmem>>, vector<10000x1xf32>
    %mul3A_27 = arith.mulf %broadcast_in_dim3A_23, %get3A_26 : vector<10000x1xf32>
    %mul3A_28 = vector.broadcast %mul3A_27 : vector<10000x1xf32> to vector<10000x128xf32>
    %mul3A_29 = arith.mulf %max3A_18, %mul3A_28 : vector<10000x128xf32>
    %reduce_sum3A_30 = arith.constant dense<0.000000e+00> : vector<128xf32>
    %reduce_sum3A_31 = vector.multi_reduction <add>, %mul3A_29, %reduce_sum3A_30 [0] : vector<10000x128xf32> to vector<128xf32>
    %broadcast_in_dim3A_32 = vector.shape_cast %reduce_sum3A_31 : vector<128xf32> to vector<1x128xf32>
    %get3A_33 = arith.constant 0 : index
    %get3A_34 = arith.constant 0 : index
    %get3A_35 = vector.load %arg5[%get3A_33, %get3A_34] : memref<128x16xf32, #tpu.memory_space<vmem>>, vector<128x16xf32>
    %dot_general3A = arith.constant dense<0.000000e+00> : vector<1x16xf32>
    %dot_general3A_36 = tpu.matmul %broadcast_in_dim3A_32, %get3A_35, %dot_general3A {dimension_numbers = #tpu.dot_dimension_numbers<[1], [0], [0], [1], [0, 0, 1, 1], [], []>, transpose_lhs_hint = false} : vector<1x128xf32>, vector<128x16xf32>, vector<1x16xf32> -> vector<1x16xf32>
    %mul3A_37 = arith.constant 9.99999974E-5 : f32
    %mul3A_38 = vector.broadcast %mul3A_37 : f32 to vector<1x16xf32>
    %mul3A_39 = arith.mulf %dot_general3A_36, %mul3A_38 : vector<1x16xf32>
    %get3A_40 = arith.constant 0 : index
    %get3A_41 = vector.load %arg6[%get3A_40] : memref<16xf32, #tpu.memory_space<vmem>>, vector<16xf32>
    %broadcast_in_dim3A_42 = vector.shape_cast %get3A_41 : vector<16xf32> to vector<1x16xf32>
    %add3A_43 = arith.addf %mul3A_39, %broadcast_in_dim3A_42 : vector<1x16xf32>
    %reduce_max3A = arith.constant dense<0xFF800000> : vector<1xf32>
    %reduce_max3A_44 = vector.multi_reduction <maximumf>, %add3A_43, %reduce_max3A [1] : vector<1x16xf32> to vector<1xf32>
    %broadcast_in_dim3A_45 = vector.shape_cast %reduce_max3A_44 : vector<1xf32> to vector<1x1xf32>
    %sub3A = vector.broadcast %broadcast_in_dim3A_45 : vector<1x1xf32> to vector<1x16xf32>
    %sub3A_46 = arith.subf %add3A_43, %sub3A : vector<1x16xf32>
    %exp3A = math.exp %sub3A_46 : vector<1x16xf32>
    %reduce_sum3A_47 = arith.constant dense<0.000000e+00> : vector<1xf32>
    %reduce_sum3A_48 = vector.multi_reduction <add>, %exp3A, %reduce_sum3A_47 [1] : vector<1x16xf32> to vector<1xf32>
    %broadcast_in_dim3A_49 = vector.shape_cast %reduce_sum3A_48 : vector<1xf32> to vector<1x1xf32>
    %div3A = vector.broadcast %broadcast_in_dim3A_49 : vector<1x1xf32> to vector<1x16xf32>
    %div3A_50 = arith.divf %exp3A, %div3A : vector<1x16xf32>
    %swap3A = arith.constant 0 : index
    %swap3A_51 = arith.constant 0 : index
    %swap3A_52 = vector.load %arg7[%swap3A, %swap3A_51] : memref<1x16xf32, #tpu.memory_space<vmem>>, vector<1x16xf32>
    tpu.vector_store %arg7[%swap3A, %swap3A_51], %div3A_50 {strides = array<i32>} : memref<1x16xf32, #tpu.memory_space<vmem>>, vector<1x16xf32>,
    return
  }
}

</mosaic_0001>

<sc_bundles>
// kernel: _run.12.cloned.1.call-start
scs
__scs_entry_jumppad:
0x0: {  	(pc) =	sbr.rel $0x88, $3  }
0x1: {  	(tag) =	ssettag $0x0;
	lr =	simm.s32 $0x1  }
0x2: {  	[smem:$0x3F99] =	sst lr;
	_ =	strace $0xD0000000  }
0x3: {  	_ = 	snop  }
0x4: {  	_ = 	snop  }
0x5: {  	_ = 	snop  }
0x6: {  	_ = 	snop  }
0x7: {  	_ = 	snop  }
__scs_overlays_trampoline_lowered:
0x8: {  	[smem:$0x3FA8] =	sst s0  }
0x9: {  	[smem:$0x3FA9] =	sst s1  }
0xa: {  	[smem:$0x3FAA] =	sst s2  }
0xb: {  	[smem:$0x3FAB] =	sst s3  }
0xc: {  	[smem:$0x3FAC] =	sst s4  }
0xd: {  	[smem:$0x3FAD] =	sst s5  }
0xe: {  	[smem:$0x3FAE] =	sst s6  }
0xf: {  	[smem:$0x3FAF] =	sst s7  }
0x10: {  	[smem:$0x3FB0] =	sst s8  }
0x11: {  	[smem:$0x3FB1] =	sst s9;
	s0 =	simm.s32 @!p0 $0x0  }
0x12: {  	s1 =	sld [smem:$0x3F97];
	s0 =	simm.s32 @p0 $0x1  }
0x13: {  	[smem:$0x3FB2] =	sst s0;
	s0 =	simm.s32 @!p1 $0x0  }
0x14: {  	s2 =	sld [smem:$0x3F96];
	s0 =	simm.s32 @p1 $0x1  }
0x15: {  	[smem:$0x3FB3] =	sst s0;
	s0 =	simm.s32 @!p2 $0x0  }
0x16: {  	s3 =	sld [smem:$0x3FDB];
	s0 =	simm.s32 @p2 $0x1  }
0x17: {  	s4 =	simm.s32 $0x1BF5;
	[smem:$0x3FB5] =	sst s0  }
0x18: {  	s0 =	sld [smem:$0x3F98];
	_ =	swait.ge [sflag:s4], $0x0  }
0x19: {  	s7 =	sld [smem:$0x3F99]  }
0x1a: {  	s8 =	sadd.s32 $0xFFFFE003, lr  }
0x1b: {  	s9 =	sadd.s32 $0xFFFFFEF7, lr;
	s5 =	simm.s32 $0xFFFFFFFF;
	p2 =	slt.u32 s8, $0xFFFFF086  }
0x1c: {  	p1 =	slt.u32 s9, $0xF7A;
	s5 =	simm.s32 @!p2 $0x0  }
0x1d: {  	s5 =	simm.s32 @p1 $0x1;
	p0 =	seq.s32 s7, s2  }
0x1e: {  	s7 =	smul.u32 @!p0 $0xF7A, s2;
	p2 =	seq.s32 @!p0 s5, $0x0  }
0x1f: {  	s9 =	smul.u32 $0xF7A, s1;
	s8 =	simm.s32 @!p0 $0x1BF5;
	p2 =	por !p2, p0  }
0x20: {  	[sflag:s8] =	ssyncset.s32 @!p0 $0xFFFFF086;
	s6 =	sadd.s32 @!p0 s3, s7;
	s7 =	simm.s32 @!p0 $0x108  }
0x21: {  	s3 =	sadd.s32 s3, s9;
	s6 =	sadd.s32 @!p0 $0x88, s6;
	s7 =	simm.s32 @p2 $0x1082  }
0x22: {  	[simem:s7], [sflag:s8] =	dma.local @!p0 [hbm:s6], $0xF7A  }
0x23: {  	s9 =	sor.u32 $0xD0000000, s2;
	s6 =	simm.s32 $0x108;
	_ =	swait.ge @!p0 [sflag:s8], $0x0  }
0x24: {  	s3 =	sadd.s32 $0x88, s3;
	s6 =	simm.s32 @!p1 $0x1082;
	[sflag:s4] =	ssyncset.s32 $0xFFFFF086  }
0x25: {  	[simem:s6], [sflag:s4] =	dma.local [hbm:s3], $0xF7A  }
0x26: {  	[smem:$0x3F99] =	sst s1;
	(tag) =	ssettag s2;
	_ =	strace s9  }
0x27: {  	s1 =	sld [smem:$0x3FA9]  }
0x28: {  	s2 =	sld [smem:$0x3FAA]  }
0x29: {  	s4 =	sld [smem:$0x3FAC]  }
0x2a: {  	p0 =	seq.s32 s5, $0x0;
	s5 =	sld [smem:$0x3FAD]  }
0x2b: {  	s6 =	sld [smem:$0x3FAE]  }
0x2c: {  	s7 =	sld [smem:$0x3FAF]  }
0x2d: {  	s3 =	simm.s32 $0x108;
	s8 =	sld [smem:$0x3FB0]  }
0x2e: {  	s3 =	simm.s32 @!p0 $0x1082;
	s9 =	sld [smem:$0x3FB1]  }
0x2f: {  	lr =	sadd.s32 s0, s3;
	s0 =	sld [smem:$0x3FA8]  }
0x30: {  	s3 =	sld [smem:$0x3FAB]  }
0x31: {  	[smem:$0x3FB4] =	sst s10  }
0x32: {  	s10 =	sld [smem:$0x3FB2];
	_ =	sdelay $0x3  }
0x33: {  	p0 =	seq.s32 s10, $0x1;
	s10 =	sld [smem:$0x3FB4];
	_ =	sdelay $0x3  }
0x34: {  	[smem:$0x3FB4] =	sst s10  }
0x35: {  	s10 =	sld [smem:$0x3FB3];
	_ =	sdelay $0x3  }
0x36: {  	p1 =	seq.s32 s10, $0x1;
	s10 =	sld [smem:$0x3FB4];
	_ =	sdelay $0x3  }
0x37: {  	[smem:$0x3FB4] =	sst s10  }
0x38: {  	s10 =	sld [smem:$0x3FB5]  }
0x39: {  	_ = 	snop;
	(pc) =	sbr.ind lr, $3  }
0x3a: {  	_ = 	snop  }
0x3b: {  	_ = 	snop  }
0x3c: {  	p2 =	seq.s32 s10, $0x1;
	s10 =	sld [smem:$0x3FB4]  }
0x3d: {  	_ =	shalt  }
0x3e: {  	_ =	shalt  }
0x3f: {  	_ =	shalt  }
0x40: {  	_ =	shalt  }
0x41: {  	_ =	shalt  }
0x42: {  	_ =	shalt  }
0x43: {  	_ =	shalt  }
0x44: {  	_ =	shalt  }
0x45: {  	_ =	shalt  }
0x46: {  	_ =	shalt  }
0x47: {  	_ =	shalt  }
0x48: {  	_ =	shalt  }
0x49: {  	_ =	shalt  }
0x4a: {  	_ =	shalt  }
0x4b: {  	_ =	shalt  }
0x4c: {  	_ =	shalt  }
0x4d: {  	_ =	shalt  }
0x4e: {  	_ =	shalt  }
0x4f: {  	_ =	shalt  }
0x50: {  	_ =	shalt  }
0x51: {  	_ =	shalt  }
0x52: {  	_ =	shalt  }
0x53: {  	_ =	shalt  }
0x54: {  	_ =	shalt  }
0x55: {  	_ =	shalt  }
0x56: {  	_ =	shalt  }
0x57: {  	_ =	shalt  }
0x58: {  	_ =	shalt  }
0x59: {  	_ =	shalt  }
0x5a: {  	_ =	shalt  }
0x5b: {  	_ =	shalt  }
0x5c: {  	_ =	shalt  }
0x5d: {  	_ =	shalt  }
0x5e: {  	_ =	shalt  }
0x5f: {  	_ =	shalt  }
0x60: {  	_ =	shalt  }
0x61: {  	_ =	shalt  }
0x62: {  	_ =	shalt  }
0x63: {  	_ =	shalt  }
0x64: {  	_ =	shalt  }
0x65: {  	_ =	shalt  }
0x66: {  	_ =	shalt  }
0x67: {  	_ =	shalt  }
0x68: {  	_ =	shalt  }
0x69: {  	_ =	shalt  }
0x6a: {  	_ =	shalt  }
0x6b: {  	_ =	shalt  }
0x6c: {  	_ =	shalt  }
0x6d: {  	_ =	shalt  }
0x6e: {  	_ =	shalt  }
0x6f: {  	_ =	shalt  }
0x70: {  	_ =	shalt  }
0x71: {  	_ =	shalt  }
0x72: {  	_ =	shalt  }
0x73: {  	_ =	shalt  }
0x74: {  	_ =	shalt  }
0x75: {  	_ =	shalt  }
0x76: {  	_ =	shalt  }
0x77: {  	_ =	shalt  }
0x78: {  	_ =	shalt  }
0x79: {  	_ =	shalt  }
0x7a: {  	_ =	shalt  }
0x7b: {  	_ =	shalt  }
0x7c: {  	_ =	shalt  }
0x7d: {  	_ =	shalt  }
0x7e: {  	_ =	shalt  }
0x7f: {  	_ =	shalt  }
0x80: {  	_ =	shalt  }
0x81: {  	_ =	shalt  }
0x82: {  	_ =	shalt  }
0x83: {  	_ =	shalt  }
0x84: {  	_ =	shalt  }
0x85: {  	_ =	shalt  }
0x86: {  	_ =	shalt  }
0x87: {  	_ =	shalt  }
.Lfunc_end0:
.L_simem_size_0:
called_computation.1_lowered:
.L_overlay_start_0:
0x88: {  	s2 =	sld [smem:$0x3FD9]  }
0x89: {  	s3 =	sld [smem:$0x3FFE];
	_ =	sdelay $0x1  }
0x8a: {  	s1 =	srdreg.scid  }
0x8b: {  	s0 =	sand.u32 $0x1, s1  }
0x8c: {  	s16 =	sshll.u32 s0, $0xA;
	s2 =	sadd.s32 s3, s2  }
0x8d: {  	s2 =	sadd.s32 s2, s16  }
0x8e: {  	[smem:$0x3FC0] =	sst s2  }
0x8f: {  	_ = 	snop  }
0x90: {  	(tm) =	ssettm $0x1  }
0x91: {  	s17 =	sld [smem:$0x3FFB];
	_ =	sdelay $0x3  }
0x92: {  	_ =	strace s17  }
0x93: {  	s2 =	sld [smem:$0x3FFC];
	_ =	sdelay $0x3  }
0x94: {  	_ =	strace s2  }
0x95: {  	s2 =	sld [smem:$0x3FFD];
	_ =	sdelay $0x3  }
0x96: {  	_ =	strace s2  }
0x97: {  	_ =	strace $0x8FFFFFFF  }
0x98: {  	s18 =	sld [smem:$0x3FDB];
	_ =	sdelay $0x1  }
0x99: {  	s19 =	simm.s32 $_scs_section_size  }
0x9a: {  	s4 =	simm.s32 $_size__tile_overlayer_lowered;
	s5 =	simm.s32 $_tile_overlayer_lowered  }
0x9b: {  	s22 =	simm.s32 $0x1BFF;
	s21 =	sshll.u32 s5, $0x1;
	s2 =	sadd.s32 s19, s18  }
0x9c: {  	s6 =	simm.s32 $0x0;
	s20 =	sshll.u32 s4, $0x1;
	s4 =	sadd.s32 s21, s2  }
0x9d: {  	[timem:s6], [sflag:s22] =	dma.local [hbm:s4], s20  }
0x9e: {  	_ =	swait.ge [sflag:s22], s20  }
0x9f: {  	s3 =	ssub.s32 $0x0, s20;
	[sflag:s22] =	ssyncset.done $0x0  }
0xa0: {  	[sflag:s22] =	ssyncadd.s32 s3;
	_ =	sdelay $0x1  }
0xa1: {  	s23 =	simm.s32 $0x1B8B  }
0xa2: {  	_ =	swait.ge [sflag:s23], $0x1  }
0xa3: {  	[sflag:s23] =	ssyncset.done $0x0  }
0xa4: {  	s25 =	simm.s32 $0x1B8E;
	s24 =	sld [smem:$0x3FFE];
	[sflag:s23] =	ssyncadd.s32 $0xFFFFFFFF  }
0xa5: {  	s26 =	simm.s32 $execute0_lowered;
	[smem:$0x3FD2] =	sst s25  }
0xa6: {  	s4 =	sshll.u32 s26, $0x1;
	_ =	strace $0x80000049;
	[dreg:$0x1] =	wrdreg $0xFFFFFFFF  }
0xa7: {  	s28 =	simm.s32 $_size_execute0_lowered;
	s2 =	sadd.s32 s2, s4;
	[dreg:$0x0] =	wrdreg $0x0  }
0xa8: {  	s4 =	sshll.u32 s28, $0x1;
	[dreg:$0x2] =	wrdreg s2  }
0xa9: {  	[dreg:$0x3] =	wrdreg s4  }
0xaa: {  	[dreg:$0x4] =	wrdreg $0xC0  }
0xab: {  	_ =	task [dreg:s6], $0x5FFFF  }
0xac: {  	[dreg:$0x1] =	wrdreg $0xFFFFFFFF  }
0xad: {  	[dreg:$0x0] =	wrdreg $0x60  }
0xae: {  	[dreg:$0x2] =	wrdreg s24  }
0xaf: {  	[dreg:$0x3] =	wrdreg $0xAE000  }
0xb0: {  	[dreg:$0x4] =	wrdreg $0xA  }
0xb1: {  	_ =	task.clear_ibuf [dreg:s6], $0x5FFFF;
	_ =	strace $0x90000049  }
0xb2: {  	s29 =	simm.s32 $0xA;
	_ =	strace $0x8000004B  }
0xb3: {  	_ =	swait.ge [sflag:s29], $0x1  }
0xb4: {  	[sflag:s29] =	ssyncadd.s32 $0xFFFFFFFF  }
0xb5: {  	_ =	strace $0x9000004B  }
0xb6: {  	_ =	sfence  }
0xb7: {  	s30 =	sld [smem:$0x0];
	_ =	sdelay $0x2  }
0xb8: {  	s31 =	sshll.u32 s1, $0xD;
	s1 =	sshrl.u32 s1, $0x2  }
0xb9: {  	s3 =	sand.u32 $0x4000, s31;
	s1 =	sadd.s32 s1, s30  }
0xba: {  	s0 =	sor.u32 s3, s0;
	s1 =	sshll.u32 s1, $0x11  }
0xbb: {  	s0 =	sor.u32 s1, s0  }
0xbc: {  	s0 =	sadd.s32 $0x8F2B, s0  }
0xbd: {  	[sflag:s0] =	ssyncadd.remote.s32 $0x1  }
0xbe: {  	_ =	sfence.sel $0xFFFF  }
0xbf: {  	[dreg:$0x0] =	wrdreg $0xFFFFFFFF;
	(pc) =	sbr.abs _section_cstart, $3  }
0xc0: {  	[dreg:$0x1] =	wrdreg $0xFFFFFFFF  }
0xc1: {  	_ =	task.clear_ibuf [dreg:s6], $0x2FFFF;
	_ =	strace $0x9FFFFFFF  }
0xc2: {  	(tm) =	ssettm $0x7FFFFFFF  }
0xc3: {  	_ =	shalt  }
tec
execute0_lowered:
.L_overlay_start_1:
0x0: {  	(tag) =	ssettag $0x1  }
0x1: {  	s5 =	rddreg [dreg:$0x0]  }
0x2: {  	s1 =	rddreg [dreg:$0x1]  }
0x3: {  	s2 =	srdreg.scid;
	s0 =	rddreg [dreg:$0x2]  }
0x4: {  	s3 =	simm.s32 $0x0;
	s12 =	simm.s32 $0x4;
	s13 =	simm.s32 $0x3  }
0x5: {  	s14 =	simm.s32 $0x80;
	s15 =	simm.s32 $0x2800;
	s16 =	simm.s32 $0x2A00  }
0x6: {  	s17 =	simm.s32 $0x2880;
	s18 =	simm.s32 $0x6A00;
	s19 =	simm.s32 $0x1  }
0x7: {  	s20 =	simm.s32 $0x2900;
	s21 =	simm.s32 $0x2;
	s6 =	sand.u32 $0x1, s2  }
0x8: {  	s22 =	simm.s32 $0x2980;
	s2 =	stileid.u32;
	s7 =	smul.u32 $0x13C000, s6  }
0x9: {  	s25 =	simm.s32 $0x0;
	[smem:$0x7FF] =	sst s3;
	s8 =	smul.u32 $0x13C00, s2  }
0xa: {  	s4 =	sshll.u32 s2, $0x1;
	_ =	strace $0x8000004A;
	s29 =	smul.u32 $0x4F000, s2  }
0xb: {  	s23 =	sshll.u32 s2, $0x6;
	s9 =	sor.u32 s6, s4;
	s4 =	sadd.s32 $0x5DE00, s5  }
0xc: {  	s6 =	ssub.s32 $0x2, s6;
	s23 =	sor.u32 $0x1C04, s23;
	s9 =	smul.u32 $0x280, s9  }
0xd: {  	s7 =	sadd.s32 s8, s7;
	s30 =	sshrl.u32 s6, $0x1;
	s31 =	sshrl.u32 s29, $0x2  }
0xe: {  	s7 =	sshrl.u32 s7, $0x3;
	s11 =	ssub.s32 s6, s30;
	s9 =	sadd.s32 s9, s5  }
0xf: {  	s10 =	sadd.s32 s7, s5;
	s7 =	sadd.s32 s31, s1;
	s5 =	sadd.s32 $0x30E00, s9  }
0x10: {  	s6 =	sadd.s32 $0x2BE00, s9;
	s8 =	sadd.s32 $0x85600, s10;
	s9 =	smax.u32 s11, $0x1  }
0x11: {  	v0 =	vimm.f32 $0.0e+00;
	s10 =	simm.s32 $0x1400;
	s11 =	simm.s32 $0xAA00;
	s24 =	sshrl.u32 s7, $0x3  }
.LBB2_1:
0x12: {  	[tilespmem:s3], [sflag:$0x3] =	stream.linear.gather [hbm4b:s5+s3], $0x1400, $0x38;
	[tilespmem:$0x1EA00] =	vst v63  }
0x13: {  	_ = 	snop  }
0x14: {  	[tilespmem:s10], [sflag:$0x3] =	stream.linear.gather [hbm4b:s6+s3], $0x1400, $0x38;
	[tilespmem:$0x1EA00] =	vst v63  }
0x15: {  	[tilespmem:$0xAA00] =	vst v0  }
0x16: {  	[tilespmem:$0xAA10] =	vst v0  }
0x17: {  	[tilespmem:$0xAA20] =	vst v0  }
0x18: {  	[tilespmem:$0xAA30] =	vst v0  }
0x19: {  	[tilespmem:$0xAA40] =	vst v0  }
0x1a: {  	[tilespmem:$0xAA50] =	vst v0  }
0x1b: {  	[tilespmem:$0xAA60] =	vst v0  }
0x1c: {  	[tilespmem:$0xAA70] =	vst v0  }
0x1d: {  	[tilespmem:$0xAA80] =	vst v0  }
0x1e: {  	[tilespmem:$0xAA90] =	vst v0  }
0x1f: {  	[tilespmem:$0xAAA0] =	vst v0  }
0x20: {  	[tilespmem:$0xAAB0] =	vst v0  }
0x21: {  	[tilespmem:$0xAAC0] =	vst v0  }
0x22: {  	[tilespmem:$0xAAD0] =	vst v0  }
0x23: {  	[tilespmem:$0xAAE0] =	vst v0  }
0x24: {  	[tilespmem:$0xAAF0] =	vst v0  }
0x25: {  	[tilespmem:$0xAB00] =	vst v0  }
0x26: {  	[tilespmem:$0xAB10] =	vst v0  }
0x27: {  	[tilespmem:$0xAB20] =	vst v0  }
0x28: {  	[tilespmem:$0xAB30] =	vst v0  }
0x29: {  	[tilespmem:$0xAB40] =	vst v0  }
0x2a: {  	[tilespmem:$0xAB50] =	vst v0  }
0x2b: {  	[tilespmem:$0xAB60] =	vst v0  }
0x2c: {  	[tilespmem:$0xAB70] =	vst v0  }
0x2d: {  	[tilespmem:$0xAB80] =	vst v0  }
0x2e: {  	[tilespmem:$0xAB90] =	vst v0  }
0x2f: {  	[tilespmem:$0xABA0] =	vst v0  }
0x30: {  	[tilespmem:$0xABB0] =	vst v0  }
0x31: {  	[tilespmem:$0xABC0] =	vst v0  }
0x32: {  	[tilespmem:$0xABD0] =	vst v0  }
0x33: {  	[tilespmem:$0xABE0] =	vst v0  }
0x34: {  	[tilespmem:$0xABF0] =	vst v0  }
0x35: {  	[tilespmem:$0xAC00] =	vst v0  }
0x36: {  	[tilespmem:$0xAC10] =	vst v0  }
0x37: {  	[tilespmem:$0xAC20] =	vst v0  }
0x38: {  	[tilespmem:$0xAC30] =	vst v0  }
0x39: {  	[tilespmem:$0xAC40] =	vst v0  }
0x3a: {  	[tilespmem:$0xAC50] =	vst v0  }
0x3b: {  	[tilespmem:$0xAC60] =	vst v0  }
0x3c: {  	[tilespmem:$0xAC70] =	vst v0  }
0x3d: {  	[tilespmem:$0xAC80] =	vst v0  }
0x3e: {  	[tilespmem:$0xAC90] =	vst v0  }
0x3f: {  	[tilespmem:$0xACA0] =	vst v0  }
0x40: {  	[tilespmem:$0xACB0] =	vst v0  }
0x41: {  	[tilespmem:$0xACC0] =	vst v0  }
0x42: {  	[tilespmem:$0xACD0] =	vst v0  }
0x43: {  	[tilespmem:$0xACE0] =	vst v0  }
0x44: {  	[tilespmem:$0xACF0] =	vst v0  }
0x45: {  	[tilespmem:$0xAD00] =	vst v0  }
0x46: {  	[tilespmem:$0xAD10] =	vst v0  }
0x47: {  	[tilespmem:$0xAD20] =	vst v0  }
0x48: {  	[tilespmem:$0xAD30] =	vst v0  }
0x49: {  	[tilespmem:$0xAD40] =	vst v0  }
0x4a: {  	[tilespmem:$0xAD50] =	vst v0  }
0x4b: {  	[tilespmem:$0xAD60] =	vst v0  }
0x4c: {  	[tilespmem:$0xAD70] =	vst v0  }
0x4d: {  	[tilespmem:$0xAD80] =	vst v0  }
0x4e: {  	[tilespmem:$0xAD90] =	vst v0  }
0x4f: {  	[tilespmem:$0xADA0] =	vst v0  }
0x50: {  	[tilespmem:$0xADB0] =	vst v0  }
0x51: {  	[tilespmem:$0xADC0] =	vst v0  }
0x52: {  	[tilespmem:$0xADD0] =	vst v0  }
0x53: {  	[tilespmem:$0xADE0] =	vst v0  }
0x54: {  	s26 =	sadd.s32 $0x0, s7;
	[tilespmem:$0xADF0] =	vst v0  }
0x55: {  	[spmem:s26] =	stream.linear.scatter [tilespmem:s11], [sflag:$0x4], $0x400, $0x38;
	[tilespmem:$0x1EA00] =	vst v63  }
0x56: {  	s26 =	simm.s32 $0x1000;
	_ =	swait.ge [sflag:s12], $0x400  }
.LBB2_2:
0x57: {  	s28 =	sshra.s32 s26, $0x2;
	[sflag:s12] =	ssyncset.done $0x0;
	p0 =	sne.s32 s26, $0x4E000  }
.Ltmp0:
0x58: {  	s28 =	sadd.s32 s28, s7;
	[sflag:s12] =	ssyncadd.s32 $0xFFFFFC00;
	(pc) =	sbr.rel @p0 .LBB2_2-.Ltmp0, $3  }
0x59: {  	[spmem:s28] =	stream.linear.scatter [tilespmem:s11], [sflag:$0x4], $0x400, $0x38;
	[tilespmem:$0x1EA00] =	vst v63  }
0x5a: {  	s26 =	sadd.s32 $0x1000, s26;
	_ =	sdelay $0x1  }
0x5b: {  	_ =	swait.ge [sflag:s12], $0x400  }
0x5c: {  	[sflag:s12] =	ssyncset.done $0x0  }
0x5d: {  	[sflag:s12] =	ssyncadd.s32 $0xFFFFFC00  }
0x5e: {  	_ =	swait.ge [sflag:s13], $0x1400  }
0x5f: {  	[sflag:s13] =	ssyncset.done $0x0  }
0x60: {  	[sflag:s13] =	ssyncadd.s32 $0xFFFFEC00  }
0x61: {  	_ =	swait.ge [sflag:s13], $0x1400  }
0x62: {  	[sflag:s13] =	ssyncset.done $0x0  }
0x63: {  	[sflag:s13] =	ssyncadd.s32 $0xFFFFEC00  }
0x64: {  	[bflag:$0x0] =	sbarrier.arrive $0xFFFF  }
0x65: {  	v1 =	vld [tilespmem:$0x0];
	_ =	sdelay $0x1  }
0x66: {  	v2 =	vld [tilespmem:$0x1400];
	_ =	sdelay $0x1  }
0x67: {  	v3 =	vld [tilespmem:$0x10]  }
0x68: {  	v4 =	vand.u32 $0xFFFF, v1  }
0x69: {  	v62 =	vld [tilespmem:$0x1410];
	v1 =	vshrl.u32 v1, $0x10;
	[tilespmem:$0x2800] =	vst v4  }
0x6a: {  	[tilespmem:$0x2810] =	vst v1;
	v1 =	vand.u32 $0xFFFF, v2  }
0x6b: {  	[tilespmem:$0x2900] =	vst v1;
	v1 =	vshrl.u32 v2, $0x10;
	v2 =	vld [tilespmem:$0x20]  }
0x6c: {  	[tilespmem:$0x2910] =	vst v1;
	v1 =	vand.u32 $0xFFFF, v3  }
0x6d: {  	[tilespmem:$0x2820] =	vst v1;
	v1 =	vshrl.u32 v3, $0x10;
	v3 =	vld [tilespmem:$0x1420]  }
0x6e: {  	[tilespmem:$0x2830] =	vst v1;
	v1 =	vand.u32 $0xFFFF, v62  }
0x6f: {  	v63 =	vld [tilespmem:$0x30];
	[tilespmem:$0x2920] =	vst v1;
	v1 =	vshrl.u32 v62, $0x10  }
0x70: {  	[tilespmem:$0x2930] =	vst v1;
	v1 =	vand.u32 $0xFFFF, v2  }
0x71: {  	[tilespmem:$0x2840] =	vst v1;
	v1 =	vshrl.u32 v2, $0x10;
	v2 =	vld [tilespmem:$0x1430]  }
0x72: {  	[tilespmem:$0x2850] =	vst v1;
	v1 =	vand.u32 $0xFFFF, v3  }
0x73: {  	[tilespmem:$0x2940] =	vst v1;
	v1 =	vshrl.u32 v3, $0x10  }
0x74: {  	[tilespmem:$0x2950] =	vst v1;
	v1 =	vand.u32 $0xFFFF, v63  }
0x75: {  	[tilespmem:$0x2860] =	vst v1;
	v1 =	vshrl.u32 v63, $0x10  }
0x76: {  	[tilespmem:$0x2870] =	vst v1;
	v1 =	vand.u32 $0xFFFF, v2  }
0x77: {  	[tilespmem:$0x2960] =	vst v1;
	v1 =	vshrl.u32 v2, $0x10  }
0x78: {  	s26 =	simm.s32 $0x0;
	[tilespmem:$0x2970] =	vst v1  }
0x79: {  	[tilespmem:s16], [sflag:$0x1] =	stream.indirect.gather [hbm4b:s4+s14], $0x80, s15, s14, $0xb8;
	[tilespmem:$0x1EA00] =	vst v63  }
0x7a: {  	v1 =	vld [tilespmem:s26+$0x40];
	_ =	sdelay $0x4  }
0x7b: {  	v2 =	vand.u32 $0xFFFF, v1  }
0x7c: {  	v1 =	vshrl.u32 v1, $0x10;
	[tilespmem:$0x2880] =	vst v2  }
0x7d: {  	[tilespmem:$0x2890] =	vst v1  }
0x7e: {  	v1 =	vld [tilespmem:s26+$0x1440];
	_ =	sdelay $0x4  }
0x7f: {  	v2 =	vand.u32 $0xFFFF, v1  }
0x80: {  	v1 =	vshrl.u32 v1, $0x10;
	[tilespmem:$0x2980] =	vst v2  }
0x81: {  	[tilespmem:$0x2990] =	vst v1  }
0x82: {  	v1 =	vld [tilespmem:s26+$0x50];
	_ =	sdelay $0x4  }
0x83: {  	v2 =	vand.u32 $0xFFFF, v1  }
0x84: {  	v1 =	vshrl.u32 v1, $0x10;
	[tilespmem:$0x28A0] =	vst v2  }
0x85: {  	[tilespmem:$0x28B0] =	vst v1  }
0x86: {  	v1 =	vld [tilespmem:s26+$0x1450];
	_ =	sdelay $0x4  }
0x87: {  	v2 =	vand.u32 $0xFFFF, v1  }
0x88: {  	v1 =	vshrl.u32 v1, $0x10;
	[tilespmem:$0x29A0] =	vst v2  }
0x89: {  	[tilespmem:$0x29B0] =	vst v1  }
0x8a: {  	v1 =	vld [tilespmem:s26+$0x60];
	_ =	sdelay $0x4  }
0x8b: {  	v2 =	vand.u32 $0xFFFF, v1  }
0x8c: {  	v1 =	vshrl.u32 v1, $0x10;
	[tilespmem:$0x28C0] =	vst v2  }
0x8d: {  	[tilespmem:$0x28D0] =	vst v1  }
0x8e: {  	v1 =	vld [tilespmem:s26+$0x1460];
	_ =	sdelay $0x4  }
0x8f: {  	v2 =	vand.u32 $0xFFFF, v1  }
0x90: {  	v1 =	vshrl.u32 v1, $0x10;
	[tilespmem:$0x29C0] =	vst v2  }
0x91: {  	[tilespmem:$0x29D0] =	vst v1  }
0x92: {  	v1 =	vld [tilespmem:s26+$0x70];
	_ =	sdelay $0x4  }
0x93: {  	v2 =	vand.u32 $0xFFFF, v1  }
0x94: {  	v1 =	vshrl.u32 v1, $0x10;
	[tilespmem:$0x28E0] =	vst v2  }
0x95: {  	[tilespmem:$0x28F0] =	vst v1  }
0x96: {  	v1 =	vld [tilespmem:s26+$0x1470];
	_ =	sdelay $0x4  }
0x97: {  	v2 =	vand.u32 $0xFFFF, v1  }
0x98: {  	v1 =	vshrl.u32 v1, $0x10;
	[tilespmem:$0x29E0] =	vst v2  }
0x99: {  	[tilespmem:$0x29F0] =	vst v1  }
0x9a: {  	[tilespmem:s18], [sflag:$0x2] =	stream.indirect.gather [hbm4b:s4+s14], $0x80, s17, s14, $0xb8;
	[tilespmem:$0x1EA00] =	vst v63  }
0x9b: {  	_ =	swait.ge [sflag:s19], $0x4000  }
0x9c: {  	[sflag:s19] =	ssyncset.done $0x0  }
0x9d: {  	[sflag:s19] =	ssyncadd.s32 $0xFFFFC000  }
0x9e: {  	[spmem:s1] =	stream.indirect.scatter.add.f32 [tilespmem:s16], [sflag:$0x4], $0x80, s20, s14, $0xb8;
	[tilespmem:$0x1EA00] =	vst v63  }
0x9f: {  	_ =	swait.ge [sflag:s12], $0x4000  }
0xa0: {  	[sflag:s12] =	ssyncset.done $0x0  }
0xa1: {  	[sflag:s12] =	ssyncadd.s32 $0xFFFFC000  }
0xa2: {  	v1 =	vld [tilespmem:s26+$0x80];
	_ =	sdelay $0x4  }
0xa3: {  	v2 =	vand.u32 $0xFFFF, v1  }
0xa4: {  	v1 =	vshrl.u32 v1, $0x10;
	[tilespmem:$0x2800] =	vst v2  }
0xa5: {  	[tilespmem:$0x2810] =	vst v1  }
0xa6: {  	v1 =	vld [tilespmem:s26+$0x1480];
	_ =	sdelay $0x4  }
0xa7: {  	v2 =	vand.u32 $0xFFFF, v1  }
0xa8: {  	v1 =	vshrl.u32 v1, $0x10;
	[tilespmem:$0x2900] =	vst v2  }
0xa9: {  	[tilespmem:$0x2910] =	vst v1  }
0xaa: {  	v1 =	vld [tilespmem:s26+$0x90];
	_ =	sdelay $0x4  }
0xab: {  	v2 =	vand.u32 $0xFFFF, v1  }
0xac: {  	v1 =	vshrl.u32 v1, $0x10;
	[tilespmem:$0x2820] =	vst v2  }
0xad: {  	[tilespmem:$0x2830] =	vst v1  }
0xae: {  	v1 =	vld [tilespmem:s26+$0x1490];
	_ =	sdelay $0x4  }
0xaf: {  	v2 =	vand.u32 $0xFFFF, v1  }
0xb0: {  	v1 =	vshrl.u32 v1, $0x10;
	[tilespmem:$0x2920] =	vst v2  }
0xb1: {  	[tilespmem:$0x2930] =	vst v1  }
0xb2: {  	v1 =	vld [tilespmem:s26+$0xA0];
	_ =	sdelay $0x4  }
0xb3: {  	v2 =	vand.u32 $0xFFFF, v1  }
0xb4: {  	v1 =	vshrl.u32 v1, $0x10;
	[tilespmem:$0x2840] =	vst v2  }
0xb5: {  	[tilespmem:$0x2850] =	vst v1  }
0xb6: {  	v1 =	vld [tilespmem:s26+$0x14A0];
	_ =	sdelay $0x4  }
0xb7: {  	v2 =	vand.u32 $0xFFFF, v1  }
0xb8: {  	v1 =	vshrl.u32 v1, $0x10;
	[tilespmem:$0x2940] =	vst v2  }
0xb9: {  	[tilespmem:$0x2950] =	vst v1  }
0xba: {  	v1 =	vld [tilespmem:s26+$0xB0];
	_ =	sdelay $0x4  }
0xbb: {  	v2 =	vand.u32 $0xFFFF, v1  }
0xbc: {  	s28 =	simm.s32 $0x200;
	v1 =	vshrl.u32 v1, $0x10;
	[tilespmem:$0x2860] =	vst v2  }
.LBB2_4:
0xbd: {  	p0 =	sne.s32 s28, $0x4C00;
	[tilespmem:$0x2870] =	vst v1;
	s29 =	smov.u32 s28;
	s28 =	sadd.s32 $0x200, s28  }
0xbe: {  	v1 =	vld [tilespmem:s26+$0x14B0];
	_ =	sdelay $0x4  }
0xbf: {  	v2 =	vand.u32 $0xFFFF, v1;
	v1 =	vshrl.u32 v1, $0x10  }
0xc0: {  	[tilespmem:$0x2960] =	vst v2  }
0xc1: {  	[tilespmem:$0x2970] =	vst v1  }
0xc2: {  	[tilespmem:s16], [sflag:$0x1] =	stream.indirect.gather [hbm4b:s4+s14], $0x80, s15, s14, $0xb8;
	[tilespmem:$0x1EA00] =	vst v63  }
0xc3: {  	_ =	swait.ge [sflag:s21], $0x4000  }
0xc4: {  	[sflag:s21] =	ssyncset.done $0x0  }
0xc5: {  	[sflag:s21] =	ssyncadd.s32 $0xFFFFC000  }
0xc6: {  	[spmem:s1] =	stream.indirect.scatter.add.f32 [tilespmem:s18], [sflag:$0x4], $0x80, s22, s14, $0xb8;
	[tilespmem:$0x1EA00] =	vst v63  }
0xc7: {  	_ =	swait.ge [sflag:s12], $0x4000  }
0xc8: {  	[sflag:s12] =	ssyncset.done $0x0  }
0xc9: {  	s26 =	sshra.s32 s29, $0x2;
	[sflag:s12] =	ssyncadd.s32 $0xFFFFC000  }
0xca: {  	v1 =	vld [tilespmem:s26+$0x40];
	_ =	sdelay $0x4  }
0xcb: {  	v2 =	vand.u32 $0xFFFF, v1;
	v1 =	vshrl.u32 v1, $0x10  }
0xcc: {  	[tilespmem:$0x2880] =	vst v2  }
0xcd: {  	[tilespmem:$0x2890] =	vst v1  }
0xce: {  	v1 =	vld [tilespmem:s26+$0x1440];
	_ =	sdelay $0x4  }
0xcf: {  	v2 =	vand.u32 $0xFFFF, v1;
	v1 =	vshrl.u32 v1, $0x10  }
0xd0: {  	[tilespmem:$0x2980] =	vst v2  }
0xd1: {  	[tilespmem:$0x2990] =	vst v1  }
0xd2: {  	v1 =	vld [tilespmem:s26+$0x50];
	_ =	sdelay $0x4  }
0xd3: {  	v2 =	vand.u32 $0xFFFF, v1;
	v1 =	vshrl.u32 v1, $0x10  }
0xd4: {  	[tilespmem:$0x28A0] =	vst v2  }
0xd5: {  	[tilespmem:$0x28B0] =	vst v1  }
0xd6: {  	v1 =	vld [tilespmem:s26+$0x1450];
	_ =	sdelay $0x4  }
0xd7: {  	v2 =	vand.u32 $0xFFFF, v1;
	v1 =	vshrl.u32 v1, $0x10  }
0xd8: {  	[tilespmem:$0x29A0] =	vst v2  }
0xd9: {  	[tilespmem:$0x29B0] =	vst v1  }
0xda: {  	v1 =	vld [tilespmem:s26+$0x60];
	_ =	sdelay $0x4  }
0xdb: {  	v2 =	vand.u32 $0xFFFF, v1;
	v1 =	vshrl.u32 v1, $0x10  }
0xdc: {  	[tilespmem:$0x28C0] =	vst v2  }
0xdd: {  	[tilespmem:$0x28D0] =	vst v1  }
0xde: {  	v1 =	vld [tilespmem:s26+$0x1460];
	_ =	sdelay $0x4  }
0xdf: {  	v2 =	vand.u32 $0xFFFF, v1;
	v1 =	vshrl.u32 v1, $0x10  }
0xe0: {  	[tilespmem:$0x29C0] =	vst v2  }
0xe1: {  	[tilespmem:$0x29D0] =	vst v1  }
0xe2: {  	v1 =	vld [tilespmem:s26+$0x70];
	_ =	sdelay $0x4  }
0xe3: {  	v2 =	vand.u32 $0xFFFF, v1;
	v1 =	vshrl.u32 v1, $0x10  }
0xe4: {  	[tilespmem:$0x28E0] =	vst v2  }
0xe5: {  	[tilespmem:$0x28F0] =	vst v1  }
0xe6: {  	v1 =	vld [tilespmem:s26+$0x1470];
	_ =	sdelay $0x4  }
0xe7: {  	v2 =	vand.u32 $0xFFFF, v1;
	v1 =	vshrl.u32 v1, $0x10  }
0xe8: {  	[tilespmem:$0x29E0] =	vst v2  }
0xe9: {  	[tilespmem:$0x29F0] =	vst v1  }
0xea: {  	[tilespmem:s18], [sflag:$0x2] =	stream.indirect.gather [hbm4b:s4+s14], $0x80, s17, s14, $0xb8;
	[tilespmem:$0x1EA00] =	vst v63  }
0xeb: {  	_ =	swait.ge [sflag:s19], $0x4000  }
0xec: {  	[sflag:s19] =	ssyncset.done $0x0  }
0xed: {  	[sflag:s19] =	ssyncadd.s32 $0xFFFFC000  }
0xee: {  	[spmem:s1] =	stream.indirect.scatter.add.f32 [tilespmem:s16], [sflag:$0x4], $0x80, s20, s14, $0xb8;
	[tilespmem:$0x1EA00] =	vst v63  }
0xef: {  	_ =	swait.ge [sflag:s12], $0x4000  }
0xf0: {  	[sflag:s12] =	ssyncset.done $0x0  }
0xf1: {  	[sflag:s12] =	ssyncadd.s32 $0xFFFFC000  }
0xf2: {  	v1 =	vld [tilespmem:s26+$0x80];
	_ =	sdelay $0x4  }
0xf3: {  	v2 =	vand.u32 $0xFFFF, v1;
	v1 =	vshrl.u32 v1, $0x10  }
0xf4: {  	[tilespmem:$0x2800] =	vst v2  }
0xf5: {  	[tilespmem:$0x2810] =	vst v1  }
0xf6: {  	v1 =	vld [tilespmem:s26+$0x1480];
	_ =	sdelay $0x4  }
0xf7: {  	v2 =	vand.u32 $0xFFFF, v1;
	v1 =	vshrl.u32 v1, $0x10  }
0xf8: {  	[tilespmem:$0x2900] =	vst v2  }
0xf9: {  	[tilespmem:$0x2910] =	vst v1  }
0xfa: {  	v1 =	vld [tilespmem:s26+$0x90];
	_ =	sdelay $0x4  }
0xfb: {  	v2 =	vand.u32 $0xFFFF, v1;
	v1 =	vshrl.u32 v1, $0x10  }
0xfc: {  	[tilespmem:$0x2820] =	vst v2  }
0xfd: {  	[tilespmem:$0x2830] =	vst v1  }
0xfe: {  	v1 =	vld [tilespmem:s26+$0x1490];
	_ =	sdelay $0x4  }
0xff: {  	v2 =	vand.u32 $0xFFFF, v1;
	v1 =	vshrl.u32 v1, $0x10  }
0x100: {  	[tilespmem:$0x2920] =	vst v2  }
0x101: {  	[tilespmem:$0x2930] =	vst v1  }
0x102: {  	v1 =	vld [tilespmem:s26+$0xA0];
	_ =	sdelay $0x4  }
0x103: {  	v2 =	vand.u32 $0xFFFF, v1;
	v1 =	vshrl.u32 v1, $0x10  }
0x104: {  	[tilespmem:$0x2840] =	vst v2  }
0x105: {  	[tilespmem:$0x2850] =	vst v1  }
0x106: {  	v1 =	vld [tilespmem:s26+$0x14A0];
	_ =	sdelay $0x4  }
0x107: {  	v2 =	vand.u32 $0xFFFF, v1;
	v1 =	vshrl.u32 v1, $0x10  }
0x108: {  	[tilespmem:$0x2940] =	vst v2  }
0x109: {  	[tilespmem:$0x2950] =	vst v1  }
0x10a: {  	v1 =	vld [tilespmem:s26+$0xB0];
	_ =	sdelay $0x1  }
.Ltmp1:
0x10b: {  	(pc) =	sbr.rel @p0 .LBB2_4-.Ltmp1, $3  }
0x10c: {  	_ =	sdelay $0x1  }
0x10d: {  	v2 =	vand.u32 $0xFFFF, v1;
	v1 =	vshrl.u32 v1, $0x10  }
0x10e: {  	[tilespmem:$0x2860] =	vst v2  }
0x10f: {  	[tilespmem:$0x2870] =	vst v1  }
0x110: {  	v1 =	vld [tilespmem:s26+$0x14B0];
	_ =	sdelay $0x4  }
0x111: {  	v2 =	vand.u32 $0xFFFF, v1  }
0x112: {  	v1 =	vshrl.u32 v1, $0x10;
	[tilespmem:$0x2960] =	vst v2  }
0x113: {  	[tilespmem:$0x2970] =	vst v1  }
0x114: {  	[tilespmem:s16], [sflag:$0x1] =	stream.indirect.gather [hbm4b:s4+s14], $0x80, s15, s14, $0xb8;
	[tilespmem:$0x1EA00] =	vst v63  }
0x115: {  	_ =	swait.ge [sflag:s21], $0x4000  }
0x116: {  	[sflag:s21] =	ssyncset.done $0x0  }
0x117: {  	[sflag:s21] =	ssyncadd.s32 $0xFFFFC000  }
0x118: {  	[spmem:s1] =	stream.indirect.scatter.add.f32 [tilespmem:s18], [sflag:$0x4], $0x80, s22, s14, $0xb8;
	[tilespmem:$0x1EA00] =	vst v63  }
0x119: {  	_ =	swait.ge [sflag:s12], $0x4000  }
0x11a: {  	[sflag:s12] =	ssyncset.done $0x0  }
0x11b: {  	[sflag:s12] =	ssyncadd.s32 $0xFFFFC000  }
0x11c: {  	v1 =	vld [tilespmem:$0x13C0];
	_ =	sdelay $0x1  }
0x11d: {  	v2 =	vld [tilespmem:$0x27C0];
	_ =	sdelay $0x1  }
0x11e: {  	v3 =	vld [tilespmem:$0x13D0]  }
0x11f: {  	v4 =	vand.u32 $0xFFFF, v1  }
0x120: {  	v62 =	vld [tilespmem:$0x27D0];
	v1 =	vshrl.u32 v1, $0x10;
	[tilespmem:$0x2880] =	vst v4  }
0x121: {  	[tilespmem:$0x2890] =	vst v1;
	v1 =	vand.u32 $0xFFFF, v2  }
0x122: {  	[tilespmem:$0x2980] =	vst v1;
	v1 =	vshrl.u32 v2, $0x10;
	v2 =	vld [tilespmem:$0x13E0]  }
0x123: {  	[tilespmem:$0x2990] =	vst v1;
	v1 =	vand.u32 $0xFFFF, v3  }
0x124: {  	[tilespmem:$0x28A0] =	vst v1;
	v1 =	vshrl.u32 v3, $0x10;
	v3 =	vld [tilespmem:$0x27E0]  }
0x125: {  	[tilespmem:$0x28B0] =	vst v1;
	v1 =	vand.u32 $0xFFFF, v62  }
0x126: {  	v63 =	vld [tilespmem:$0x13F0];
	[tilespmem:$0x29A0] =	vst v1;
	v1 =	vshrl.u32 v62, $0x10  }
0x127: {  	[tilespmem:$0x29B0] =	vst v1;
	v1 =	vand.u32 $0xFFFF, v2  }
0x128: {  	[tilespmem:$0x28C0] =	vst v1;
	v1 =	vshrl.u32 v2, $0x10;
	v2 =	vld [tilespmem:$0x27F0]  }
0x129: {  	[tilespmem:$0x28D0] =	vst v1;
	v1 =	vand.u32 $0xFFFF, v3  }
0x12a: {  	[tilespmem:$0x29C0] =	vst v1;
	v1 =	vshrl.u32 v3, $0x10  }
0x12b: {  	[tilespmem:$0x29D0] =	vst v1;
	v1 =	vand.u32 $0xFFFF, v63  }
0x12c: {  	[tilespmem:$0x28E0] =	vst v1;
	v1 =	vshrl.u32 v63, $0x10  }
0x12d: {  	[tilespmem:$0x28F0] =	vst v1;
	v1 =	vand.u32 $0xFFFF, v2  }
0x12e: {  	[tilespmem:$0x29E0] =	vst v1;
	v1 =	vshrl.u32 v2, $0x10  }
0x12f: {  	[tilespmem:$0x29F0] =	vst v1  }
0x130: {  	[tilespmem:s18], [sflag:$0x2] =	stream.indirect.gather [hbm4b:s4+s14], $0x80, s17, s14, $0xb8;
	[tilespmem:$0x1EA00] =	vst v63  }
0x131: {  	_ =	swait.ge [sflag:s19], $0x4000  }
0x132: {  	[sflag:s19] =	ssyncset.done $0x0  }
0x133: {  	[sflag:s19] =	ssyncadd.s32 $0xFFFFC000  }
0x134: {  	[spmem:s1] =	stream.indirect.scatter.add.f32 [tilespmem:s16], [sflag:$0x4], $0x80, s20, s14, $0xb8;
	[tilespmem:$0x1EA00] =	vst v63  }
0x135: {  	_ =	swait.ge [sflag:s12], $0x4000  }
0x136: {  	[sflag:s12] =	ssyncset.done $0x0  }
0x137: {  	[sflag:s12] =	ssyncadd.s32 $0xFFFFC000  }
0x138: {  	_ =	swait.ge [sflag:s21], $0x4000  }
0x139: {  	[sflag:s21] =	ssyncset.done $0x0  }
0x13a: {  	[sflag:s21] =	ssyncadd.s32 $0xFFFFC000  }
0x13b: {  	[spmem:s1] =	stream.indirect.scatter.add.f32 [tilespmem:s18], [sflag:$0x4], $0x80, s22, s14, $0xb8;
	[tilespmem:$0x1EA00] =	vst v63  }
0x13c: {  	_ =	swait.ge [sflag:s12], $0x4000  }
0x13d: {  	s25 =	sadd.s32 $0x1, s25;
	[sflag:s12] =	ssyncset.done $0x0  }
0x13e: {  	p0 =	sne.s32 s25, s9;
	[sflag:s12] =	ssyncadd.s32 $0xFFFFC000  }
.Ltmp2:
0x13f: {  	[bflag:$0x0] =	sbarrier.arrive $0xFFFF;
	(pc) =	sbr.rel @p0 .LBB2_1-.Ltmp2, $4  }
0x140: {  	[hbm:s8], [sflag:s23] =	dma.local [spmem:s24], $0x2780  }
0x141: {  	_ =	swait.ge [sflag:s12], $0x2780  }
0x142: {  	[sflag:s12] =	ssyncset.done $0x0  }
0x143: {  	[sflag:s12] =	ssyncadd.s32 $0xFFFFD880  }
0x144: {  	_ =	sfence.sel $0x180000  }
0x145: {  	[bflag:$0x0] =	sbarrier.arrive $0xFFFF  }
0x146: {  	p0 =	sne.s32 s2, $0x0;
	_ =	strace $0x9000004A  }
0x147: {  	s0 =	sadd.s32 @!p0 $0x100000, s0;
	[bflag:$0x2] =	sbarrier.arrive $0xFFFF  }
0x148: {  	[sflag:s0] =	ssyncadd.tile.s32 @!p0 $0x1;
	_ =	shalt  }
.Lfunc_end2:
_tile_overlayer_lowered:
.L_overlay_start_2:
0x149: {  	(tag) =	ssettag $0x2  }
0x14a: {  	s0 =	rddreg [dreg:$0x0];
	s2 =	stileid.u32  }
0x14b: {  	s1 =	rddreg [dreg:$0x1];
	p0 =	sne.s32 s2, $0x0  }
0x14c: {  	s3 =	rddreg [dreg:$0x2];
	[bflag:$0x3] =	sbarrier.arrive $0xFFFF;
	s2 =	simm.s32 @!p0 $0x1C04  }
0x14d: {  	[timem:s3], [sflag:s2] =	dma.local @!p0 [hbm:s0], s1  }
0x14e: {  	s0 =	simm.s32 @!p0 $0x4  }
0x14f: {  	_ =	swait.ge @!p0 [sflag:s0], s1  }
0x150: {  	s1 =	ssub.s32 @!p0 $0x0, s1;
	[sflag:s0] =	ssyncset.done @!p0 $0x0  }
0x151: {  	[sflag:s0] =	ssyncadd.s32 @!p0 s1  }
0x152: {  	[bflag:$0x3] =	sbarrier.arrive $0xFFFF  }
0x153: {  	_ =	shalt  }

// kernel: _run.15.cloned.1.call-start
scs
__scs_entry_jumppad:
0x0: {  	(pc) =	sbr.rel $0x88, $3  }
0x1: {  	(tag) =	ssettag $0x0;
	lr =	simm.s32 $0x1  }
0x2: {  	[smem:$0x3F99] =	sst lr;
	_ =	strace $0xD0000000  }
0x3: {  	_ = 	snop  }
0x4: {  	_ = 	snop  }
0x5: {  	_ = 	snop  }
0x6: {  	_ = 	snop  }
0x7: {  	_ = 	snop  }
__scs_overlays_trampoline_lowered:
0x8: {  	[smem:$0x3FA8] =	sst s0  }
0x9: {  	[smem:$0x3FA9] =	sst s1  }
0xa: {  	[smem:$0x3FAA] =	sst s2  }
0xb: {  	[smem:$0x3FAB] =	sst s3  }
0xc: {  	[smem:$0x3FAC] =	sst s4  }
0xd: {  	[smem:$0x3FAD] =	sst s5  }
0xe: {  	[smem:$0x3FAE] =	sst s6  }
0xf: {  	[smem:$0x3FAF] =	sst s7  }
0x10: {  	[smem:$0x3FB0] =	sst s8  }
0x11: {  	[smem:$0x3FB1] =	sst s9;
	s0 =	simm.s32 @!p0 $0x0  }
0x12: {  	s1 =	sld [smem:$0x3F97];
	s0 =	simm.s32 @p0 $0x1  }
0x13: {  	[smem:$0x3FB2] =	sst s0;
	s0 =	simm.s32 @!p1 $0x0  }
0x14: {  	s2 =	sld [smem:$0x3F96];
	s0 =	simm.s32 @p1 $0x1  }
0x15: {  	[smem:$0x3FB3] =	sst s0;
	s0 =	simm.s32 @!p2 $0x0  }
0x16: {  	s3 =	sld [smem:$0x3FDB];
	s0 =	simm.s32 @p2 $0x1  }
0x17: {  	s4 =	simm.s32 $0x1BF5;
	[smem:$0x3FB5] =	sst s0  }
0x18: {  	s0 =	sld [smem:$0x3F98];
	_ =	swait.ge [sflag:s4], $0x0  }
0x19: {  	s7 =	sld [smem:$0x3F99]  }
0x1a: {  	s8 =	sadd.s32 $0xFFFFE003, lr  }
0x1b: {  	s9 =	sadd.s32 $0xFFFFFEF7, lr;
	s5 =	simm.s32 $0xFFFFFFFF;
	p2 =	slt.u32 s8, $0xFFFFF086  }
0x1c: {  	p1 =	slt.u32 s9, $0xF7A;
	s5 =	simm.s32 @!p2 $0x0  }
0x1d: {  	s5 =	simm.s32 @p1 $0x1;
	p0 =	seq.s32 s7, s2  }
0x1e: {  	s7 =	smul.u32 @!p0 $0xF7A, s2;
	p2 =	seq.s32 @!p0 s5, $0x0  }
0x1f: {  	s9 =	smul.u32 $0xF7A, s1;
	s8 =	simm.s32 @!p0 $0x1BF5;
	p2 =	por !p2, p0  }
0x20: {  	[sflag:s8] =	ssyncset.s32 @!p0 $0xFFFFF086;
	s6 =	sadd.s32 @!p0 s3, s7;
	s7 =	simm.s32 @!p0 $0x108  }
0x21: {  	s3 =	sadd.s32 s3, s9;
	s6 =	sadd.s32 @!p0 $0x88, s6;
	s7 =	simm.s32 @p2 $0x1082  }
0x22: {  	[simem:s7], [sflag:s8] =	dma.local @!p0 [hbm:s6], $0xF7A  }
0x23: {  	s9 =	sor.u32 $0xD0000000, s2;
	s6 =	simm.s32 $0x108;
	_ =	swait.ge @!p0 [sflag:s8], $0x0  }
0x24: {  	s3 =	sadd.s32 $0x88, s3;
	s6 =	simm.s32 @!p1 $0x1082;
	[sflag:s4] =	ssyncset.s32 $0xFFFFF086  }
0x25: {  	[simem:s6], [sflag:s4] =	dma.local [hbm:s3], $0xF7A  }
0x26: {  	[smem:$0x3F99] =	sst s1;
	(tag) =	ssettag s2;
	_ =	strace s9  }
0x27: {  	s1 =	sld [smem:$0x3FA9]  }
0x28: {  	s2 =	sld [smem:$0x3FAA]  }
0x29: {  	s4 =	sld [smem:$0x3FAC]  }
0x2a: {  	p0 =	seq.s32 s5, $0x0;
	s5 =	sld [smem:$0x3FAD]  }
0x2b: {  	s6 =	sld [smem:$0x3FAE]  }
0x2c: {  	s7 =	sld [smem:$0x3FAF]  }
0x2d: {  	s3 =	simm.s32 $0x108;
	s8 =	sld [smem:$0x3FB0]  }
0x2e: {  	s3 =	simm.s32 @!p0 $0x1082;
	s9 =	sld [smem:$0x3FB1]  }
0x2f: {  	lr =	sadd.s32 s0, s3;
	s0 =	sld [smem:$0x3FA8]  }
0x30: {  	s3 =	sld [smem:$0x3FAB]  }
0x31: {  	[smem:$0x3FB4] =	sst s10  }
0x32: {  	s10 =	sld [smem:$0x3FB2];
	_ =	sdelay $0x3  }
0x33: {  	p0 =	seq.s32 s10, $0x1;
	s10 =	sld [smem:$0x3FB4];
	_ =	sdelay $0x3  }
0x34: {  	[smem:$0x3FB4] =	sst s10  }
0x35: {  	s10 =	sld [smem:$0x3FB3];
	_ =	sdelay $0x3  }
0x36: {  	p1 =	seq.s32 s10, $0x1;
	s10 =	sld [smem:$0x3FB4];
	_ =	sdelay $0x3  }
0x37: {  	[smem:$0x3FB4] =	sst s10  }
0x38: {  	s10 =	sld [smem:$0x3FB5]  }
0x39: {  	_ = 	snop;
	(pc) =	sbr.ind lr, $3  }
0x3a: {  	_ = 	snop  }
0x3b: {  	_ = 	snop  }
0x3c: {  	p2 =	seq.s32 s10, $0x1;
	s10 =	sld [smem:$0x3FB4]  }
0x3d: {  	_ =	shalt  }
0x3e: {  	_ =	shalt  }
0x3f: {  	_ =	shalt  }
0x40: {  	_ =	shalt  }
0x41: {  	_ =	shalt  }
0x42: {  	_ =	shalt  }
0x43: {  	_ =	shalt  }
0x44: {  	_ =	shalt  }
0x45: {  	_ =	shalt  }
0x46: {  	_ =	shalt  }
0x47: {  	_ =	shalt  }
0x48: {  	_ =	shalt  }
0x49: {  	_ =	shalt  }
0x4a: {  	_ =	shalt  }
0x4b: {  	_ =	shalt  }
0x4c: {  	_ =	shalt  }
0x4d: {  	_ =	shalt  }
0x4e: {  	_ =	shalt  }
0x4f: {  	_ =	shalt  }
0x50: {  	_ =	shalt  }
0x51: {  	_ =	shalt  }
0x52: {  	_ =	shalt  }
0x53: {  	_ =	shalt  }
0x54: {  	_ =	shalt  }
0x55: {  	_ =	shalt  }
0x56: {  	_ =	shalt  }
0x57: {  	_ =	shalt  }
0x58: {  	_ =	shalt  }
0x59: {  	_ =	shalt  }
0x5a: {  	_ =	shalt  }
0x5b: {  	_ =	shalt  }
0x5c: {  	_ =	shalt  }
0x5d: {  	_ =	shalt  }
0x5e: {  	_ =	shalt  }
0x5f: {  	_ =	shalt  }
0x60: {  	_ =	shalt  }
0x61: {  	_ =	shalt  }
0x62: {  	_ =	shalt  }
0x63: {  	_ =	shalt  }
0x64: {  	_ =	shalt  }
0x65: {  	_ =	shalt  }
0x66: {  	_ =	shalt  }
0x67: {  	_ =	shalt  }
0x68: {  	_ =	shalt  }
0x69: {  	_ =	shalt  }
0x6a: {  	_ =	shalt  }
0x6b: {  	_ =	shalt  }
0x6c: {  	_ =	shalt  }
0x6d: {  	_ =	shalt  }
0x6e: {  	_ =	shalt  }
0x6f: {  	_ =	shalt  }
0x70: {  	_ =	shalt  }
0x71: {  	_ =	shalt  }
0x72: {  	_ =	shalt  }
0x73: {  	_ =	shalt  }
0x74: {  	_ =	shalt  }
0x75: {  	_ =	shalt  }
0x76: {  	_ =	shalt  }
0x77: {  	_ =	shalt  }
0x78: {  	_ =	shalt  }
0x79: {  	_ =	shalt  }
0x7a: {  	_ =	shalt  }
0x7b: {  	_ =	shalt  }
0x7c: {  	_ =	shalt  }
0x7d: {  	_ =	shalt  }
0x7e: {  	_ =	shalt  }
0x7f: {  	_ =	shalt  }
0x80: {  	_ =	shalt  }
0x81: {  	_ =	shalt  }
0x82: {  	_ =	shalt  }
0x83: {  	_ =	shalt  }
0x84: {  	_ =	shalt  }
0x85: {  	_ =	shalt  }
0x86: {  	_ =	shalt  }
0x87: {  	_ =	shalt  }
.Lfunc_end0:
.L_simem_size_0:
called_computation.2_lowered:
.L_overlay_start_0:
0x88: {  	s2 =	sld [smem:$0x3FD9]  }
0x89: {  	s3 =	sld [smem:$0x3FFE];
	_ =	sdelay $0x1  }
0x8a: {  	s1 =	srdreg.scid  }
0x8b: {  	s0 =	sand.u32 $0x1, s1  }
0x8c: {  	s17 =	sshll.u32 s0, $0xA;
	s2 =	sadd.s32 s3, s2  }
0x8d: {  	s2 =	sadd.s32 s2, s17  }
0x8e: {  	[smem:$0x3FC0] =	sst s2  }
0x8f: {  	_ = 	snop  }
0x90: {  	(tm) =	ssettm $0x1  }
0x91: {  	s18 =	sld [smem:$0x3FFB];
	_ =	sdelay $0x3  }
0x92: {  	_ =	strace s18  }
0x93: {  	s2 =	sld [smem:$0x3FFC];
	_ =	sdelay $0x3  }
0x94: {  	_ =	strace s2  }
0x95: {  	s2 =	sld [smem:$0x3FFD];
	_ =	sdelay $0x3  }
0x96: {  	_ =	strace s2  }
0x97: {  	_ =	strace $0x8FFFFFFF  }
0x98: {  	s19 =	sld [smem:$0x3FDB];
	_ =	sdelay $0x1  }
0x99: {  	s20 =	simm.s32 $_scs_section_size  }
0x9a: {  	s4 =	simm.s32 $_size__tile_overlayer_lowered;
	s5 =	simm.s32 $_tile_overlayer_lowered  }
0x9b: {  	s6 =	simm.s32 $0x1BFF;
	s21 =	sshll.u32 s5, $0x1;
	s3 =	sadd.s32 s20, s19  }
0x9c: {  	s22 =	simm.s32 $0x0;
	s4 =	sshll.u32 s4, $0x1;
	s5 =	sadd.s32 s21, s3  }
0x9d: {  	[timem:s22], [sflag:s6] =	dma.local [hbm:s5], s4  }
0x9e: {  	_ =	swait.ge [sflag:s6], s4  }
0x9f: {  	s4 =	ssub.s32 $0x0, s4;
	[sflag:s6] =	ssyncset.done $0x0  }
0xa0: {  	[sflag:s6] =	ssyncadd.s32 s4;
	_ =	sdelay $0x1  }
0xa1: {  	s23 =	simm.s32 $0x1B8B  }
0xa2: {  	_ =	swait.ge [sflag:s23], $0x1  }
0xa3: {  	[sflag:s23] =	ssyncset.done $0x0  }
0xa4: {  	[sflag:s23] =	ssyncadd.s32 $0xFFFFFFFF  }
0xa5: {  	s4 =	sld [smem:$0x0]  }
0xa6: {  	s5 =	sand.u32 $0xFFFFFFFE, s1  }
0xa7: {  	p0 =	sne.s32 s1, s5  }
0xa8: {  	s5 =	sshll.u32 @p0 s5, $0xE  }
0xa9: {  	s5 =	sadd.s32 @p0 $0x11B8D, s5;
	s6 =	sshll.u32 @p0 s4, $0x11  }
0xaa: {  	s5 =	sor.u32 @p0 s6, s5  }
0xab: {  	[sflag:s5] =	ssyncadd.remote.s32 @p0 $0x1;
	_ =	sdelay $0x1  }
0xac: {  	s5 =	simm.s32 @p0 $0x1B8D  }
0xad: {  	_ =	swait.eq @p0 [sflag:s5], $0x1  }
0xae: {  	[sflag:s5] =	ssyncadd.s32 @p0 $0xFFFFFFFF  }
0xaf: {  	s6 =	sshll.u32 @!p0 s1, $0xE  }
0xb0: {  	s6 =	sor.u32 @!p0 $0x4000, s6;
	s5 =	simm.s32 @!p0 $0x1B8D  }
0xb1: {  	s4 =	sshll.u32 @!p0 s4, $0x11;
	s6 =	sadd.s32 @!p0 $0x11B8D, s6;
	_ =	swait.eq @!p0 [sflag:s5], $0x1  }
0xb2: {  	s4 =	sor.u32 @!p0 s4, s6;
	[sflag:s5] =	ssyncadd.s32 @!p0 $0xFFFFFFFF  }
0xb3: {  	s25 =	simm.s32 $0x1B8E;
	s24 =	sld [smem:$0x3FFE];
	[sflag:s4] =	ssyncadd.remote.s32 @!p0 $0x1  }
0xb4: {  	s26 =	simm.s32 $execute0_lowered;
	[smem:$0x3FD2] =	sst s25  }
0xb5: {  	s5 =	sshll.u32 s26, $0x1;
	_ =	strace $0x8000004C;
	[dreg:$0x1] =	wrdreg $0xFFFFFFFF  }
0xb6: {  	s28 =	simm.s32 $_size_execute0_lowered;
	s3 =	sadd.s32 s3, s5;
	[dreg:$0x0] =	wrdreg $0x0  }
0xb7: {  	s5 =	sshll.u32 s28, $0x1;
	[dreg:$0x2] =	wrdreg s3  }
0xb8: {  	[dreg:$0x3] =	wrdreg s5  }
0xb9: {  	[dreg:$0x4] =	wrdreg $0xC0  }
0xba: {  	_ =	task [dreg:s22], $0x5FFFF  }
0xbb: {  	[dreg:$0x1] =	wrdreg $0xFFFFFFFF  }
0xbc: {  	[dreg:$0x0] =	wrdreg $0x60  }
0xbd: {  	[dreg:$0x2] =	wrdreg s24  }
0xbe: {  	[dreg:$0x3] =	wrdreg $0x9  }
0xbf: {  	_ =	task.clear_ibuf [dreg:s22], $0x4FFFF;
	_ =	strace $0x9000004C  }
0xc0: {  	s29 =	simm.s32 $0x9;
	_ =	strace $0x8000004E  }
0xc1: {  	_ =	swait.ge [sflag:s29], $0x1  }
0xc2: {  	[sflag:s29] =	ssyncadd.s32 $0xFFFFFFFF  }
0xc3: {  	_ =	strace $0x9000004E  }
0xc4: {  	_ =	sfence  }
0xc5: {  	s30 =	sld [smem:$0x0];
	_ =	sdelay $0x2  }
0xc6: {  	s31 =	sshll.u32 s1, $0xD;
	s1 =	sshrl.u32 s1, $0x2  }
0xc7: {  	s4 =	sand.u32 $0x4000, s31;
	s1 =	sadd.s32 s1, s30  }
0xc8: {  	s0 =	sor.u32 s4, s0;
	s1 =	sshll.u32 s1, $0x11  }
0xc9: {  	s0 =	sor.u32 s1, s0  }
0xca: {  	s0 =	sadd.s32 $0x8F2B, s0  }
0xcb: {  	[sflag:s0] =	ssyncadd.remote.s32 $0x1  }
0xcc: {  	_ =	sfence.sel $0xFFFF  }
0xcd: {  	[dreg:$0x0] =	wrdreg $0xFFFFFFFF;
	(pc) =	sbr.abs _section_cstart, $3  }
0xce: {  	[dreg:$0x1] =	wrdreg $0xFFFFFFFF  }
0xcf: {  	_ =	task.clear_ibuf [dreg:s22], $0x2FFFF;
	_ =	strace $0x9FFFFFFF  }
0xd0: {  	(tm) =	ssettm $0x7FFFFFFF  }
0xd1: {  	_ =	shalt  }
tec
execute0_lowered:
.L_overlay_start_1:
0x0: {  	(tag) =	ssettag $0x1  }
0x1: {  	s1 =	srdreg.scid  }
0x2: {  	s0 =	stileid.u32;
	s4 =	rddreg [dreg:$0x0];
	s8 =	simm.s32 $0x1  }
0x3: {  	s9 =	simm.s32 $0x2780;
	s10 =	simm.s32 $0x4F00;
	s11 =	simm.s32 $0x7700  }
0x4: {  	s12 =	simm.s32 $0x80;
	s13 =	simm.s32 $0x400;
	s14 =	simm.s32 $0x0  }
0x5: {  	s3 =	sand.u32 $0x1, s1;
	s2 =	sshll.u32 s0, $0x1;
	s1 =	rddreg [dreg:$0x1]  }
0x6: {  	s6 =	sshrl.u32 s0, $0x2;
	s5 =	sor.u32 s3, s2;
	s2 =	simm.s32 $0x0  }
0x7: {  	s6 =	smul.u32 $0x14000, s6;
	s30 =	ssub.s32 $0x2, s3;
	s7 =	sshll.u32 s5, $0x7  }
0x8: {  	s3 =	sadd.s32 $0x17E00, s4;
	[smem:$0x7FF] =	sst s2;
	s7 =	sand.u32 $0x380, s7  }
0x9: {  	s5 =	smul.u32 $0x4E2, s5;
	s31 =	sshrl.u32 s30, $0x1;
	s6 =	sor.u32 s6, s7  }
0xa: {  	_ =	strace $0x8000004D;
	s7 =	ssub.s32 s30, s31;
	s6 =	sshrl.u32 s6, $0x3  }
0xb: {  	s5 =	sadd.s32 s5, s4;
	s7 =	smax.u32 s7, $0x1;
	s6 =	sadd.s32 s6, s4  }
0xc: {  	v0 =	vimm.f32 $0.0e+00;
	s4 =	sadd.s32 $0xE000, s5;
	s5 =	sadd.s32 $0x4200, s5;
	s6 =	sadd.s32 $0x18400, s6  }
.LBB2_1:
0xd: {  	[tilespmem:s2], [sflag:$0x1] =	stream.linear.gather [hbm4b:s4+s2], $0x2710, $0x38;
	[tilespmem:$0x9F00] =	vst v63  }
0xe: {  	_ =	swait.ge [sflag:s8], $0x2710  }
0xf: {  	[sflag:s8] =	ssyncset.done $0x0  }
0x10: {  	[sflag:s8] =	ssyncadd.s32 $0xFFFFD8F0  }
0x11: {  	[tilespmem:s9], [sflag:$0x1] =	stream.linear.gather [hbm4b:s5+s2], $0x2710, $0x38;
	[tilespmem:$0x9F00] =	vst v63  }
0x12: {  	_ =	swait.ge [sflag:s8], $0x2710  }
0x13: {  	[sflag:s8] =	ssyncset.done $0x0  }
0x14: {  	[sflag:s8] =	ssyncadd.s32 $0xFFFFD8F0  }
0x15: {  	[tilespmem:s10], [sflag:$0x1] =	stream.linear.gather [hbm4b:s3+s2], $0x2800, $0x38;
	[tilespmem:$0x9F00] =	vst v63  }
0x16: {  	_ =	swait.ge [sflag:s8], $0x2800  }
0x17: {  	[sflag:s8] =	ssyncset.done $0x0  }
0x18: {  	s15 =	simm.s32 $0x0;
	[sflag:s8] =	ssyncadd.s32 $0xFFFFD800  }
.LBB2_2:
0x19: {  	p0 =	sne.s32 s15, $0x9FC0  }
.Ltmp0:
0x1a: {  	_ = 	snop;
	(pc) =	sbr.rel @p0 .LBB2_2-.Ltmp0, $3  }
0x1b: {  	_ =	sdelay $0x1  }
0x1c: {  	s16 =	sshra.s32 s15, $0x2  }
0x1d: {  	s15 =	sadd.s32 $0x40, s15;
	[tilespmem:s16+$0x7700] =	vst v0  }
0x1e: {  	s16 =	simm.s32 $0x0;
	s15 =	simm.s32 $0x40  }
.LBB2_4:
0x1f: {  	p0 =	sne.s32 s15, $0x9C00;
	v1 =	vld [tilespmem:s16+$0x2780];
	_ =	sdelay $0x5  }
0x20: {  	v2 =	vld [tilespmem:s16+$0x0];
	_ =	sdelay $0x1  }
0x21: {  	v1 =	vld.idx.msk [tilespmem:v1+s10+$0x0], $0xffff;
	_ =	sdelay $0x1  }
.Ltmp1:
0x22: {  	(pc) =	sbr.rel @p0 .LBB2_4-.Ltmp1, $2  }
0x23: {  	_ =	sdelay $0x2  }
0x24: {  	s16 =	sshra.s32 s15, $0x2;
	s15 =	sadd.s32 $0x40, s15;
	[tilespmem:v2+s11+$0x0] =	vst.idx.add.f32.msk $0xffff, v1  }
0x25: {  	v1 =	vld [tilespmem:s16+$0x2780];
	_ =	sdelay $0x4  }
0x26: {  	v2 =	vld [tilespmem:s16+$0x0];
	_ =	sdelay $0x2  }
0x27: {  	v1 =	vld.idx.msk [tilespmem:v1+s10+$0x0], $0xffff;
	_ =	sdelay $0x2  }
0x28: {  	s14 =	sadd.s32 $0x1, s14  }
0x29: {  	p0 =	sne.s32 s14, s7  }
.Ltmp2:
0x2a: {  	[tilespmem:v2+s11+$0x0] =	vst.idx.add.f32.msk $0xffff, v1;
	(pc) =	sbr.rel @p0 .LBB2_1-.Ltmp2, $4  }
0x2b: {  	[hbm4b:s6+s12] =	stream.strided.scatter [tilespmem:s11], [sflag:$0x1], $0x2800, s13, s12, $0x38;
	[tilespmem:$0x9F00] =	vst v63  }
0x2c: {  	_ =	swait.ge [sflag:s8], $0x2800  }
0x2d: {  	[sflag:s8] =	ssyncset.done $0x0  }
0x2e: {  	[sflag:s8] =	ssyncadd.s32 $0xFFFFD800  }
0x2f: {  	_ =	sfence.sel $0x180000  }
0x30: {  	[bflag:$0x0] =	sbarrier.arrive $0xFFFF  }
0x31: {  	p0 =	sne.s32 s0, $0x0;
	_ =	strace $0x9000004D  }
0x32: {  	s0 =	sadd.s32 @!p0 $0x100000, s1;
	[bflag:$0x2] =	sbarrier.arrive $0xFFFF  }
0x33: {  	[sflag:s0] =	ssyncadd.tile.s32 @!p0 $0x1;
	_ =	shalt  }
.Lfunc_end2:
_tile_overlayer_lowered:
.L_overlay_start_2:
0x34: {  	(tag) =	ssettag $0x2  }
0x35: {  	s0 =	rddreg [dreg:$0x0];
	s2 =	stileid.u32  }
0x36: {  	s1 =	rddreg [dreg:$0x1];
	p0 =	sne.s32 s2, $0x0  }
0x37: {  	s3 =	rddreg [dreg:$0x2];
	[bflag:$0x3] =	sbarrier.arrive $0xFFFF;
	s2 =	simm.s32 @!p0 $0x1C01  }
0x38: {  	[timem:s3], [sflag:s2] =	dma.local @!p0 [hbm:s0], s1  }
0x39: {  	s0 =	simm.s32 @!p0 $0x1  }
0x3a: {  	_ =	swait.ge @!p0 [sflag:s0], s1  }
0x3b: {  	s1 =	ssub.s32 @!p0 $0x0, s1;
	[sflag:s0] =	ssyncset.done @!p0 $0x0  }
0x3c: {  	[sflag:s0] =	ssyncadd.s32 @!p0 s1  }
0x3d: {  	[bflag:$0x3] =	sbarrier.arrive $0xFFFF  }
0x3e: {  	_ =	shalt  }

// kernel: _run.18.cloned.1.call-start
scs
__scs_entry_jumppad:
0x0: {  	(pc) =	sbr.rel $0x88, $3  }
0x1: {  	(tag) =	ssettag $0x0;
	lr =	simm.s32 $0x1  }
0x2: {  	[smem:$0x3F99] =	sst lr;
	_ =	strace $0xD0000000  }
0x3: {  	_ = 	snop  }
0x4: {  	_ = 	snop  }
0x5: {  	_ = 	snop  }
0x6: {  	_ = 	snop  }
0x7: {  	_ = 	snop  }
__scs_overlays_trampoline_lowered:
0x8: {  	[smem:$0x3FA8] =	sst s0  }
0x9: {  	[smem:$0x3FA9] =	sst s1  }
0xa: {  	[smem:$0x3FAA] =	sst s2  }
0xb: {  	[smem:$0x3FAB] =	sst s3  }
0xc: {  	[smem:$0x3FAC] =	sst s4  }
0xd: {  	[smem:$0x3FAD] =	sst s5  }
0xe: {  	[smem:$0x3FAE] =	sst s6  }
0xf: {  	[smem:$0x3FAF] =	sst s7  }
0x10: {  	[smem:$0x3FB0] =	sst s8  }
0x11: {  	[smem:$0x3FB1] =	sst s9;
	s0 =	simm.s32 @!p0 $0x0  }
0x12: {  	s1 =	sld [smem:$0x3F97];
	s0 =	simm.s32 @p0 $0x1  }
0x13: {  	[smem:$0x3FB2] =	sst s0;
	s0 =	simm.s32 @!p1 $0x0  }
0x14: {  	s2 =	sld [smem:$0x3F96];
	s0 =	simm.s32 @p1 $0x1  }
0x15: {  	[smem:$0x3FB3] =	sst s0;
	s0 =	simm.s32 @!p2 $0x0  }
0x16: {  	s3 =	sld [smem:$0x3FDB];
	s0 =	simm.s32 @p2 $0x1  }
0x17: {  	s4 =	simm.s32 $0x1BF5;
	[smem:$0x3FB5] =	sst s0  }
0x18: {  	s0 =	sld [smem:$0x3F98];
	_ =	swait.ge [sflag:s4], $0x0  }
0x19: {  	s7 =	sld [smem:$0x3F99]  }
0x1a: {  	s8 =	sadd.s32 $0xFFFFE003, lr  }
0x1b: {  	s9 =	sadd.s32 $0xFFFFFEF7, lr;
	s5 =	simm.s32 $0xFFFFFFFF;
	p2 =	slt.u32 s8, $0xFFFFF086  }
0x1c: {  	p1 =	slt.u32 s9, $0xF7A;
	s5 =	simm.s32 @!p2 $0x0  }
0x1d: {  	s5 =	simm.s32 @p1 $0x1;
	p0 =	seq.s32 s7, s2  }
0x1e: {  	s7 =	smul.u32 @!p0 $0xF7A, s2;
	p2 =	seq.s32 @!p0 s5, $0x0  }
0x1f: {  	s9 =	smul.u32 $0xF7A, s1;
	s8 =	simm.s32 @!p0 $0x1BF5;
	p2 =	por !p2, p0  }
0x20: {  	[sflag:s8] =	ssyncset.s32 @!p0 $0xFFFFF086;
	s6 =	sadd.s32 @!p0 s3, s7;
	s7 =	simm.s32 @!p0 $0x108  }
0x21: {  	s3 =	sadd.s32 s3, s9;
	s6 =	sadd.s32 @!p0 $0x88, s6;
	s7 =	simm.s32 @p2 $0x1082  }
0x22: {  	[simem:s7], [sflag:s8] =	dma.local @!p0 [hbm:s6], $0xF7A  }
0x23: {  	s9 =	sor.u32 $0xD0000000, s2;
	s6 =	simm.s32 $0x108;
	_ =	swait.ge @!p0 [sflag:s8], $0x0  }
0x24: {  	s3 =	sadd.s32 $0x88, s3;
	s6 =	simm.s32 @!p1 $0x1082;
	[sflag:s4] =	ssyncset.s32 $0xFFFFF086  }
0x25: {  	[simem:s6], [sflag:s4] =	dma.local [hbm:s3], $0xF7A  }
0x26: {  	[smem:$0x3F99] =	sst s1;
	(tag) =	ssettag s2;
	_ =	strace s9  }
0x27: {  	s1 =	sld [smem:$0x3FA9]  }
0x28: {  	s2 =	sld [smem:$0x3FAA]  }
0x29: {  	s4 =	sld [smem:$0x3FAC]  }
0x2a: {  	p0 =	seq.s32 s5, $0x0;
	s5 =	sld [smem:$0x3FAD]  }
0x2b: {  	s6 =	sld [smem:$0x3FAE]  }
0x2c: {  	s7 =	sld [smem:$0x3FAF]  }
0x2d: {  	s3 =	simm.s32 $0x108;
	s8 =	sld [smem:$0x3FB0]  }
0x2e: {  	s3 =	simm.s32 @!p0 $0x1082;
	s9 =	sld [smem:$0x3FB1]  }
0x2f: {  	lr =	sadd.s32 s0, s3;
	s0 =	sld [smem:$0x3FA8]  }
0x30: {  	s3 =	sld [smem:$0x3FAB]  }
0x31: {  	[smem:$0x3FB4] =	sst s10  }
0x32: {  	s10 =	sld [smem:$0x3FB2];
	_ =	sdelay $0x3  }
0x33: {  	p0 =	seq.s32 s10, $0x1;
	s10 =	sld [smem:$0x3FB4];
	_ =	sdelay $0x3  }
0x34: {  	[smem:$0x3FB4] =	sst s10  }
0x35: {  	s10 =	sld [smem:$0x3FB3];
	_ =	sdelay $0x3  }
0x36: {  	p1 =	seq.s32 s10, $0x1;
	s10 =	sld [smem:$0x3FB4];
	_ =	sdelay $0x3  }
0x37: {  	[smem:$0x3FB4] =	sst s10  }
0x38: {  	s10 =	sld [smem:$0x3FB5]  }
0x39: {  	_ = 	snop;
	(pc) =	sbr.ind lr, $3  }
0x3a: {  	_ = 	snop  }
0x3b: {  	_ = 	snop  }
0x3c: {  	p2 =	seq.s32 s10, $0x1;
	s10 =	sld [smem:$0x3FB4]  }
0x3d: {  	_ =	shalt  }
0x3e: {  	_ =	shalt  }
0x3f: {  	_ =	shalt  }
0x40: {  	_ =	shalt  }
0x41: {  	_ =	shalt  }
0x42: {  	_ =	shalt  }
0x43: {  	_ =	shalt  }
0x44: {  	_ =	shalt  }
0x45: {  	_ =	shalt  }
0x46: {  	_ =	shalt  }
0x47: {  	_ =	shalt  }
0x48: {  	_ =	shalt  }
0x49: {  	_ =	shalt  }
0x4a: {  	_ =	shalt  }
0x4b: {  	_ =	shalt  }
0x4c: {  	_ =	shalt  }
0x4d: {  	_ =	shalt  }
0x4e: {  	_ =	shalt  }
0x4f: {  	_ =	shalt  }
0x50: {  	_ =	shalt  }
0x51: {  	_ =	shalt  }
0x52: {  	_ =	shalt  }
0x53: {  	_ =	shalt  }
0x54: {  	_ =	shalt  }
0x55: {  	_ =	shalt  }
0x56: {  	_ =	shalt  }
0x57: {  	_ =	shalt  }
0x58: {  	_ =	shalt  }
0x59: {  	_ =	shalt  }
0x5a: {  	_ =	shalt  }
0x5b: {  	_ =	shalt  }
0x5c: {  	_ =	shalt  }
0x5d: {  	_ =	shalt  }
0x5e: {  	_ =	shalt  }
0x5f: {  	_ =	shalt  }
0x60: {  	_ =	shalt  }
0x61: {  	_ =	shalt  }
0x62: {  	_ =	shalt  }
0x63: {  	_ =	shalt  }
0x64: {  	_ =	shalt  }
0x65: {  	_ =	shalt  }
0x66: {  	_ =	shalt  }
0x67: {  	_ =	shalt  }
0x68: {  	_ =	shalt  }
0x69: {  	_ =	shalt  }
0x6a: {  	_ =	shalt  }
0x6b: {  	_ =	shalt  }
0x6c: {  	_ =	shalt  }
0x6d: {  	_ =	shalt  }
0x6e: {  	_ =	shalt  }
0x6f: {  	_ =	shalt  }
0x70: {  	_ =	shalt  }
0x71: {  	_ =	shalt  }
0x72: {  	_ =	shalt  }
0x73: {  	_ =	shalt  }
0x74: {  	_ =	shalt  }
0x75: {  	_ =	shalt  }
0x76: {  	_ =	shalt  }
0x77: {  	_ =	shalt  }
0x78: {  	_ =	shalt  }
0x79: {  	_ =	shalt  }
0x7a: {  	_ =	shalt  }
0x7b: {  	_ =	shalt  }
0x7c: {  	_ =	shalt  }
0x7d: {  	_ =	shalt  }
0x7e: {  	_ =	shalt  }
0x7f: {  	_ =	shalt  }
0x80: {  	_ =	shalt  }
0x81: {  	_ =	shalt  }
0x82: {  	_ =	shalt  }
0x83: {  	_ =	shalt  }
0x84: {  	_ =	shalt  }
0x85: {  	_ =	shalt  }
0x86: {  	_ =	shalt  }
0x87: {  	_ =	shalt  }
.Lfunc_end0:
.L_simem_size_0:
called_computation.3_lowered:
.L_overlay_start_0:
0x88: {  	s2 =	sld [smem:$0x3FD9]  }
0x89: {  	s3 =	sld [smem:$0x3FFE];
	_ =	sdelay $0x1  }
0x8a: {  	s1 =	srdreg.scid  }
0x8b: {  	s0 =	sand.u32 $0x1, s1  }
0x8c: {  	s17 =	sshll.u32 s0, $0xA;
	s2 =	sadd.s32 s3, s2  }
0x8d: {  	s2 =	sadd.s32 s2, s17  }
0x8e: {  	[smem:$0x3FC0] =	sst s2  }
0x8f: {  	_ = 	snop  }
0x90: {  	(tm) =	ssettm $0x1  }
0x91: {  	s18 =	sld [smem:$0x3FFB];
	_ =	sdelay $0x3  }
0x92: {  	_ =	strace s18  }
0x93: {  	s2 =	sld [smem:$0x3FFC];
	_ =	sdelay $0x3  }
0x94: {  	_ =	strace s2  }
0x95: {  	s2 =	sld [smem:$0x3FFD];
	_ =	sdelay $0x3  }
0x96: {  	_ =	strace s2  }
0x97: {  	_ =	strace $0x8FFFFFFF  }
0x98: {  	s19 =	sld [smem:$0x3FDB];
	_ =	sdelay $0x1  }
0x99: {  	s20 =	simm.s32 $_scs_section_size  }
0x9a: {  	s4 =	simm.s32 $_size__tile_overlayer_lowered;
	s5 =	simm.s32 $_tile_overlayer_lowered  }
0x9b: {  	s6 =	simm.s32 $0x1BFF;
	s21 =	sshll.u32 s5, $0x1;
	s3 =	sadd.s32 s20, s19  }
0x9c: {  	s22 =	simm.s32 $0x0;
	s4 =	sshll.u32 s4, $0x1;
	s5 =	sadd.s32 s21, s3  }
0x9d: {  	[timem:s22], [sflag:s6] =	dma.local [hbm:s5], s4  }
0x9e: {  	_ =	swait.ge [sflag:s6], s4  }
0x9f: {  	s4 =	ssub.s32 $0x0, s4;
	[sflag:s6] =	ssyncset.done $0x0  }
0xa0: {  	[sflag:s6] =	ssyncadd.s32 s4;
	_ =	sdelay $0x1  }
0xa1: {  	s23 =	simm.s32 $0x1B8B  }
0xa2: {  	_ =	swait.ge [sflag:s23], $0x1  }
0xa3: {  	[sflag:s23] =	ssyncset.done $0x0  }
0xa4: {  	[sflag:s23] =	ssyncadd.s32 $0xFFFFFFFF  }
0xa5: {  	s4 =	sld [smem:$0x0]  }
0xa6: {  	s5 =	sand.u32 $0xFFFFFFFE, s1  }
0xa7: {  	p0 =	sne.s32 s1, s5  }
0xa8: {  	s5 =	sshll.u32 @p0 s5, $0xE  }
0xa9: {  	s5 =	sadd.s32 @p0 $0x11B8D, s5;
	s6 =	sshll.u32 @p0 s4, $0x11  }
0xaa: {  	s5 =	sor.u32 @p0 s6, s5  }
0xab: {  	[sflag:s5] =	ssyncadd.remote.s32 @p0 $0x1;
	_ =	sdelay $0x1  }
0xac: {  	s5 =	simm.s32 @p0 $0x1B8D  }
0xad: {  	_ =	swait.eq @p0 [sflag:s5], $0x1  }
0xae: {  	[sflag:s5] =	ssyncadd.s32 @p0 $0xFFFFFFFF  }
0xaf: {  	s6 =	sshll.u32 @!p0 s1, $0xE  }
0xb0: {  	s6 =	sor.u32 @!p0 $0x4000, s6;
	s5 =	simm.s32 @!p0 $0x1B8D  }
0xb1: {  	s4 =	sshll.u32 @!p0 s4, $0x11;
	s6 =	sadd.s32 @!p0 $0x11B8D, s6;
	_ =	swait.eq @!p0 [sflag:s5], $0x1  }
0xb2: {  	s4 =	sor.u32 @!p0 s4, s6;
	[sflag:s5] =	ssyncadd.s32 @!p0 $0xFFFFFFFF  }
0xb3: {  	s25 =	simm.s32 $0x1B8E;
	s24 =	sld [smem:$0x3FFE];
	[sflag:s4] =	ssyncadd.remote.s32 @!p0 $0x1  }
0xb4: {  	s26 =	simm.s32 $execute0_lowered;
	[smem:$0x3FD2] =	sst s25  }
0xb5: {  	s5 =	sshll.u32 s26, $0x1;
	_ =	strace $0x8000004F;
	[dreg:$0x1] =	wrdreg $0xFFFFFFFF  }
0xb6: {  	s28 =	simm.s32 $_size_execute0_lowered;
	s3 =	sadd.s32 s3, s5;
	[dreg:$0x0] =	wrdreg $0x0  }
0xb7: {  	s5 =	sshll.u32 s28, $0x1;
	[dreg:$0x2] =	wrdreg s3  }
0xb8: {  	[dreg:$0x3] =	wrdreg s5  }
0xb9: {  	[dreg:$0x4] =	wrdreg $0xC0  }
0xba: {  	_ =	task [dreg:s22], $0x5FFFF  }
0xbb: {  	[dreg:$0x1] =	wrdreg $0xFFFFFFFF  }
0xbc: {  	[dreg:$0x0] =	wrdreg $0x60  }
0xbd: {  	[dreg:$0x2] =	wrdreg s24  }
0xbe: {  	[dreg:$0x3] =	wrdreg $0xAE000  }
0xbf: {  	[dreg:$0x4] =	wrdreg $0xA  }
0xc0: {  	_ =	task.clear_ibuf [dreg:s22], $0x5FFFF;
	_ =	strace $0x9000004F  }
0xc1: {  	s29 =	simm.s32 $0xA;
	_ =	strace $0x80000051  }
0xc2: {  	_ =	swait.ge [sflag:s29], $0x1  }
0xc3: {  	[sflag:s29] =	ssyncadd.s32 $0xFFFFFFFF  }
0xc4: {  	_ =	strace $0x90000051  }
0xc5: {  	_ =	sfence  }
0xc6: {  	s30 =	sld [smem:$0x0];
	_ =	sdelay $0x2  }
0xc7: {  	s31 =	sshll.u32 s1, $0xD;
	s1 =	sshrl.u32 s1, $0x2  }
0xc8: {  	s4 =	sand.u32 $0x4000, s31;
	s1 =	sadd.s32 s1, s30  }
0xc9: {  	s0 =	sor.u32 s4, s0;
	s1 =	sshll.u32 s1, $0x11  }
0xca: {  	s0 =	sor.u32 s1, s0  }
0xcb: {  	s0 =	sadd.s32 $0x8F2B, s0  }
0xcc: {  	[sflag:s0] =	ssyncadd.remote.s32 $0x1  }
0xcd: {  	_ =	sfence.sel $0xFFFF  }
0xce: {  	[dreg:$0x0] =	wrdreg $0xFFFFFFFF;
	(pc) =	sbr.abs _section_cstart, $3  }
0xcf: {  	[dreg:$0x1] =	wrdreg $0xFFFFFFFF  }
0xd0: {  	_ =	task.clear_ibuf [dreg:s22], $0x2FFFF;
	_ =	strace $0x9FFFFFFF  }
0xd1: {  	(tm) =	ssettm $0x7FFFFFFF  }
tec
execute0_lowered:
.L_overlay_start_1:
0x0: {  	(tag) =	ssettag $0x1  }
0x1: {  	s5 =	rddreg [dreg:$0x0]  }
0x2: {  	s1 =	rddreg [dreg:$0x1]  }
0x3: {  	s2 =	srdreg.scid;
	s0 =	rddreg [dreg:$0x2]  }
0x4: {  	s3 =	simm.s32 $0x0;
	s12 =	simm.s32 $0x4;
	s13 =	simm.s32 $0x3  }
0x5: {  	s14 =	simm.s32 $0x80;
	s15 =	simm.s32 $0x2800;
	s16 =	simm.s32 $0x2A00  }
0x6: {  	s17 =	simm.s32 $0x2880;
	s18 =	simm.s32 $0x6A00;
	s19 =	simm.s32 $0x1  }
0x7: {  	s20 =	simm.s32 $0x2900;
	s21 =	simm.s32 $0x2;
	s6 =	sand.u32 $0x1, s2  }
0x8: {  	s22 =	simm.s32 $0x2980;
	s2 =	stileid.u32;
	s7 =	smul.u32 $0x13C000, s6  }
0x9: {  	s25 =	simm.s32 $0x0;
	[smem:$0x7FF] =	sst s3;
	s8 =	smul.u32 $0x13C00, s2  }
0xa: {  	s4 =	sshll.u32 s2, $0x1;
	_ =	strace $0x80000050;
	s29 =	smul.u32 $0x4F000, s2  }
0xb: {  	s23 =	sshll.u32 s2, $0x6;
	s9 =	sor.u32 s6, s4;
	s4 =	sadd.s32 $0x35E00, s5  }
0xc: {  	s6 =	ssub.s32 $0x2, s6;
	s23 =	sor.u32 $0x1C04, s23;
	s9 =	smul.u32 $0x280, s9  }
0xd: {  	s7 =	sadd.s32 s8, s7;
	s30 =	sshrl.u32 s6, $0x1;
	s31 =	sshrl.u32 s29, $0x2  }
0xe: {  	s7 =	sshrl.u32 s7, $0x3;
	s11 =	ssub.s32 s6, s30;
	s9 =	sadd.s32 s9, s5  }
0xf: {  	s10 =	sadd.s32 s7, s5;
	s7 =	sadd.s32 s31, s1;
	s5 =	sadd.s32 $0x30E00, s9  }
0x10: {  	s6 =	sadd.s32 $0x2BE00, s9;
	s8 =	sadd.s32 $0x5D600, s10;
	s9 =	smax.u32 s11, $0x1  }
0x11: {  	v0 =	vimm.f32 $0.0e+00;
	s10 =	simm.s32 $0x1400;
	s11 =	simm.s32 $0xAA00;
	s24 =	sshrl.u32 s7, $0x3  }
.LBB2_1:
0x12: {  	[tilespmem:s3], [sflag:$0x3] =	stream.linear.gather [hbm4b:s5+s3], $0x1400, $0x38;
	[tilespmem:$0x1EA00] =	vst v63  }
0x13: {  	_ = 	snop  }
0x14: {  	[tilespmem:s10], [sflag:$0x3] =	stream.linear.gather [hbm4b:s6+s3], $0x1400, $0x38;
	[tilespmem:$0x1EA00] =	vst v63  }
0x15: {  	[tilespmem:$0xAA00] =	vst v0  }
0x16: {  	[tilespmem:$0xAA10] =	vst v0  }
0x17: {  	[tilespmem:$0xAA20] =	vst v0  }
0x18: {  	[tilespmem:$0xAA30] =	vst v0  }
0x19: {  	[tilespmem:$0xAA40] =	vst v0  }
0x1a: {  	[tilespmem:$0xAA50] =	vst v0  }
0x1b: {  	[tilespmem:$0xAA60] =	vst v0  }
0x1c: {  	[tilespmem:$0xAA70] =	vst v0  }
0x1d: {  	[tilespmem:$0xAA80] =	vst v0  }
0x1e: {  	[tilespmem:$0xAA90] =	vst v0  }
0x1f: {  	[tilespmem:$0xAAA0] =	vst v0  }
0x20: {  	[tilespmem:$0xAAB0] =	vst v0  }
0x21: {  	[tilespmem:$0xAAC0] =	vst v0  }
0x22: {  	[tilespmem:$0xAAD0] =	vst v0  }
0x23: {  	[tilespmem:$0xAAE0] =	vst v0  }
0x24: {  	[tilespmem:$0xAAF0] =	vst v0  }
0x25: {  	[tilespmem:$0xAB00] =	vst v0  }
0x26: {  	[tilespmem:$0xAB10] =	vst v0  }
0x27: {  	[tilespmem:$0xAB20] =	vst v0  }
0x28: {  	[tilespmem:$0xAB30] =	vst v0  }
0x29: {  	[tilespmem:$0xAB40] =	vst v0  }
0x2a: {  	[tilespmem:$0xAB50] =	vst v0  }
0x2b: {  	[tilespmem:$0xAB60] =	vst v0  }
0x2c: {  	[tilespmem:$0xAB70] =	vst v0  }
0x2d: {  	[tilespmem:$0xAB80] =	vst v0  }
0x2e: {  	[tilespmem:$0xAB90] =	vst v0  }
0x2f: {  	[tilespmem:$0xABA0] =	vst v0  }
0x30: {  	[tilespmem:$0xABB0] =	vst v0  }
0x31: {  	[tilespmem:$0xABC0] =	vst v0  }
0x32: {  	[tilespmem:$0xABD0] =	vst v0  }
0x33: {  	[tilespmem:$0xABE0] =	vst v0  }
0x34: {  	[tilespmem:$0xABF0] =	vst v0  }
0x35: {  	[tilespmem:$0xAC00] =	vst v0  }
0x36: {  	[tilespmem:$0xAC10] =	vst v0  }
0x37: {  	[tilespmem:$0xAC20] =	vst v0  }
0x38: {  	[tilespmem:$0xAC30] =	vst v0  }
0x39: {  	[tilespmem:$0xAC40] =	vst v0  }
0x3a: {  	[tilespmem:$0xAC50] =	vst v0  }
0x3b: {  	[tilespmem:$0xAC60] =	vst v0  }
0x3c: {  	[tilespmem:$0xAC70] =	vst v0  }
0x3d: {  	[tilespmem:$0xAC80] =	vst v0  }
0x3e: {  	[tilespmem:$0xAC90] =	vst v0  }
0x3f: {  	[tilespmem:$0xACA0] =	vst v0  }
0x40: {  	[tilespmem:$0xACB0] =	vst v0  }
0x41: {  	[tilespmem:$0xACC0] =	vst v0  }
0x42: {  	[tilespmem:$0xACD0] =	vst v0  }
0x43: {  	[tilespmem:$0xACE0] =	vst v0  }
0x44: {  	[tilespmem:$0xACF0] =	vst v0  }
0x45: {  	[tilespmem:$0xAD00] =	vst v0  }
0x46: {  	[tilespmem:$0xAD10] =	vst v0  }
0x47: {  	[tilespmem:$0xAD20] =	vst v0  }
0x48: {  	[tilespmem:$0xAD30] =	vst v0  }
0x49: {  	[tilespmem:$0xAD40] =	vst v0  }
0x4a: {  	[tilespmem:$0xAD50] =	vst v0  }
0x4b: {  	[tilespmem:$0xAD60] =	vst v0  }
0x4c: {  	[tilespmem:$0xAD70] =	vst v0  }
0x4d: {  	[tilespmem:$0xAD80] =	vst v0  }
0x4e: {  	[tilespmem:$0xAD90] =	vst v0  }
0x4f: {  	[tilespmem:$0xADA0] =	vst v0  }
0x50: {  	[tilespmem:$0xADB0] =	vst v0  }
0x51: {  	[tilespmem:$0xADC0] =	vst v0  }
0x52: {  	[tilespmem:$0xADD0] =	vst v0  }
0x53: {  	[tilespmem:$0xADE0] =	vst v0  }
0x54: {  	s26 =	sadd.s32 $0x0, s7;
	[tilespmem:$0xADF0] =	vst v0  }
0x55: {  	[spmem:s26] =	stream.linear.scatter [tilespmem:s11], [sflag:$0x4], $0x400, $0x38;
	[tilespmem:$0x1EA00] =	vst v63  }
0x56: {  	s26 =	simm.s32 $0x1000;
	_ =	swait.ge [sflag:s12], $0x400  }
.LBB2_2:
0x57: {  	s28 =	sshra.s32 s26, $0x2;
	[sflag:s12] =	ssyncset.done $0x0;
	p0 =	sne.s32 s26, $0x4E000  }
.Ltmp0:
0x58: {  	s28 =	sadd.s32 s28, s7;
	[sflag:s12] =	ssyncadd.s32 $0xFFFFFC00;
	(pc) =	sbr.rel @p0 .LBB2_2-.Ltmp0, $3  }
0x59: {  	[spmem:s28] =	stream.linear.scatter [tilespmem:s11], [sflag:$0x4], $0x400, $0x38;
	[tilespmem:$0x1EA00] =	vst v63  }
0x5a: {  	s26 =	sadd.s32 $0x1000, s26;
	_ =	sdelay $0x1  }
0x5b: {  	_ =	swait.ge [sflag:s12], $0x400  }
0x5c: {  	[sflag:s12] =	ssyncset.done $0x0  }
0x5d: {  	[sflag:s12] =	ssyncadd.s32 $0xFFFFFC00  }
0x5e: {  	_ =	swait.ge [sflag:s13], $0x1400  }
0x5f: {  	[sflag:s13] =	ssyncset.done $0x0  }
0x60: {  	[sflag:s13] =	ssyncadd.s32 $0xFFFFEC00  }
0x61: {  	_ =	swait.ge [sflag:s13], $0x1400  }
0x62: {  	[sflag:s13] =	ssyncset.done $0x0  }
0x63: {  	[sflag:s13] =	ssyncadd.s32 $0xFFFFEC00  }
0x64: {  	[bflag:$0x0] =	sbarrier.arrive $0xFFFF  }
0x65: {  	v1 =	vld [tilespmem:$0x0];
	_ =	sdelay $0x1  }
0x66: {  	v2 =	vld [tilespmem:$0x1400];
	_ =	sdelay $0x1  }
0x67: {  	v3 =	vld [tilespmem:$0x10]  }
0x68: {  	v4 =	vand.u32 $0xFFFF, v1  }
0x69: {  	v62 =	vld [tilespmem:$0x1410];
	v1 =	vshrl.u32 v1, $0x10;
	[tilespmem:$0x2800] =	vst v4  }
0x6a: {  	[tilespmem:$0x2810] =	vst v1;
	v1 =	vand.u32 $0xFFFF, v2  }
0x6b: {  	[tilespmem:$0x2900] =	vst v1;
	v1 =	vshrl.u32 v2, $0x10;
	v2 =	vld [tilespmem:$0x20]  }
0x6c: {  	[tilespmem:$0x2910] =	vst v1;
	v1 =	vand.u32 $0xFFFF, v3  }
0x6d: {  	[tilespmem:$0x2820] =	vst v1;
	v1 =	vshrl.u32 v3, $0x10;
	v3 =	vld [tilespmem:$0x1420]  }
0x6e: {  	[tilespmem:$0x2830] =	vst v1;
	v1 =	vand.u32 $0xFFFF, v62  }
0x6f: {  	v63 =	vld [tilespmem:$0x30];
	[tilespmem:$0x2920] =	vst v1;
	v1 =	vshrl.u32 v62, $0x10  }
0x70: {  	[tilespmem:$0x2930] =	vst v1;
	v1 =	vand.u32 $0xFFFF, v2  }
0x71: {  	[tilespmem:$0x2840] =	vst v1;
	v1 =	vshrl.u32 v2, $0x10;
	v2 =	vld [tilespmem:$0x1430]  }
0x72: {  	[tilespmem:$0x2850] =	vst v1;
	v1 =	vand.u32 $0xFFFF, v3  }
0x73: {  	[tilespmem:$0x2940] =	vst v1;
	v1 =	vshrl.u32 v3, $0x10  }
0x74: {  	[tilespmem:$0x2950] =	vst v1;
	v1 =	vand.u32 $0xFFFF, v63  }
0x75: {  	[tilespmem:$0x2860] =	vst v1;
	v1 =	vshrl.u32 v63, $0x10  }
0x76: {  	[tilespmem:$0x2870] =	vst v1;
	v1 =	vand.u32 $0xFFFF, v2  }
0x77: {  	[tilespmem:$0x2960] =	vst v1;
	v1 =	vshrl.u32 v2, $0x10  }
0x78: {  	s26 =	simm.s32 $0x0;
	[tilespmem:$0x2970] =	vst v1  }
0x79: {  	[tilespmem:s16], [sflag:$0x1] =	stream.indirect.gather [hbm4b:s4+s14], $0x80, s15, s14, $0xb8;
	[tilespmem:$0x1EA00] =	vst v63  }
0x7a: {  	v1 =	vld [tilespmem:s26+$0x40];
	_ =	sdelay $0x4  }
0x7b: {  	v2 =	vand.u32 $0xFFFF, v1  }
0x7c: {  	v1 =	vshrl.u32 v1, $0x10;
	[tilespmem:$0x2880] =	vst v2  }
0x7d: {  	[tilespmem:$0x2890] =	vst v1  }
0x7e: {  	v1 =	vld [tilespmem:s26+$0x1440];
	_ =	sdelay $0x4  }
0x7f: {  	v2 =	vand.u32 $0xFFFF, v1  }
0x80: {  	v1 =	vshrl.u32 v1, $0x10;
	[tilespmem:$0x2980] =	vst v2  }
0x81: {  	[tilespmem:$0x2990] =	vst v1  }
0x82: {  	v1 =	vld [tilespmem:s26+$0x50];
	_ =	sdelay $0x4  }
0x83: {  	v2 =	vand.u32 $0xFFFF, v1  }
0x84: {  	v1 =	vshrl.u32 v1, $0x10;
	[tilespmem:$0x28A0] =	vst v2  }
0x85: {  	[tilespmem:$0x28B0] =	vst v1  }
0x86: {  	v1 =	vld [tilespmem:s26+$0x1450];
	_ =	sdelay $0x4  }
0x87: {  	v2 =	vand.u32 $0xFFFF, v1  }
0x88: {  	v1 =	vshrl.u32 v1, $0x10;
	[tilespmem:$0x29A0] =	vst v2  }
0x89: {  	[tilespmem:$0x29B0] =	vst v1  }
0x8a: {  	v1 =	vld [tilespmem:s26+$0x60];
	_ =	sdelay $0x4  }
0x8b: {  	v2 =	vand.u32 $0xFFFF, v1  }
0x8c: {  	v1 =	vshrl.u32 v1, $0x10;
	[tilespmem:$0x28C0] =	vst v2  }
0x8d: {  	[tilespmem:$0x28D0] =	vst v1  }
0x8e: {  	v1 =	vld [tilespmem:s26+$0x1460];
	_ =	sdelay $0x4  }
0x8f: {  	v2 =	vand.u32 $0xFFFF, v1  }
0x90: {  	v1 =	vshrl.u32 v1, $0x10;
	[tilespmem:$0x29C0] =	vst v2  }
0x91: {  	[tilespmem:$0x29D0] =	vst v1  }
0x92: {  	v1 =	vld [tilespmem:s26+$0x70];
	_ =	sdelay $0x4  }
0x93: {  	v2 =	vand.u32 $0xFFFF, v1  }
0x94: {  	v1 =	vshrl.u32 v1, $0x10;
	[tilespmem:$0x28E0] =	vst v2  }
0x95: {  	[tilespmem:$0x28F0] =	vst v1  }
0x96: {  	v1 =	vld [tilespmem:s26+$0x1470];
	_ =	sdelay $0x4  }
0x97: {  	v2 =	vand.u32 $0xFFFF, v1  }
0x98: {  	v1 =	vshrl.u32 v1, $0x10;
	[tilespmem:$0x29E0] =	vst v2  }
0x99: {  	[tilespmem:$0x29F0] =	vst v1  }
0x9a: {  	[tilespmem:s18], [sflag:$0x2] =	stream.indirect.gather [hbm4b:s4+s14], $0x80, s17, s14, $0xb8;
	[tilespmem:$0x1EA00] =	vst v63  }
0x9b: {  	_ =	swait.ge [sflag:s19], $0x4000  }
0x9c: {  	[sflag:s19] =	ssyncset.done $0x0  }
0x9d: {  	[sflag:s19] =	ssyncadd.s32 $0xFFFFC000  }
0x9e: {  	[spmem:s1] =	stream.indirect.scatter.add.f32 [tilespmem:s16], [sflag:$0x4], $0x80, s20, s14, $0xb8;
	[tilespmem:$0x1EA00] =	vst v63  }
0x9f: {  	_ =	swait.ge [sflag:s12], $0x4000  }
0xa0: {  	[sflag:s12] =	ssyncset.done $0x0  }
0xa1: {  	[sflag:s12] =	ssyncadd.s32 $0xFFFFC000  }
0xa2: {  	v1 =	vld [tilespmem:s26+$0x80];
	_ =	sdelay $0x4  }
0xa3: {  	v2 =	vand.u32 $0xFFFF, v1  }
0xa4: {  	v1 =	vshrl.u32 v1, $0x10;
	[tilespmem:$0x2800] =	vst v2  }
0xa5: {  	[tilespmem:$0x2810] =	vst v1  }
0xa6: {  	v1 =	vld [tilespmem:s26+$0x1480];
	_ =	sdelay $0x4  }
0xa7: {  	v2 =	vand.u32 $0xFFFF, v1  }
0xa8: {  	v1 =	vshrl.u32 v1, $0x10;
	[tilespmem:$0x2900] =	vst v2  }
0xa9: {  	[tilespmem:$0x2910] =	vst v1  }
0xaa: {  	v1 =	vld [tilespmem:s26+$0x90];
	_ =	sdelay $0x4  }
0xab: {  	v2 =	vand.u32 $0xFFFF, v1  }
0xac: {  	v1 =	vshrl.u32 v1, $0x10;
	[tilespmem:$0x2820] =	vst v2  }
0xad: {  	[tilespmem:$0x2830] =	vst v1  }
0xae: {  	v1 =	vld [tilespmem:s26+$0x1490];
	_ =	sdelay $0x4  }
0xaf: {  	v2 =	vand.u32 $0xFFFF, v1  }
0xb0: {  	v1 =	vshrl.u32 v1, $0x10;
	[tilespmem:$0x2920] =	vst v2  }
0xb1: {  	[tilespmem:$0x2930] =	vst v1  }
0xb2: {  	v1 =	vld [tilespmem:s26+$0xA0];
	_ =	sdelay $0x4  }
0xb3: {  	v2 =	vand.u32 $0xFFFF, v1  }
0xb4: {  	v1 =	vshrl.u32 v1, $0x10;
	[tilespmem:$0x2840] =	vst v2  }
0xb5: {  	[tilespmem:$0x2850] =	vst v1  }
0xb6: {  	v1 =	vld [tilespmem:s26+$0x14A0];
	_ =	sdelay $0x4  }
0xb7: {  	v2 =	vand.u32 $0xFFFF, v1  }
0xb8: {  	v1 =	vshrl.u32 v1, $0x10;
	[tilespmem:$0x2940] =	vst v2  }
0xb9: {  	[tilespmem:$0x2950] =	vst v1  }
0xba: {  	v1 =	vld [tilespmem:s26+$0xB0];
	_ =	sdelay $0x4  }
0xbb: {  	v2 =	vand.u32 $0xFFFF, v1  }
0xbc: {  	s28 =	simm.s32 $0x200;
	v1 =	vshrl.u32 v1, $0x10;
	[tilespmem:$0x2860] =	vst v2  }
.LBB2_4:
0xbd: {  	p0 =	sne.s32 s28, $0x4C00;
	[tilespmem:$0x2870] =	vst v1;
	s29 =	smov.u32 s28;
	s28 =	sadd.s32 $0x200, s28  }
0xbe: {  	v1 =	vld [tilespmem:s26+$0x14B0];
	_ =	sdelay $0x4  }
0xbf: {  	v2 =	vand.u32 $0xFFFF, v1;
	v1 =	vshrl.u32 v1, $0x10  }
0xc0: {  	[tilespmem:$0x2960] =	vst v2  }
0xc1: {  	[tilespmem:$0x2970] =	vst v1  }
0xc2: {  	[tilespmem:s16], [sflag:$0x1] =	stream.indirect.gather [hbm4b:s4+s14], $0x80, s15, s14, $0xb8;
	[tilespmem:$0x1EA00] =	vst v63  }
0xc3: {  	_ =	swait.ge [sflag:s21], $0x4000  }
0xc4: {  	[sflag:s21] =	ssyncset.done $0x0  }
0xc5: {  	[sflag:s21] =	ssyncadd.s32 $0xFFFFC000  }
0xc6: {  	[spmem:s1] =	stream.indirect.scatter.add.f32 [tilespmem:s18], [sflag:$0x4], $0x80, s22, s14, $0xb8;
	[tilespmem:$0x1EA00] =	vst v63  }
0xc7: {  	_ =	swait.ge [sflag:s12], $0x4000  }
0xc8: {  	[sflag:s12] =	ssyncset.done $0x0  }
0xc9: {  	s26 =	sshra.s32 s29, $0x2;
	[sflag:s12] =	ssyncadd.s32 $0xFFFFC000  }
0xca: {  	v1 =	vld [tilespmem:s26+$0x40];
	_ =	sdelay $0x4  }
0xcb: {  	v2 =	vand.u32 $0xFFFF, v1;
	v1 =	vshrl.u32 v1, $0x10  }
0xcc: {  	[tilespmem:$0x2880] =	vst v2  }
0xcd: {  	[tilespmem:$0x2890] =	vst v1  }
0xce: {  	v1 =	vld [tilespmem:s26+$0x1440];
	_ =	sdelay $0x4  }
0xcf: {  	v2 =	vand.u32 $0xFFFF, v1;
	v1 =	vshrl.u32 v1, $0x10  }
0xd0: {  	[tilespmem:$0x2980] =	vst v2  }
0xd1: {  	[tilespmem:$0x2990] =	vst v1  }
0xd2: {  	v1 =	vld [tilespmem:s26+$0x50];
	_ =	sdelay $0x4  }
0xd3: {  	v2 =	vand.u32 $0xFFFF, v1;
	v1 =	vshrl.u32 v1, $0x10  }
0xd4: {  	[tilespmem:$0x28A0] =	vst v2  }
0xd5: {  	[tilespmem:$0x28B0] =	vst v1  }
0xd6: {  	v1 =	vld [tilespmem:s26+$0x1450];
	_ =	sdelay $0x4  }
0xd7: {  	v2 =	vand.u32 $0xFFFF, v1;
	v1 =	vshrl.u32 v1, $0x10  }
0xd8: {  	[tilespmem:$0x29A0] =	vst v2  }
0xd9: {  	[tilespmem:$0x29B0] =	vst v1  }
0xda: {  	v1 =	vld [tilespmem:s26+$0x60];
	_ =	sdelay $0x4  }
0xdb: {  	v2 =	vand.u32 $0xFFFF, v1;
	v1 =	vshrl.u32 v1, $0x10  }
0xdc: {  	[tilespmem:$0x28C0] =	vst v2  }
0xdd: {  	[tilespmem:$0x28D0] =	vst v1  }
0xde: {  	v1 =	vld [tilespmem:s26+$0x1460];
	_ =	sdelay $0x4  }
0xdf: {  	v2 =	vand.u32 $0xFFFF, v1;
	v1 =	vshrl.u32 v1, $0x10  }
0xe0: {  	[tilespmem:$0x29C0] =	vst v2  }
0xe1: {  	[tilespmem:$0x29D0] =	vst v1  }
0xe2: {  	v1 =	vld [tilespmem:s26+$0x70];
	_ =	sdelay $0x4  }
0xe3: {  	v2 =	vand.u32 $0xFFFF, v1;
	v1 =	vshrl.u32 v1, $0x10  }
0xe4: {  	[tilespmem:$0x28E0] =	vst v2  }
0xe5: {  	[tilespmem:$0x28F0] =	vst v1  }
0xe6: {  	v1 =	vld [tilespmem:s26+$0x1470];
	_ =	sdelay $0x4  }
0xe7: {  	v2 =	vand.u32 $0xFFFF, v1;
	v1 =	vshrl.u32 v1, $0x10  }
0xe8: {  	[tilespmem:$0x29E0] =	vst v2  }
0xe9: {  	[tilespmem:$0x29F0] =	vst v1  }
0xea: {  	[tilespmem:s18], [sflag:$0x2] =	stream.indirect.gather [hbm4b:s4+s14], $0x80, s17, s14, $0xb8;
	[tilespmem:$0x1EA00] =	vst v63  }
0xeb: {  	_ =	swait.ge [sflag:s19], $0x4000  }
0xec: {  	[sflag:s19] =	ssyncset.done $0x0  }
0xed: {  	[sflag:s19] =	ssyncadd.s32 $0xFFFFC000  }
0xee: {  	[spmem:s1] =	stream.indirect.scatter.add.f32 [tilespmem:s16], [sflag:$0x4], $0x80, s20, s14, $0xb8;
	[tilespmem:$0x1EA00] =	vst v63  }
0xef: {  	_ =	swait.ge [sflag:s12], $0x4000  }
0xf0: {  	[sflag:s12] =	ssyncset.done $0x0  }
0xf1: {  	[sflag:s12] =	ssyncadd.s32 $0xFFFFC000  }
0xf2: {  	v1 =	vld [tilespmem:s26+$0x80];
	_ =	sdelay $0x4  }
0xf3: {  	v2 =	vand.u32 $0xFFFF, v1;
	v1 =	vshrl.u32 v1, $0x10  }
0xf4: {  	[tilespmem:$0x2800] =	vst v2  }
0xf5: {  	[tilespmem:$0x2810] =	vst v1  }
0xf6: {  	v1 =	vld [tilespmem:s26+$0x1480];
	_ =	sdelay $0x4  }
0xf7: {  	v2 =	vand.u32 $0xFFFF, v1;
	v1 =	vshrl.u32 v1, $0x10  }
0xf8: {  	[tilespmem:$0x2900] =	vst v2  }
0xf9: {  	[tilespmem:$0x2910] =	vst v1  }
0xfa: {  	v1 =	vld [tilespmem:s26+$0x90];
	_ =	sdelay $0x4  }
0xfb: {  	v2 =	vand.u32 $0xFFFF, v1;
	v1 =	vshrl.u32 v1, $0x10  }
0xfc: {  	[tilespmem:$0x2820] =	vst v2  }
0xfd: {  	[tilespmem:$0x2830] =	vst v1  }
0xfe: {  	v1 =	vld [tilespmem:s26+$0x1490];
	_ =	sdelay $0x4  }
0xff: {  	v2 =	vand.u32 $0xFFFF, v1;
	v1 =	vshrl.u32 v1, $0x10  }
0x100: {  	[tilespmem:$0x2920] =	vst v2  }
0x101: {  	[tilespmem:$0x2930] =	vst v1  }
0x102: {  	v1 =	vld [tilespmem:s26+$0xA0];
	_ =	sdelay $0x4  }
0x103: {  	v2 =	vand.u32 $0xFFFF, v1;
	v1 =	vshrl.u32 v1, $0x10  }
0x104: {  	[tilespmem:$0x2840] =	vst v2  }
0x105: {  	[tilespmem:$0x2850] =	vst v1  }
0x106: {  	v1 =	vld [tilespmem:s26+$0x14A0];
	_ =	sdelay $0x4  }
0x107: {  	v2 =	vand.u32 $0xFFFF, v1;
	v1 =	vshrl.u32 v1, $0x10  }
0x108: {  	[tilespmem:$0x2940] =	vst v2  }
0x109: {  	[tilespmem:$0x2950] =	vst v1  }
0x10a: {  	v1 =	vld [tilespmem:s26+$0xB0];
	_ =	sdelay $0x1  }
.Ltmp1:
0x10b: {  	(pc) =	sbr.rel @p0 .LBB2_4-.Ltmp1, $3  }
0x10c: {  	_ =	sdelay $0x1  }
0x10d: {  	v2 =	vand.u32 $0xFFFF, v1;
	v1 =	vshrl.u32 v1, $0x10  }
0x10e: {  	[tilespmem:$0x2860] =	vst v2  }
0x10f: {  	[tilespmem:$0x2870] =	vst v1  }
0x110: {  	v1 =	vld [tilespmem:s26+$0x14B0];
	_ =	sdelay $0x4  }
0x111: {  	v2 =	vand.u32 $0xFFFF, v1  }
0x112: {  	v1 =	vshrl.u32 v1, $0x10;
	[tilespmem:$0x2960] =	vst v2  }
0x113: {  	[tilespmem:$0x2970] =	vst v1  }
0x114: {  	[tilespmem:s16], [sflag:$0x1] =	stream.indirect.gather [hbm4b:s4+s14], $0x80, s15, s14, $0xb8;
	[tilespmem:$0x1EA00] =	vst v63  }
0x115: {  	_ =	swait.ge [sflag:s21], $0x4000  }
0x116: {  	[sflag:s21] =	ssyncset.done $0x0  }
0x117: {  	[sflag:s21] =	ssyncadd.s32 $0xFFFFC000  }
0x118: {  	[spmem:s1] =	stream.indirect.scatter.add.f32 [tilespmem:s18], [sflag:$0x4], $0x80, s22, s14, $0xb8;
	[tilespmem:$0x1EA00] =	vst v63  }
0x119: {  	_ =	swait.ge [sflag:s12], $0x4000  }
0x11a: {  	[sflag:s12] =	ssyncset.done $0x0  }
0x11b: {  	[sflag:s12] =	ssyncadd.s32 $0xFFFFC000  }
0x11c: {  	v1 =	vld [tilespmem:$0x13C0];
	_ =	sdelay $0x1  }
0x11d: {  	v2 =	vld [tilespmem:$0x27C0];
	_ =	sdelay $0x1  }
0x11e: {  	v3 =	vld [tilespmem:$0x13D0]  }
0x11f: {  	v4 =	vand.u32 $0xFFFF, v1  }
0x120: {  	v62 =	vld [tilespmem:$0x27D0];
	v1 =	vshrl.u32 v1, $0x10;
	[tilespmem:$0x2880] =	vst v4  }
0x121: {  	[tilespmem:$0x2890] =	vst v1;
	v1 =	vand.u32 $0xFFFF, v2  }
0x122: {  	[tilespmem:$0x2980] =	vst v1;
	v1 =	vshrl.u32 v2, $0x10;
	v2 =	vld [tilespmem:$0x13E0]  }
0x123: {  	[tilespmem:$0x2990] =	vst v1;
	v1 =	vand.u32 $0xFFFF, v3  }
0x124: {  	[tilespmem:$0x28A0] =	vst v1;
	v1 =	vshrl.u32 v3, $0x10;
	v3 =	vld [tilespmem:$0x27E0]  }
0x125: {  	[tilespmem:$0x28B0] =	vst v1;
	v1 =	vand.u32 $0xFFFF, v62  }
0x126: {  	v63 =	vld [tilespmem:$0x13F0];
	[tilespmem:$0x29A0] =	vst v1;
	v1 =	vshrl.u32 v62, $0x10  }
0x127: {  	[tilespmem:$0x29B0] =	vst v1;
	v1 =	vand.u32 $0xFFFF, v2  }
0x128: {  	[tilespmem:$0x28C0] =	vst v1;
	v1 =	vshrl.u32 v2, $0x10;
	v2 =	vld [tilespmem:$0x27F0]  }
0x129: {  	[tilespmem:$0x28D0] =	vst v1;
	v1 =	vand.u32 $0xFFFF, v3  }
0x12a: {  	[tilespmem:$0x29C0] =	vst v1;
	v1 =	vshrl.u32 v3, $0x10  }
0x12b: {  	[tilespmem:$0x29D0] =	vst v1;
	v1 =	vand.u32 $0xFFFF, v63  }
0x12c: {  	[tilespmem:$0x28E0] =	vst v1;
	v1 =	vshrl.u32 v63, $0x10  }
0x12d: {  	[tilespmem:$0x28F0] =	vst v1;
	v1 =	vand.u32 $0xFFFF, v2  }
0x12e: {  	[tilespmem:$0x29E0] =	vst v1;
	v1 =	vshrl.u32 v2, $0x10  }
0x12f: {  	[tilespmem:$0x29F0] =	vst v1  }
0x130: {  	[tilespmem:s18], [sflag:$0x2] =	stream.indirect.gather [hbm4b:s4+s14], $0x80, s17, s14, $0xb8;
	[tilespmem:$0x1EA00] =	vst v63  }
0x131: {  	_ =	swait.ge [sflag:s19], $0x4000  }
0x132: {  	[sflag:s19] =	ssyncset.done $0x0  }
0x133: {  	[sflag:s19] =	ssyncadd.s32 $0xFFFFC000  }
0x134: {  	[spmem:s1] =	stream.indirect.scatter.add.f32 [tilespmem:s16], [sflag:$0x4], $0x80, s20, s14, $0xb8;
	[tilespmem:$0x1EA00] =	vst v63  }
0x135: {  	_ =	swait.ge [sflag:s12], $0x4000  }
0x136: {  	[sflag:s12] =	ssyncset.done $0x0  }
0x137: {  	[sflag:s12] =	ssyncadd.s32 $0xFFFFC000  }
0x138: {  	_ =	swait.ge [sflag:s21], $0x4000  }
0x139: {  	[sflag:s21] =	ssyncset.done $0x0  }
0x13a: {  	[sflag:s21] =	ssyncadd.s32 $0xFFFFC000  }
0x13b: {  	[spmem:s1] =	stream.indirect.scatter.add.f32 [tilespmem:s18], [sflag:$0x4], $0x80, s22, s14, $0xb8;
	[tilespmem:$0x1EA00] =	vst v63  }
0x13c: {  	_ =	swait.ge [sflag:s12], $0x4000  }
0x13d: {  	s25 =	sadd.s32 $0x1, s25;
	[sflag:s12] =	ssyncset.done $0x0  }
0x13e: {  	p0 =	sne.s32 s25, s9;
	[sflag:s12] =	ssyncadd.s32 $0xFFFFC000  }
.Ltmp2:
0x13f: {  	[bflag:$0x0] =	sbarrier.arrive $0xFFFF;
	(pc) =	sbr.rel @p0 .LBB2_1-.Ltmp2, $4  }
0x140: {  	[hbm:s8], [sflag:s23] =	dma.local [spmem:s24], $0x2780  }
0x141: {  	_ =	swait.ge [sflag:s12], $0x2780  }
0x142: {  	[sflag:s12] =	ssyncset.done $0x0  }
0x143: {  	[sflag:s12] =	ssyncadd.s32 $0xFFFFD880  }
0x144: {  	_ =	sfence.sel $0x180000  }
0x145: {  	[bflag:$0x0] =	sbarrier.arrive $0xFFFF  }
0x146: {  	p0 =	sne.s32 s2, $0x0;
	_ =	strace $0x90000050  }
0x147: {  	s0 =	sadd.s32 @!p0 $0x100000, s0;
	[bflag:$0x2] =	sbarrier.arrive $0xFFFF  }
0x148: {  	[sflag:s0] =	ssyncadd.tile.s32 @!p0 $0x1;
	_ =	shalt  }
.Lfunc_end2:
_tile_overlayer_lowered:
.L_overlay_start_2:
0x149: {  	(tag) =	ssettag $0x2  }
0x14a: {  	s0 =	rddreg [dreg:$0x0];
	s2 =	stileid.u32  }
0x14b: {  	s1 =	rddreg [dreg:$0x1];
	p0 =	sne.s32 s2, $0x0  }
0x14c: {  	s3 =	rddreg [dreg:$0x2];
	[bflag:$0x3] =	sbarrier.arrive $0xFFFF;
	s2 =	simm.s32 @!p0 $0x1C04  }
0x14d: {  	[timem:s3], [sflag:s2] =	dma.local @!p0 [hbm:s0], s1  }
0x14e: {  	s0 =	simm.s32 @!p0 $0x4  }
0x14f: {  	_ =	swait.ge @!p0 [sflag:s0], s1  }
0x150: {  	s1 =	ssub.s32 @!p0 $0x0, s1;
	[sflag:s0] =	ssyncset.done @!p0 $0x0  }
0x151: {  	[sflag:s0] =	ssyncadd.s32 @!p0 s1  }
0x152: {  	[bflag:$0x3] =	sbarrier.arrive $0xFFFF  }
0x153: {  	_ =	shalt  }

// kernel: _run.9.cloned.1.call-start
scs
__scs_entry_jumppad:
0x0: {  	(pc) =	sbr.rel $0x88, $3  }
0x1: {  	(tag) =	ssettag $0x0;
	lr =	simm.s32 $0x1  }
0x2: {  	[smem:$0x3F99] =	sst lr;
	_ =	strace $0xD0000000  }
0x3: {  	_ = 	snop  }
0x4: {  	_ = 	snop  }
0x5: {  	_ = 	snop  }
0x6: {  	_ = 	snop  }
0x7: {  	_ = 	snop  }
__scs_overlays_trampoline_lowered:
0x8: {  	[smem:$0x3FA8] =	sst s0  }
0x9: {  	[smem:$0x3FA9] =	sst s1  }
0xa: {  	[smem:$0x3FAA] =	sst s2  }
0xb: {  	[smem:$0x3FAB] =	sst s3  }
0xc: {  	[smem:$0x3FAC] =	sst s4  }
0xd: {  	[smem:$0x3FAD] =	sst s5  }
0xe: {  	[smem:$0x3FAE] =	sst s6  }
0xf: {  	[smem:$0x3FAF] =	sst s7  }
0x10: {  	[smem:$0x3FB0] =	sst s8  }
0x11: {  	[smem:$0x3FB1] =	sst s9;
	s0 =	simm.s32 @!p0 $0x0  }
0x12: {  	s1 =	sld [smem:$0x3F97];
	s0 =	simm.s32 @p0 $0x1  }
0x13: {  	[smem:$0x3FB2] =	sst s0;
	s0 =	simm.s32 @!p1 $0x0  }
0x14: {  	s2 =	sld [smem:$0x3F96];
	s0 =	simm.s32 @p1 $0x1  }
0x15: {  	[smem:$0x3FB3] =	sst s0;
	s0 =	simm.s32 @!p2 $0x0  }
0x16: {  	s3 =	sld [smem:$0x3FDB];
	s0 =	simm.s32 @p2 $0x1  }
0x17: {  	s4 =	simm.s32 $0x1BF5;
	[smem:$0x3FB5] =	sst s0  }
0x18: {  	s0 =	sld [smem:$0x3F98];
	_ =	swait.ge [sflag:s4], $0x0  }
0x19: {  	s7 =	sld [smem:$0x3F99]  }
0x1a: {  	s8 =	sadd.s32 $0xFFFFE003, lr  }
0x1b: {  	s9 =	sadd.s32 $0xFFFFFEF7, lr;
	s5 =	simm.s32 $0xFFFFFFFF;
	p2 =	slt.u32 s8, $0xFFFFF086  }
0x1c: {  	p1 =	slt.u32 s9, $0xF7A;
	s5 =	simm.s32 @!p2 $0x0  }
0x1d: {  	s5 =	simm.s32 @p1 $0x1;
	p0 =	seq.s32 s7, s2  }
0x1e: {  	s7 =	smul.u32 @!p0 $0xF7A, s2;
	p2 =	seq.s32 @!p0 s5, $0x0  }
0x1f: {  	s9 =	smul.u32 $0xF7A, s1;
	s8 =	simm.s32 @!p0 $0x1BF5;
	p2 =	por !p2, p0  }
0x20: {  	[sflag:s8] =	ssyncset.s32 @!p0 $0xFFFFF086;
	s6 =	sadd.s32 @!p0 s3, s7;
	s7 =	simm.s32 @!p0 $0x108  }
0x21: {  	s3 =	sadd.s32 s3, s9;
	s6 =	sadd.s32 @!p0 $0x88, s6;
	s7 =	simm.s32 @p2 $0x1082  }
0x22: {  	[simem:s7], [sflag:s8] =	dma.local @!p0 [hbm:s6], $0xF7A  }
0x23: {  	s9 =	sor.u32 $0xD0000000, s2;
	s6 =	simm.s32 $0x108;
	_ =	swait.ge @!p0 [sflag:s8], $0x0  }
0x24: {  	s3 =	sadd.s32 $0x88, s3;
	s6 =	simm.s32 @!p1 $0x1082;
	[sflag:s4] =	ssyncset.s32 $0xFFFFF086  }
0x25: {  	[simem:s6], [sflag:s4] =	dma.local [hbm:s3], $0xF7A  }
0x26: {  	[smem:$0x3F99] =	sst s1;
	(tag) =	ssettag s2;
	_ =	strace s9  }
0x27: {  	s1 =	sld [smem:$0x3FA9]  }
0x28: {  	s2 =	sld [smem:$0x3FAA]  }
0x29: {  	s4 =	sld [smem:$0x3FAC]  }
0x2a: {  	p0 =	seq.s32 s5, $0x0;
	s5 =	sld [smem:$0x3FAD]  }
0x2b: {  	s6 =	sld [smem:$0x3FAE]  }
0x2c: {  	s7 =	sld [smem:$0x3FAF]  }
0x2d: {  	s3 =	simm.s32 $0x108;
	s8 =	sld [smem:$0x3FB0]  }
0x2e: {  	s3 =	simm.s32 @!p0 $0x1082;
	s9 =	sld [smem:$0x3FB1]  }
0x2f: {  	lr =	sadd.s32 s0, s3;
	s0 =	sld [smem:$0x3FA8]  }
0x30: {  	s3 =	sld [smem:$0x3FAB]  }
0x31: {  	[smem:$0x3FB4] =	sst s10  }
0x32: {  	s10 =	sld [smem:$0x3FB2];
	_ =	sdelay $0x3  }
0x33: {  	p0 =	seq.s32 s10, $0x1;
	s10 =	sld [smem:$0x3FB4];
	_ =	sdelay $0x3  }
0x34: {  	[smem:$0x3FB4] =	sst s10  }
0x35: {  	s10 =	sld [smem:$0x3FB3];
	_ =	sdelay $0x3  }
0x36: {  	p1 =	seq.s32 s10, $0x1;
	s10 =	sld [smem:$0x3FB4];
	_ =	sdelay $0x3  }
0x37: {  	[smem:$0x3FB4] =	sst s10  }
0x38: {  	s10 =	sld [smem:$0x3FB5]  }
0x39: {  	_ = 	snop;
	(pc) =	sbr.ind lr, $3  }
0x3a: {  	_ = 	snop  }
0x3b: {  	_ = 	snop  }
0x3c: {  	p2 =	seq.s32 s10, $0x1;
	s10 =	sld [smem:$0x3FB4]  }
0x3d: {  	_ =	shalt  }
0x3e: {  	_ =	shalt  }
0x3f: {  	_ =	shalt  }
0x40: {  	_ =	shalt  }
0x41: {  	_ =	shalt  }
0x42: {  	_ =	shalt  }
0x43: {  	_ =	shalt  }
0x44: {  	_ =	shalt  }
0x45: {  	_ =	shalt  }
0x46: {  	_ =	shalt  }
0x47: {  	_ =	shalt  }
0x48: {  	_ =	shalt  }
0x49: {  	_ =	shalt  }
0x4a: {  	_ =	shalt  }
0x4b: {  	_ =	shalt  }
0x4c: {  	_ =	shalt  }
0x4d: {  	_ =	shalt  }
0x4e: {  	_ =	shalt  }
0x4f: {  	_ =	shalt  }
0x50: {  	_ =	shalt  }
0x51: {  	_ =	shalt  }
0x52: {  	_ =	shalt  }
0x53: {  	_ =	shalt  }
0x54: {  	_ =	shalt  }
0x55: {  	_ =	shalt  }
0x56: {  	_ =	shalt  }
0x57: {  	_ =	shalt  }
0x58: {  	_ =	shalt  }
0x59: {  	_ =	shalt  }
0x5a: {  	_ =	shalt  }
0x5b: {  	_ =	shalt  }
0x5c: {  	_ =	shalt  }
0x5d: {  	_ =	shalt  }
0x5e: {  	_ =	shalt  }
0x5f: {  	_ =	shalt  }
0x60: {  	_ =	shalt  }
0x61: {  	_ =	shalt  }
0x62: {  	_ =	shalt  }
0x63: {  	_ =	shalt  }
0x64: {  	_ =	shalt  }
0x65: {  	_ =	shalt  }
0x66: {  	_ =	shalt  }
0x67: {  	_ =	shalt  }
0x68: {  	_ =	shalt  }
0x69: {  	_ =	shalt  }
0x6a: {  	_ =	shalt  }
0x6b: {  	_ =	shalt  }
0x6c: {  	_ =	shalt  }
0x6d: {  	_ =	shalt  }
0x6e: {  	_ =	shalt  }
0x6f: {  	_ =	shalt  }
0x70: {  	_ =	shalt  }
0x71: {  	_ =	shalt  }
0x72: {  	_ =	shalt  }
0x73: {  	_ =	shalt  }
0x74: {  	_ =	shalt  }
0x75: {  	_ =	shalt  }
0x76: {  	_ =	shalt  }
0x77: {  	_ =	shalt  }
0x78: {  	_ =	shalt  }
0x79: {  	_ =	shalt  }
0x7a: {  	_ =	shalt  }
0x7b: {  	_ =	shalt  }
0x7c: {  	_ =	shalt  }
0x7d: {  	_ =	shalt  }
0x7e: {  	_ =	shalt  }
0x7f: {  	_ =	shalt  }
0x80: {  	_ =	shalt  }
0x81: {  	_ =	shalt  }
0x82: {  	_ =	shalt  }
0x83: {  	_ =	shalt  }
0x84: {  	_ =	shalt  }
0x85: {  	_ =	shalt  }
0x86: {  	_ =	shalt  }
0x87: {  	_ =	shalt  }
.Lfunc_end0:
.L_simem_size_0:
called_computation_lowered:
.L_overlay_start_0:
0x88: {  	s2 =	sld [smem:$0x3FD9]  }
0x89: {  	s3 =	sld [smem:$0x3FFE];
	_ =	sdelay $0x1  }
0x8a: {  	s1 =	srdreg.scid  }
0x8b: {  	s0 =	sand.u32 $0x1, s1  }
0x8c: {  	s16 =	sshll.u32 s0, $0xA;
	s2 =	sadd.s32 s3, s2  }
0x8d: {  	s2 =	sadd.s32 s2, s16  }
0x8e: {  	[smem:$0x3FC0] =	sst s2  }
0x8f: {  	_ = 	snop  }
0x90: {  	(tm) =	ssettm $0x1  }
0x91: {  	s17 =	sld [smem:$0x3FFB];
	_ =	sdelay $0x3  }
0x92: {  	_ =	strace s17  }
0x93: {  	s2 =	sld [smem:$0x3FFC];
	_ =	sdelay $0x3  }
0x94: {  	_ =	strace s2  }
0x95: {  	s2 =	sld [smem:$0x3FFD];
	_ =	sdelay $0x3  }
0x96: {  	_ =	strace s2  }
0x97: {  	_ =	strace $0x8FFFFFFF  }
0x98: {  	s18 =	sld [smem:$0x3FDB];
	_ =	sdelay $0x1  }
0x99: {  	s19 =	simm.s32 $_scs_section_size  }
0x9a: {  	s4 =	simm.s32 $_size__tile_overlayer_lowered;
	s5 =	simm.s32 $_tile_overlayer_lowered  }
0x9b: {  	s22 =	simm.s32 $0x1BFF;
	s21 =	sshll.u32 s5, $0x1;
	s2 =	sadd.s32 s19, s18  }
0x9c: {  	s6 =	simm.s32 $0x0;
	s20 =	sshll.u32 s4, $0x1;
	s4 =	sadd.s32 s21, s2  }
0x9d: {  	[timem:s6], [sflag:s22] =	dma.local [hbm:s4], s20  }
0x9e: {  	_ =	swait.ge [sflag:s22], s20  }
0x9f: {  	s3 =	ssub.s32 $0x0, s20;
	[sflag:s22] =	ssyncset.done $0x0  }
0xa0: {  	[sflag:s22] =	ssyncadd.s32 s3;
	_ =	sdelay $0x1  }
0xa1: {  	s23 =	simm.s32 $0x1B8B  }
0xa2: {  	_ =	swait.ge [sflag:s23], $0x1  }
0xa3: {  	[sflag:s23] =	ssyncset.done $0x0  }
0xa4: {  	s25 =	simm.s32 $0x1B8E;
	s24 =	sld [smem:$0x3FFE];
	[sflag:s23] =	ssyncadd.s32 $0xFFFFFFFF  }
0xa5: {  	s26 =	simm.s32 $execute0_lowered;
	[smem:$0x3FD2] =	sst s25  }
0xa6: {  	s4 =	sshll.u32 s26, $0x1;
	_ =	strace $0x80000046;
	[dreg:$0x1] =	wrdreg $0xFFFFFFFF  }
0xa7: {  	s28 =	simm.s32 $_size_execute0_lowered;
	s2 =	sadd.s32 s2, s4;
	[dreg:$0x0] =	wrdreg $0x0  }
0xa8: {  	s4 =	sshll.u32 s28, $0x1;
	[dreg:$0x2] =	wrdreg s2  }
0xa9: {  	[dreg:$0x3] =	wrdreg s4  }
0xaa: {  	[dreg:$0x4] =	wrdreg $0xC0  }
0xab: {  	_ =	task [dreg:s6], $0x5FFFF  }
0xac: {  	[dreg:$0x1] =	wrdreg $0xFFFFFFFF  }
0xad: {  	[dreg:$0x0] =	wrdreg $0x60  }
0xae: {  	[dreg:$0x2] =	wrdreg s24  }
0xaf: {  	[dreg:$0x3] =	wrdreg $0x9  }
0xb0: {  	_ =	task.clear_ibuf [dreg:s6], $0x4FFFF;
	_ =	strace $0x90000046  }
0xb1: {  	s29 =	simm.s32 $0x9;
	_ =	strace $0x80000048  }
0xb2: {  	_ =	swait.ge [sflag:s29], $0x1  }
0xb3: {  	[sflag:s29] =	ssyncadd.s32 $0xFFFFFFFF  }
0xb4: {  	_ =	strace $0x90000048  }
0xb5: {  	_ =	sfence  }
0xb6: {  	s30 =	sld [smem:$0x0];
	_ =	sdelay $0x2  }
0xb7: {  	s31 =	sshll.u32 s1, $0xD;
	s1 =	sshrl.u32 s1, $0x2  }
0xb8: {  	s3 =	sand.u32 $0x4000, s31;
	s1 =	sadd.s32 s1, s30  }
0xb9: {  	s0 =	sor.u32 s3, s0;
	s1 =	sshll.u32 s1, $0x11  }
0xba: {  	s0 =	sor.u32 s1, s0  }
0xbb: {  	s0 =	sadd.s32 $0x8F2B, s0  }
0xbc: {  	[sflag:s0] =	ssyncadd.remote.s32 $0x1  }
0xbd: {  	_ =	sfence.sel $0xFFFF  }
0xbe: {  	[dreg:$0x0] =	wrdreg $0xFFFFFFFF;
	(pc) =	sbr.abs _section_cstart, $3  }
0xbf: {  	[dreg:$0x1] =	wrdreg $0xFFFFFFFF  }
0xc0: {  	_ =	task.clear_ibuf [dreg:s6], $0x2FFFF;
	_ =	strace $0x9FFFFFFF  }
0xc1: {  	(tm) =	ssettm $0x7FFFFFFF  }
tec
execute0_lowered:
.L_overlay_start_1:
0x0: {  	(tag) =	ssettag $0x1  }
0x1: {  	s1 =	srdreg.scid  }
0x2: {  	s0 =	stileid.u32;
	s3 =	rddreg [dreg:$0x0];
	s8 =	simm.s32 $0x1  }
0x3: {  	s9 =	simm.s32 $0x2780;
	s10 =	simm.s32 $0x4F00;
	s11 =	simm.s32 $0x7700  }
0x4: {  	s12 =	simm.s32 $0x80;
	s13 =	simm.s32 $0x400;
	s14 =	simm.s32 $0x0  }
0x5: {  	s4 =	sand.u32 $0x1, s1;
	s2 =	sshll.u32 s0, $0x1;
	s1 =	rddreg [dreg:$0x1]  }
0x6: {  	s6 =	sshrl.u32 s0, $0x2;
	s5 =	sor.u32 s4, s2;
	s2 =	simm.s32 $0x0  }
0x7: {  	s6 =	smul.u32 $0x14000, s6;
	s4 =	ssub.s32 $0x2, s4;
	s7 =	sshll.u32 s5, $0x7  }
0x8: {  	[smem:$0x7FF] =	sst s2;
	s5 =	smul.u32 $0x4E2, s5;
	s7 =	sand.u32 $0x380, s7  }
0x9: {  	s31 =	sshrl.u32 s4, $0x1;
	_ =	strace $0x80000047;
	s6 =	sor.u32 s6, s7  }
0xa: {  	s5 =	sadd.s32 s5, s3;
	s7 =	ssub.s32 s4, s31;
	s6 =	sshrl.u32 s6, $0x3  }
0xb: {  	s4 =	sadd.s32 $0x4200, s5;
	s7 =	smax.u32 s7, $0x1;
	s6 =	sadd.s32 s6, s3  }
0xc: {  	v0 =	vimm.f32 $0.0e+00;
	v1 =	vimm.f32 $1.000000000e+00;
	s3 =	sadd.s32 $0xE000, s5;
	s5 =	sadd.s32 $0x17E00, s6;
	s6 =	sadd.s32 $0x21E00, s6  }
.LBB2_1:
0xd: {  	[tilespmem:s2], [sflag:$0x1] =	stream.linear.gather [hbm4b:s3+s2], $0x2710, $0x38;
	[tilespmem:$0x9F00] =	vst v63  }
0xe: {  	_ =	swait.ge [sflag:s8], $0x2710  }
0xf: {  	[sflag:s8] =	ssyncset.done $0x0  }
0x10: {  	[sflag:s8] =	ssyncadd.s32 $0xFFFFD8F0  }
0x11: {  	[tilespmem:s9], [sflag:$0x1] =	stream.linear.gather [hbm4b:s4+s2], $0x2710, $0x38;
	[tilespmem:$0x9F00] =	vst v63  }
0x12: {  	_ =	swait.ge [sflag:s8], $0x2710  }
0x13: {  	[sflag:s8] =	ssyncset.done $0x0  }
0x14: {  	s15 =	simm.s32 $0x0;
	[sflag:s8] =	ssyncadd.s32 $0xFFFFD8F0  }
.LBB2_2:
0x15: {  	p0 =	sne.s32 s15, $0x9FC0  }
.Ltmp0:
0x16: {  	_ = 	snop;
	(pc) =	sbr.rel @p0 .LBB2_2-.Ltmp0, $4  }
0x17: {  	_ = 	snop  }
0x18: {  	s16 =	sshra.s32 s15, $0x2  }
0x19: {  	[tilespmem:s16+$0x4F00] =	vst v0  }
0x1a: {  	s15 =	sadd.s32 $0x40, s15;
	[tilespmem:s16+$0x7700] =	vst v0  }
0x1b: {  	s16 =	simm.s32 $0x0  }
0x1c: {  	s15 =	simm.s32 $0x40;
	v2 =	vld [tilespmem:s16+$0x0]  }
.LBB2_4:
0x1d: {  	p0 =	sne.s32 s15, $0x9C00;
	v3 =	vld [tilespmem:s16+$0x2780];
	_ =	sdelay $0x4  }
.Ltmp1:
0x1e: {  	(pc) =	sbr.rel @p0 .LBB2_4-.Ltmp1, $4  }
0x1f: {  	_ = 	snop  }
0x20: {  	[tilespmem:v2+s10+$0x0] =	vst.idx.add.f32.msk $0xffff, v1  }
0x21: {  	s16 =	sshra.s32 s15, $0x2;
	[tilespmem:v3+s11+$0x0] =	vst.idx.add.f32.msk $0xffff, v1  }
0x22: {  	s15 =	sadd.s32 $0x40, s15;
	v2 =	vld [tilespmem:s16+$0x0]  }
0x23: {  	_ = 	snop  }
0x24: {  	v3 =	vld [tilespmem:s16+$0x2780];
	_ =	sdelay $0x6  }
0x25: {  	[tilespmem:v2+s10+$0x0] =	vst.idx.add.f32.msk $0xffff, v1  }
0x26: {  	[tilespmem:v3+s11+$0x0] =	vst.idx.add.f32.msk $0xffff, v1  }
0x27: {  	[hbm4b:s5+s12] =	stream.strided.scatter [tilespmem:s10], [sflag:$0x1], $0x2800, s13, s12, $0x38;
	[tilespmem:$0x9F00] =	vst v63  }
0x28: {  	s14 =	sadd.s32 $0x1, s14;
	_ =	swait.ge [sflag:s8], $0x2800  }
0x29: {  	p0 =	sne.s32 s14, s7;
	[sflag:s8] =	ssyncset.done $0x0  }
.Ltmp2:
0x2a: {  	[sflag:s8] =	ssyncadd.s32 $0xFFFFD800;
	(pc) =	sbr.rel @p0 .LBB2_1-.Ltmp2, $4  }
0x2b: {  	[hbm4b:s6+s12] =	stream.strided.scatter [tilespmem:s11], [sflag:$0x1], $0x2800, s13, s12, $0x38;
	[tilespmem:$0x9F00] =	vst v63  }
0x2c: {  	_ =	swait.ge [sflag:s8], $0x2800  }
0x2d: {  	[sflag:s8] =	ssyncset.done $0x0  }
0x2e: {  	[sflag:s8] =	ssyncadd.s32 $0xFFFFD800  }
0x2f: {  	_ =	sfence.sel $0x180000  }
0x30: {  	[bflag:$0x0] =	sbarrier.arrive $0xFFFF  }
0x31: {  	p0 =	sne.s32 s0, $0x0;
	_ =	strace $0x90000047  }
0x32: {  	s0 =	sadd.s32 @!p0 $0x100000, s1;
	[bflag:$0x2] =	sbarrier.arrive $0xFFFF  }
0x33: {  	[sflag:s0] =	ssyncadd.tile.s32 @!p0 $0x1;
	_ =	shalt  }
.Lfunc_end2:
_tile_overlayer_lowered:
.L_overlay_start_2:
0x34: {  	(tag) =	ssettag $0x2  }
0x35: {  	s0 =	rddreg [dreg:$0x0];
	s2 =	stileid.u32  }
0x36: {  	s1 =	rddreg [dreg:$0x1];
	p0 =	sne.s32 s2, $0x0  }
0x37: {  	s3 =	rddreg [dreg:$0x2];
	[bflag:$0x3] =	sbarrier.arrive $0xFFFF;
	s2 =	simm.s32 @!p0 $0x1C01  }
0x38: {  	[timem:s3], [sflag:s2] =	dma.local @!p0 [hbm:s0], s1  }
0x39: {  	s0 =	simm.s32 @!p0 $0x1  }
0x3a: {  	_ =	swait.ge @!p0 [sflag:s0], s1  }
0x3b: {  	s1 =	ssub.s32 @!p0 $0x0, s1;
	[sflag:s0] =	ssyncset.done @!p0 $0x0  }
0x3c: {  	[sflag:s0] =	ssyncadd.s32 @!p0 s1  }
0x3d: {  	[bflag:$0x3] =	sbarrier.arrive $0xFFFF  }
0x3e: {  	_ =	shalt  }

</sc_bundles>
